<compile_context>
chip_gen: v7x
topology: tpu7x:2x2x1
jax: 0.10.2.dev20260603
libtpu: 0.0.44.dev20260713+nightly
codegen_flags: <defaults>
</compile_context>

<pallas_src>
import functools

import jax
import jax.numpy as jnp
from jax import lax
from jax.experimental import pallas as pl
from jax.experimental.pallas import tpu as pltpu
from jax.experimental.pallas import tpu_sc as plsc

N = 10000
NP = 10240
E = 320000
D_IN = 128
H = 16
OUT = 2
G = 64

NC = 2
NS = 16
NW = NC * NS

CE = 8192
EP2 = 163840
NCHE = EP2 // CE
EPAD2 = EP2 - E // NC
_UNROLL = 8

_MESH = plsc.VectorSubcoreMesh(core_axis_name="c", subcore_axis_name="s")


@functools.partial(
    pl.kernel,
    mesh=_MESH,
    out_type=jax.ShapeDtypeStruct((NC * NS * NP,), jnp.float32),
    compiler_params=pltpu.CompilerParams(needs_layout_passes=False),
    scratch_types=[
        pltpu.VMEM((EP2 // NS,), jnp.int32),
        pltpu.VMEM((NP,), jnp.float32),
        pltpu.SemaphoreType.DMA,
    ],
)
def _deg_sc(dst_hbm, out_hbm, dst_v, acc, sem):
    c = lax.axis_index("c")
    s = lax.axis_index("s")
    ebase = pl.multiple_of(c * EP2 + s * (EP2 // NS), 8)
    d = pltpu.async_copy(dst_hbm.at[pl.ds(ebase, EP2 // NS)], dst_v, sem)

    def zrow(i, carry):
        acc[pl.ds(i * 16, 16)] = jnp.zeros((16,), jnp.float32)
        return carry
    lax.fori_loop(0, NP // 16, zrow, 0)
    d.wait()

    ones = jnp.ones((16,), jnp.float32)

    def body(j, carry):
        for t in range(_UNROLL):
            didx = dst_v[pl.ds(j * (16 * _UNROLL) + t * 16, 16)]
            plsc.addupdate_scatter(acc, [didx], ones)
        return carry
    lax.fori_loop(0, (EP2 // NS) // (16 * _UNROLL), body, 0)

    pltpu.sync_copy(acc, out_hbm.at[pl.ds(pl.multiple_of((c * NS + s) * NP, 8), NP)])


_PROP_SCRATCH = [
    pltpu.VMEM((CE,), jnp.int32),
    pltpu.VMEM((CE,), jnp.int32),
    pltpu.VMEM((CE,), jnp.int32),
    pltpu.VMEM((CE,), jnp.int32),
    pltpu.VMEM((NP,), jnp.float32),
    pltpu.VMEM((NP,), jnp.float32),
    pltpu.SemaphoreType.DMA,
]


@functools.partial(
    pl.kernel,
    mesh=_MESH,
    out_type=jax.ShapeDtypeStruct((NC * H * NP,), jnp.float32),
    compiler_params=pltpu.CompilerParams(needs_layout_passes=False),
    scratch_types=_PROP_SCRATCH,
)
def _prop_sc(u_hbm, src_hbm, dst_hbm, out_hbm,
             srca, dsta, srcb, dstb, uk, acc, sem):
    c = lax.axis_index("c")
    k = lax.axis_index("s")
    col0 = pl.multiple_of(k * NP, 8)
    base = pl.multiple_of(c * EP2, 8)

    pltpu.sync_copy(u_hbm.at[pl.ds(col0, NP)], uk)

    @pl.when(c == 0)
    def _():
        pltpu.sync_copy(u_hbm.at[pl.ds(col0, NP)], acc)

    @pl.when(c == 1)
    def _():
        def zrow(i, carry):
            acc[pl.ds(i * 16, 16)] = jnp.zeros((16,), jnp.float32)
            return carry
        lax.fori_loop(0, NP // 16, zrow, 0)

    def fire(j, sbuf, dbuf):
        pltpu.async_copy(src_hbm.at[pl.ds(base + j * CE, CE)], sbuf, sem)
        pltpu.async_copy(dst_hbm.at[pl.ds(base + j * CE, CE)], dbuf, sem)

    def wait(j, sbuf, dbuf):
        pltpu.make_async_copy(src_hbm.at[pl.ds(base + j * CE, CE)], sbuf, sem).wait()
        pltpu.make_async_copy(dst_hbm.at[pl.ds(base + j * CE, CE)], dbuf, sem).wait()

    def compute(sbuf, dbuf):
        def body(j, carry):
            for t in range(_UNROLL):
                off = j * (16 * _UNROLL) + t * 16
                idxs = sbuf[pl.ds(off, 16)]
                didx = dbuf[pl.ds(off, 16)]
                vals = plsc.load_gather(uk, [idxs])
                plsc.addupdate_scatter(acc, [didx], vals)
            return carry
        lax.fori_loop(0, CE // (16 * _UNROLL), body, 0)

    fire(0, srca, dsta)

    def pair(i, carry):
        e = pl.multiple_of(2 * i, 2)
        o = e + 1
        fire(o, srcb, dstb)
        wait(e, srca, dsta)
        compute(srca, dsta)

        @pl.when(i < NCHE // 2 - 1)
        def _():
            fire(e + 2, srca, dsta)
        wait(o, srcb, dstb)
        compute(srcb, dstb)
        return carry
    lax.fori_loop(0, NCHE // 2, pair, 0)

    pltpu.sync_copy(acc, out_hbm.at[pl.ds(pl.multiple_of((c * H + k) * NP, 8), NP)])


CE2 = 2048
ESL = EP2 // 8
NCH2 = ESL // CE2


@functools.partial(
    pl.kernel,
    mesh=_MESH,
    out_type=jax.ShapeDtypeStruct((NC * NS * NP,), jnp.float32),
    compiler_params=pltpu.CompilerParams(needs_layout_passes=False),
    scratch_types=[
        pltpu.VMEM((CE2,), jnp.int32),
        pltpu.VMEM((CE2,), jnp.int32),
        pltpu.VMEM((CE2,), jnp.int32),
        pltpu.VMEM((CE2,), jnp.int32),
        pltpu.VMEM((NP,), jnp.float32),
        pltpu.VMEM((NP,), jnp.float32),
        pltpu.SemaphoreType.DMA,
    ],
)
def _prop2_sc(u_hbm, src_hbm, dst_hbm, out_hbm,
              srca, dsta, srcb, dstb, uk, acc, sem):
    c = lax.axis_index("c")
    s = lax.axis_index("s")
    k2 = s % 2
    sl = s // 2
    col0 = pl.multiple_of(k2 * NP, 8)
    base = pl.multiple_of(c * EP2 + sl * ESL, 8)

    pltpu.sync_copy(u_hbm.at[pl.ds(col0, NP)], uk)

    @pl.when(jnp.logical_and(c == 0, sl == 0))
    def _():
        pltpu.sync_copy(u_hbm.at[pl.ds(col0, NP)], acc)

    @pl.when(jnp.logical_or(c != 0, sl != 0))
    def _():
        def zrow(i, carry):
            acc[pl.ds(i * 16, 16)] = jnp.zeros((16,), jnp.float32)
            return carry
        lax.fori_loop(0, NP // 16, zrow, 0)

    def fire(j, sbuf, dbuf):
        pltpu.async_copy(src_hbm.at[pl.ds(base + j * CE2, CE2)], sbuf, sem)
        pltpu.async_copy(dst_hbm.at[pl.ds(base + j * CE2, CE2)], dbuf, sem)

    def wait(j, sbuf, dbuf):
        pltpu.make_async_copy(src_hbm.at[pl.ds(base + j * CE2, CE2)], sbuf, sem).wait()
        pltpu.make_async_copy(dst_hbm.at[pl.ds(base + j * CE2, CE2)], dbuf, sem).wait()

    def compute(sbuf, dbuf):
        def body(j, carry):
            for t in range(_UNROLL):
                off = j * (16 * _UNROLL) + t * 16
                idxs = sbuf[pl.ds(off, 16)]
                didx = dbuf[pl.ds(off, 16)]
                vals = plsc.load_gather(uk, [idxs])
                plsc.addupdate_scatter(acc, [didx], vals)
            return carry
        lax.fori_loop(0, CE2 // (16 * _UNROLL), body, 0)

    fire(0, srca, dsta)

    def pair(i, carry):
        e = pl.multiple_of(2 * i, 2)
        o = e + 1
        fire(o, srcb, dstb)
        wait(e, srca, dsta)
        compute(srca, dsta)

        @pl.when(i < NCH2 // 2 - 1)
        def _():
            fire(e + 2, srca, dsta)
        wait(o, srcb, dstb)
        compute(srcb, dstb)
        return carry
    lax.fori_loop(0, NCH2 // 2, pair, 0)

    pltpu.sync_copy(acc, out_hbm.at[pl.ds(pl.multiple_of((c * NS + s) * NP, 8), NP)])


def _prep_body(x_ref, w0_ref, dp_ref, u_ref, dinv_ref):
    deg = jnp.ones((1, NP), jnp.float32)
    for r in range(NC * NS):
        deg = deg + dp_ref[r:r + 1, :]
    col = lax.broadcasted_iota(jnp.int32, (1, NP), 1)
    dinv = lax.rsqrt(jnp.maximum(deg, 1.0)) * (col < N).astype(jnp.float32)
    dinv_ref[...] = dinv
    t = lax.dot_general(w0_ref[...], x_ref[...], (((0,), (1,)), ((), ())),
                        preferred_element_type=jnp.float32)
    t = jnp.concatenate([t, jnp.zeros((H, NP - N), jnp.float32)], axis=1)
    u_ref[...] = dinv * t


def _trans_body(p_ref, dinv_ref, b_ref, a_ref, w_ref, u_ref):
    dinv = dinv_ref[...]
    h = dinv * (p_ref[0] + p_ref[1]) + b_ref[...]
    h = jnp.where(h >= 0.0, h, a_ref[0, 0] * h)
    u_ref[...] = dinv * lax.dot_general(
        w_ref[...], h, (((0,), (0,)), ((), ())),
        preferred_element_type=jnp.float32)


def _trans3_body(p_ref, dinv_ref, b_ref, a_ref, w3_ref, u_ref):
    dinv = dinv_ref[...]
    h = dinv * (p_ref[0] + p_ref[1]) + b_ref[...]
    h = jnp.where(h >= 0.0, h, a_ref[0, 0] * h)
    u_ref[...] = dinv * lax.dot_general(
        w3_ref[...], h, (((0,), (0,)), ((), ())),
        preferred_element_type=jnp.float32)


def _pool_body(p_ref, dinv_ref, batch_ref, b3_ref, out_ref):
    nsl = NS // 2
    psum = p_ref[0, 0]
    for r in range(1, NC * nsl):
        psum = psum + p_ref[r // nsl, r % nsl]
    y = dinv_ref[...] * psum
    gid = lax.broadcasted_iota(jnp.int32, (G, 1), 0)
    m = (gid == batch_ref[...]).astype(jnp.float32)
    st = lax.dot_general(m, y, (((1,), (1,)), ((), ())),
                         preferred_element_type=jnp.float32)
    cntc = lax.dot_general(m, jnp.ones((NP, 1), jnp.float32),
                           (((1,), (0,)), ((), ())),
                           preferred_element_type=jnp.float32)
    mean = st / jnp.maximum(cntc, 1.0)
    out_ref[...] = mean + b3_ref[...] * (cntc > 0.0).astype(jnp.float32)


def kernel(x, edge_index, batch, W0, b0, a0, W1, b1, a1, W2, b2, a2, W3, b3):
    batchp = jnp.concatenate(
        [batch, jnp.full((NP - N,), G, jnp.int32)]).reshape(1, NP)

    eh = E // NC
    pad0 = jnp.zeros((EPAD2,), jnp.int32)
    padn = jnp.full((EPAD2,), N, jnp.int32)
    srcp = jnp.concatenate([edge_index[0, :eh], pad0, edge_index[0, eh:], pad0])
    dstp = jnp.concatenate([edge_index[1, :eh], padn, edge_index[1, eh:], padn])

    degp = _deg_sc(dstp).reshape(NC * NS, NP)

    u0, dinv = pl.pallas_call(
        _prep_body,
        out_shape=(jax.ShapeDtypeStruct((H, NP), jnp.float32),
                   jax.ShapeDtypeStruct((1, NP), jnp.float32)),
    )(x, W0, degp)

    p = _prop_sc(u0.reshape(-1), srcp, dstp).reshape(NC, H, NP)
    u1 = pl.pallas_call(
        _trans_body, out_shape=jax.ShapeDtypeStruct((H, NP), jnp.float32),
    )(p, dinv, b0.reshape(H, 1), a0.reshape(1, 1), W1)

    p = _prop_sc(u1.reshape(-1), srcp, dstp).reshape(NC, H, NP)
    u2 = pl.pallas_call(
        _trans_body, out_shape=jax.ShapeDtypeStruct((H, NP), jnp.float32),
    )(p, dinv, b1.reshape(H, 1), a1.reshape(1, 1), W2)

    p = _prop_sc(u2.reshape(-1), srcp, dstp).reshape(NC, H, NP)
    u3 = pl.pallas_call(
        _trans3_body, out_shape=jax.ShapeDtypeStruct((OUT, NP), jnp.float32),
    )(p, dinv, b2.reshape(H, 1), a2.reshape(1, 1), W3)

    p2 = _prop2_sc(u3.reshape(-1), srcp, dstp).reshape(NC, NS // 2, OUT, NP)
    out = pl.pallas_call(
        _pool_body, out_shape=jax.ShapeDtypeStruct((G, OUT), jnp.float32),
    )(p2, dinv, batchp, b3.reshape(1, OUT))
    return out

# --- scband reference (transcript-rebuilt; emitter-appended) ---
"""Pipeline reference for scband-gcn-model-17008070492799 (READ-ONLY COPY).

The authoritative reference and input builder live on the scoring server;
editing this copy changes nothing except your own understanding.
"""

import jax, jax.numpy as jnp
import numpy as np

N_NODES = 10000
N_EDGES = 320000
D_IN = 128
HID = 16
OUT = 2
N_GRAPHS = 64


def _glorot(key, shape):
    fan_in, fan_out = shape[0], shape[1]
    lim = jnp.sqrt(6.0 / (fan_in + fan_out))
    return jax.random.uniform(key, shape, dtype=jnp.float32, minval=-lim, maxval=lim)


def setup_inputs(seed: int = 0) -> dict:
    key = jax.random.key(seed)
    ks = jax.random.split(key, 12)
    x = jax.random.normal(ks[0], (N_NODES, D_IN), dtype=jnp.float32)
    edge_index = jax.random.randint(ks[1], (2, N_EDGES), 0, N_NODES, dtype=jnp.int32)
    batch = jnp.sort(jax.random.randint(ks[2], (N_NODES,), 0, N_GRAPHS, dtype=jnp.int32))
    W0 = _glorot(ks[3], (D_IN, HID))
    b0 = jnp.zeros((HID,), jnp.float32)
    W1 = _glorot(ks[4], (HID, HID))
    b1 = jnp.zeros((HID,), jnp.float32)
    W2 = _glorot(ks[5], (HID, HID))
    b2 = jnp.zeros((HID,), jnp.float32)
    W3 = _glorot(ks[6], (HID, OUT))
    b3 = jnp.zeros((OUT,), jnp.float32)
    a0 = jnp.full((1,), 0.25, jnp.float32)
    a1 = jnp.full((1,), 0.25, jnp.float32)
    a2 = jnp.full((1,), 0.25, jnp.float32)
    return {"x": x, "edge_index": edge_index, "batch": batch,
            "W0": W0, "b0": b0, "a0": a0,
            "W1": W1, "b1": b1, "a1": a1,
            "W2": W2, "b2": b2, "a2": a2,
            "W3": W3, "b3": b3}


def _gcn_conv(x, edge_index, W, b):
    n = x.shape[0]
    src = edge_index[0]
    dst = edge_index[1]
    loop = jnp.arange(n, dtype=src.dtype)
    src = jnp.concatenate([src, loop])
    dst = jnp.concatenate([dst, loop])
    deg = jnp.zeros((n,), x.dtype).at[dst].add(1.0)
    dinv = jnp.where(deg > 0, jax.lax.rsqrt(deg), 0.0)
    norm = dinv[src] * dinv[dst]
    h = x @ W
    msg = jnp.take(h, src, axis=0) * norm[:, None]
    out = jnp.zeros((n, W.shape[1]), x.dtype).at[dst].add(msg)
    return out + b


def _prelu(x, a):
    return jnp.where(x >= 0, x, a[0] * x)


def _global_mean_pool(x, batch, num_graphs):
    sums = jax.ops.segment_sum(x, batch, num_segments=num_graphs)
    cnt = jax.ops.segment_sum(jnp.ones((x.shape[0],), x.dtype), batch, num_segments=num_graphs)
    return sums / jnp.maximum(cnt, 1.0)[:, None]


def reference(x, edge_index, batch, W0, b0, a0, W1, b1, a1, W2, b2, a2, W3, b3):
    h = _gcn_conv(x, edge_index, W0, b0)
    h = _prelu(h, a0)
    h = _gcn_conv(h, edge_index, W1, b1)
    h = _prelu(h, a1)
    h = _gcn_conv(h, edge_index, W2, b2)
    h = _prelu(h, a2)
    h = _gcn_conv(h, edge_index, W3, b3)
    return _global_mean_pool(h, batch, N_GRAPHS)

if __name__ == "__main__":
    import jax
    _d = setup_inputs()
    print(jax.jit(kernel)(*tuple(_d.values())))

</pallas_src>

<mosaic_0001>
#map = affine_map<(d0, d1) -> (0)>
module attributes {stable_mosaic.version = 14 : i64} {
  func.func @_prop_sc(%arg0: i32, %arg1: i32, %arg2: memref<163840xf32, #tpu.memory_space<hbm>>, %arg3: memref<327680xi32, #tpu.memory_space<hbm>>, %arg4: memref<327680xi32, #tpu.memory_space<hbm>>, %arg5: memref<327680xf32, #tpu.memory_space<hbm>>, %arg6: memref<8192xi32, #tpu.memory_space<vmem>>, %arg7: memref<8192xi32, #tpu.memory_space<vmem>>, %arg8: memref<8192xi32, #tpu.memory_space<vmem>>, %arg9: memref<8192xi32, #tpu.memory_space<vmem>>, %arg10: memref<10240xf32, #tpu.memory_space<vmem>>, %arg11: memref<10240xf32, #tpu.memory_space<vmem>>, %arg12: memref<!tpu.dma_semaphore, #tpu.memory_space<semaphore_mem>>) attributes {dimension_semantics = [#tpu.dimension_semantics<core_parallel>, #tpu.dimension_semantics<subcore_parallel>], iteration_bounds = array<i64: 2, 16>, scalar_prefetch = 0 : i64, scratch_operands = 7 : i64, tpu.core_type = #tpu.core_type<sc_vector_subcore>, window_params = [{transform_indices = #map}, {transform_indices = #map}, {transform_indices = #map}, {transform_indices = #map}]} {
    %mul3A = arith.constant 10240 : i32
    %mul3A_0 = arith.muli %arg1, %mul3A : i32
    %multiple_of3A = tpu.assume_multiple %mul3A_0, 8 : i32
    %mul3A_1 = arith.constant 163840 : i32
    %mul3A_2 = arith.muli %arg0, %mul3A_1 : i32
    %multiple_of3A_3 = tpu.assume_multiple %mul3A_2, 8 : i32
    "tpu.region"() ({
      %run_scoped3A = tpu.sem_alloc : memref<!tpu.dma_semaphore, #tpu.memory_space<semaphore_mem>>
      %dma_start3A_28 = tpu.memref_slice %arg2[%multiple_of3A] : memref<163840xf32, #tpu.memory_space<hbm>> -> memref<10240xf32, #tpu.memory_space<hbm>>
      %dma_start3A_29 = tpu.memref_slice %arg2[%multiple_of3A] : memref<163840xf32, #tpu.memory_space<hbm>> -> memref<10240xf32, #tpu.memory_space<hbm>>
      tpu.enqueue_dma source(%dma_start3A_29 : memref<10240xf32, #tpu.memory_space<hbm>>) target(%arg10 : memref<10240xf32, #tpu.memory_space<vmem>>) target_semaphore(%run_scoped3A : memref<!tpu.dma_semaphore, #tpu.memory_space<semaphore_mem>>)
      %dma_wait3A = tpu.memref_slice %arg2[%multiple_of3A] : memref<163840xf32, #tpu.memory_space<hbm>> -> memref<10240xf32, #tpu.memory_space<hbm>>
      %dma_wait3A_30 = tpu.memref_slice %arg2[%multiple_of3A] : memref<163840xf32, #tpu.memory_space<hbm>> -> memref<10240xf32, #tpu.memory_space<hbm>>
      tpu.wait_dma2 semaphore(%run_scoped3A : memref<!tpu.dma_semaphore, #tpu.memory_space<semaphore_mem>>) src(%dma_wait3A_30 : memref<10240xf32, #tpu.memory_space<hbm>>) dst(%arg10 : memref<10240xf32, #tpu.memory_space<vmem>>)
      tpu.yield
    }) : () -> ()
    %eq3A = arith.constant 0 : i32
    %eq3A_4 = arith.cmpi eq, %arg0, %eq3A : i32
    %convert_element_type3A = arith.extui %eq3A_4 : i1 to i32
    %cond3A = arith.constant 0 : i32
    %cond3A_5 = arith.cmpi ne, %convert_element_type3A, %cond3A : i32
    scf.if %cond3A_5 {
      "tpu.region"() ({
        %run_scoped3A = tpu.sem_alloc : memref<!tpu.dma_semaphore, #tpu.memory_space<semaphore_mem>>
        %dma_start3A_28 = tpu.memref_slice %arg2[%multiple_of3A] : memref<163840xf32, #tpu.memory_space<hbm>> -> memref<10240xf32, #tpu.memory_space<hbm>>
        %dma_start3A_29 = tpu.memref_slice %arg2[%multiple_of3A] : memref<163840xf32, #tpu.memory_space<hbm>> -> memref<10240xf32, #tpu.memory_space<hbm>>
        tpu.enqueue_dma source(%dma_start3A_29 : memref<10240xf32, #tpu.memory_space<hbm>>) target(%arg11 : memref<10240xf32, #tpu.memory_space<vmem>>) target_semaphore(%run_scoped3A : memref<!tpu.dma_semaphore, #tpu.memory_space<semaphore_mem>>)
        %dma_wait3A = tpu.memref_slice %arg2[%multiple_of3A] : memref<163840xf32, #tpu.memory_space<hbm>> -> memref<10240xf32, #tpu.memory_space<hbm>>
        %dma_wait3A_30 = tpu.memref_slice %arg2[%multiple_of3A] : memref<163840xf32, #tpu.memory_space<hbm>> -> memref<10240xf32, #tpu.memory_space<hbm>>
        tpu.wait_dma2 semaphore(%run_scoped3A : memref<!tpu.dma_semaphore, #tpu.memory_space<semaphore_mem>>) src(%dma_wait3A_30 : memref<10240xf32, #tpu.memory_space<hbm>>) dst(%arg11 : memref<10240xf32, #tpu.memory_space<vmem>>)
        tpu.yield
      }) : () -> ()
    } else {
    }
    %eq3A_6 = arith.constant 1 : i32
    %eq3A_7 = arith.cmpi eq, %arg0, %eq3A_6 : i32
    %convert_element_type3A_8 = arith.extui %eq3A_7 : i1 to i32
    %cond3A_9 = arith.constant 0 : i32
    %cond3A_10 = arith.cmpi ne, %convert_element_type3A_8, %cond3A_9 : i32
    scf.if %cond3A_10 {
      %scan3A_28 = arith.constant 0 : i32
      %scan3A_29 = arith.constant 0 : i32
      %scan3A_30 = arith.constant 640 : i32
      %scan3A_31 = arith.addi %scan3A_29, %scan3A_30 : i32
      %scan3A_32 = arith.constant 1 : i32
      scf.for %scan3A_34 = %scan3A_29 to %scan3A_31 step %scan3A_32  : i32 {
        %broadcast_in_dim3A = arith.constant 0.000000e+00 : f32
        %broadcast_in_dim3A_35 = vector.broadcast %broadcast_in_dim3A : f32 to vector<16xf32>
        %mul3A_36 = arith.constant 16 : i32
        %mul3A_37 = arith.muli %scan3A_34, %mul3A_36 : i32
        %swap3A = arith.index_cast %mul3A_37 : i32 to index
        %swap3A_38 = tpu.vector_load %arg11[%swap3A] {strides = array<i32>} : memref<10240xf32, #tpu.memory_space<vmem>>, vector<16xf32>,
        tpu.vector_store %arg11[%swap3A], %broadcast_in_dim3A_35 {strides = array<i32>} : memref<10240xf32, #tpu.memory_space<vmem>>, vector<16xf32>,
      }
      %scan3A_33 = arith.constant 640 : i32
    } else {
    }
    %add3A = arith.constant 0 : i32
    %add3A_11 = arith.addi %multiple_of3A_3, %add3A : i32
    %dma_start3A = tpu.memref_slice %arg3[%add3A_11] : memref<327680xi32, #tpu.memory_space<hbm>> -> memref<8192xi32, #tpu.memory_space<hbm>>
    %dma_start3A_12 = tpu.memref_slice %arg3[%add3A_11] : memref<327680xi32, #tpu.memory_space<hbm>> -> memref<8192xi32, #tpu.memory_space<hbm>>
    tpu.enqueue_dma source(%dma_start3A_12 : memref<8192xi32, #tpu.memory_space<hbm>>) target(%arg6 : memref<8192xi32, #tpu.memory_space<vmem>>) target_semaphore(%arg12 : memref<!tpu.dma_semaphore, #tpu.memory_space<semaphore_mem>>)
    %add3A_13 = arith.constant 0 : i32
    %add3A_14 = arith.addi %multiple_of3A_3, %add3A_13 : i32
    %dma_start3A_15 = tpu.memref_slice %arg4[%add3A_14] : memref<327680xi32, #tpu.memory_space<hbm>> -> memref<8192xi32, #tpu.memory_space<hbm>>
    %dma_start3A_16 = tpu.memref_slice %arg4[%add3A_14] : memref<327680xi32, #tpu.memory_space<hbm>> -> memref<8192xi32, #tpu.memory_space<hbm>>
    tpu.enqueue_dma source(%dma_start3A_16 : memref<8192xi32, #tpu.memory_space<hbm>>) target(%arg7 : memref<8192xi32, #tpu.memory_space<vmem>>) target_semaphore(%arg12 : memref<!tpu.dma_semaphore, #tpu.memory_space<semaphore_mem>>)
    %scan3A = arith.constant 0 : i32
    %scan3A_17 = arith.constant 0 : i32
    %scan3A_18 = arith.constant 10 : i32
    %scan3A_19 = arith.addi %scan3A_17, %scan3A_18 : i32
    %scan3A_20 = arith.constant 1 : i32
    scf.for %scan3A_28 = %scan3A_17 to %scan3A_19 step %scan3A_20  : i32 {
      %mul3A_29 = arith.constant 2 : i32
      %mul3A_30 = arith.muli %mul3A_29, %scan3A_28 : i32
      %multiple_of3A_31 = tpu.assume_multiple %mul3A_30, 2 : i32
      %add3A_32 = arith.constant 1 : i32
      %add3A_33 = arith.addi %multiple_of3A_31, %add3A_32 : i32
      %mul3A_34 = arith.constant 8192 : i32
      %mul3A_35 = arith.muli %add3A_33, %mul3A_34 : i32
      %add3A_36 = arith.addi %multiple_of3A_3, %mul3A_35 : i32
      %dma_start3A_37 = tpu.memref_slice %arg3[%add3A_36] : memref<327680xi32, #tpu.memory_space<hbm>> -> memref<8192xi32, #tpu.memory_space<hbm>>
      %dma_start3A_38 = tpu.memref_slice %arg3[%add3A_36] : memref<327680xi32, #tpu.memory_space<hbm>> -> memref<8192xi32, #tpu.memory_space<hbm>>
      tpu.enqueue_dma source(%dma_start3A_38 : memref<8192xi32, #tpu.memory_space<hbm>>) target(%arg8 : memref<8192xi32, #tpu.memory_space<vmem>>) target_semaphore(%arg12 : memref<!tpu.dma_semaphore, #tpu.memory_space<semaphore_mem>>)
      %mul3A_39 = arith.constant 8192 : i32
      %mul3A_40 = arith.muli %add3A_33, %mul3A_39 : i32
      %add3A_41 = arith.addi %multiple_of3A_3, %mul3A_40 : i32
      %dma_start3A_42 = tpu.memref_slice %arg4[%add3A_41] : memref<327680xi32, #tpu.memory_space<hbm>> -> memref<8192xi32, #tpu.memory_space<hbm>>
      %dma_start3A_43 = tpu.memref_slice %arg4[%add3A_41] : memref<327680xi32, #tpu.memory_space<hbm>> -> memref<8192xi32, #tpu.memory_space<hbm>>
      tpu.enqueue_dma source(%dma_start3A_43 : memref<8192xi32, #tpu.memory_space<hbm>>) target(%arg9 : memref<8192xi32, #tpu.memory_space<vmem>>) target_semaphore(%arg12 : memref<!tpu.dma_semaphore, #tpu.memory_space<semaphore_mem>>)
      %mul3A_44 = arith.constant 8192 : i32
      %mul3A_45 = arith.muli %multiple_of3A_31, %mul3A_44 : i32
      %add3A_46 = arith.addi %multiple_of3A_3, %mul3A_45 : i32
      %dma_wait3A = tpu.memref_slice %arg3[%add3A_46] : memref<327680xi32, #tpu.memory_space<hbm>> -> memref<8192xi32, #tpu.memory_space<hbm>>
      %dma_wait3A_47 = tpu.memref_slice %arg3[%add3A_46] : memref<327680xi32, #tpu.memory_space<hbm>> -> memref<8192xi32, #tpu.memory_space<hbm>>
      tpu.wait_dma2 semaphore(%arg12 : memref<!tpu.dma_semaphore, #tpu.memory_space<semaphore_mem>>) src(%dma_wait3A_47 : memref<8192xi32, #tpu.memory_space<hbm>>) dst(%arg6 : memref<8192xi32, #tpu.memory_space<vmem>>)
      %mul3A_48 = arith.constant 8192 : i32
      %mul3A_49 = arith.muli %multiple_of3A_31, %mul3A_48 : i32
      %add3A_50 = arith.addi %multiple_of3A_3, %mul3A_49 : i32
      %dma_wait3A_51 = tpu.memref_slice %arg4[%add3A_50] : memref<327680xi32, #tpu.memory_space<hbm>> -> memref<8192xi32, #tpu.memory_space<hbm>>
      %dma_wait3A_52 = tpu.memref_slice %arg4[%add3A_50] : memref<327680xi32, #tpu.memory_space<hbm>> -> memref<8192xi32, #tpu.memory_space<hbm>>
      tpu.wait_dma2 semaphore(%arg12 : memref<!tpu.dma_semaphore, #tpu.memory_space<semaphore_mem>>) src(%dma_wait3A_52 : memref<8192xi32, #tpu.memory_space<hbm>>) dst(%arg7 : memref<8192xi32, #tpu.memory_space<vmem>>)
      %scan3A_53 = arith.constant 0 : i32
      %scan3A_54 = arith.constant 0 : i32
      %scan3A_55 = arith.constant 64 : i32
      %scan3A_56 = arith.addi %scan3A_54, %scan3A_55 : i32
      %scan3A_57 = arith.constant 1 : i32
      scf.for %scan3A_79 = %scan3A_54 to %scan3A_56 step %scan3A_57  : i32 {
        %mul3A_80 = arith.constant 128 : i32
        %mul3A_81 = arith.muli %scan3A_79, %mul3A_80 : i32
        %add3A_82 = arith.constant 0 : i32
        %add3A_83 = arith.addi %mul3A_81, %add3A_82 : i32
        %get3A = arith.index_cast %add3A_83 : i32 to index
        %get3A_84 = tpu.vector_load %arg6[%get3A] {strides = array<i32>} : memref<8192xi32, #tpu.memory_space<vmem>>, vector<16xi32>,
        %get3A_85 = arith.index_cast %add3A_83 : i32 to index
        %get3A_86 = tpu.vector_load %arg7[%get3A_85] {strides = array<i32>} : memref<8192xi32, #tpu.memory_space<vmem>>, vector<16xi32>,
        %gather3A = tpu.vector_load_idx %arg10[%get3A_84] : memref<10240xf32, #tpu.memory_space<vmem>>[vector<16xi32>], vector<16xf32>,
        tpu.vector_store_idx %arg11[%get3A_86], %gather3A {add = true} : memref<10240xf32, #tpu.memory_space<vmem>>[vector<16xi32>], vector<16xf32>,
        %mul3A_87 = arith.constant 128 : i32
        %mul3A_88 = arith.muli %scan3A_79, %mul3A_87 : i32
        %add3A_89 = arith.constant 16 : i32
        %add3A_90 = arith.addi %mul3A_88, %add3A_89 : i32
        %get3A_91 = arith.index_cast %add3A_90 : i32 to index
        %get3A_92 = tpu.vector_load %arg6[%get3A_91] {strides = array<i32>} : memref<8192xi32, #tpu.memory_space<vmem>>, vector<16xi32>,
        %get3A_93 = arith.index_cast %add3A_90 : i32 to index
        %get3A_94 = tpu.vector_load %arg7[%get3A_93] {strides = array<i32>} : memref<8192xi32, #tpu.memory_space<vmem>>, vector<16xi32>,
        %gather3A_95 = tpu.vector_load_idx %arg10[%get3A_92] : memref<10240xf32, #tpu.memory_space<vmem>>[vector<16xi32>], vector<16xf32>,
        tpu.vector_store_idx %arg11[%get3A_94], %gather3A_95 {add = true} : memref<10240xf32, #tpu.memory_space<vmem>>[vector<16xi32>], vector<16xf32>,
        %mul3A_96 = arith.constant 128 : i32
        %mul3A_97 = arith.muli %scan3A_79, %mul3A_96 : i32
        %add3A_98 = arith.constant 32 : i32
        %add3A_99 = arith.addi %mul3A_97, %add3A_98 : i32
        %get3A_100 = arith.index_cast %add3A_99 : i32 to index
        %get3A_101 = tpu.vector_load %arg6[%get3A_100] {strides = array<i32>} : memref<8192xi32, #tpu.memory_space<vmem>>, vector<16xi32>,
        %get3A_102 = arith.index_cast %add3A_99 : i32 to index
        %get3A_103 = tpu.vector_load %arg7[%get3A_102] {strides = array<i32>} : memref<8192xi32, #tpu.memory_space<vmem>>, vector<16xi32>,
        %gather3A_104 = tpu.vector_load_idx %arg10[%get3A_101] : memref<10240xf32, #tpu.memory_space<vmem>>[vector<16xi32>], vector<16xf32>,
        tpu.vector_store_idx %arg11[%get3A_103], %gather3A_104 {add = true} : memref<10240xf32, #tpu.memory_space<vmem>>[vector<16xi32>], vector<16xf32>,
        %mul3A_105 = arith.constant 128 : i32
        %mul3A_106 = arith.muli %scan3A_79, %mul3A_105 : i32
        %add3A_107 = arith.constant 48 : i32
        %add3A_108 = arith.addi %mul3A_106, %add3A_107 : i32
        %get3A_109 = arith.index_cast %add3A_108 : i32 to index
        %get3A_110 = tpu.vector_load %arg6[%get3A_109] {strides = array<i32>} : memref<8192xi32, #tpu.memory_space<vmem>>, vector<16xi32>,
        %get3A_111 = arith.index_cast %add3A_108 : i32 to index
        %get3A_112 = tpu.vector_load %arg7[%get3A_111] {strides = array<i32>} : memref<8192xi32, #tpu.memory_space<vmem>>, vector<16xi32>,
        %gather3A_113 = tpu.vector_load_idx %arg10[%get3A_110] : memref<10240xf32, #tpu.memory_space<vmem>>[vector<16xi32>], vector<16xf32>,
        tpu.vector_store_idx %arg11[%get3A_112], %gather3A_113 {add = true} : memref<10240xf32, #tpu.memory_space<vmem>>[vector<16xi32>], vector<16xf32>,
        %mul3A_114 = arith.constant 128 : i32
        %mul3A_115 = arith.muli %scan3A_79, %mul3A_114 : i32
        %add3A_116 = arith.constant 64 : i32
        %add3A_117 = arith.addi %mul3A_115, %add3A_116 : i32
        %get3A_118 = arith.index_cast %add3A_117 : i32 to index
        %get3A_119 = tpu.vector_load %arg6[%get3A_118] {strides = array<i32>} : memref<8192xi32, #tpu.memory_space<vmem>>, vector<16xi32>,
        %get3A_120 = arith.index_cast %add3A_117 : i32 to index
        %get3A_121 = tpu.vector_load %arg7[%get3A_120] {strides = array<i32>} : memref<8192xi32, #tpu.memory_space<vmem>>, vector<16xi32>,
        %gather3A_122 = tpu.vector_load_idx %arg10[%get3A_119] : memref<10240xf32, #tpu.memory_space<vmem>>[vector<16xi32>], vector<16xf32>,
        tpu.vector_store_idx %arg11[%get3A_121], %gather3A_122 {add = true} : memref<10240xf32, #tpu.memory_space<vmem>>[vector<16xi32>], vector<16xf32>,
        %mul3A_123 = arith.constant 128 : i32
        %mul3A_124 = arith.muli %scan3A_79, %mul3A_123 : i32
        %add3A_125 = arith.constant 80 : i32
        %add3A_126 = arith.addi %mul3A_124, %add3A_125 : i32
        %get3A_127 = arith.index_cast %add3A_126 : i32 to index
        %get3A_128 = tpu.vector_load %arg6[%get3A_127] {strides = array<i32>} : memref<8192xi32, #tpu.memory_space<vmem>>, vector<16xi32>,
        %get3A_129 = arith.index_cast %add3A_126 : i32 to index
        %get3A_130 = tpu.vector_load %arg7[%get3A_129] {strides = array<i32>} : memref<8192xi32, #tpu.memory_space<vmem>>, vector<16xi32>,
        %gather3A_131 = tpu.vector_load_idx %arg10[%get3A_128] : memref<10240xf32, #tpu.memory_space<vmem>>[vector<16xi32>], vector<16xf32>,
        tpu.vector_store_idx %arg11[%get3A_130], %gather3A_131 {add = true} : memref<10240xf32, #tpu.memory_space<vmem>>[vector<16xi32>], vector<16xf32>,
        %mul3A_132 = arith.constant 128 : i32
        %mul3A_133 = arith.muli %scan3A_79, %mul3A_132 : i32
        %add3A_134 = arith.constant 96 : i32
        %add3A_135 = arith.addi %mul3A_133, %add3A_134 : i32
        %get3A_136 = arith.index_cast %add3A_135 : i32 to index
        %get3A_137 = tpu.vector_load %arg6[%get3A_136] {strides = array<i32>} : memref<8192xi32, #tpu.memory_space<vmem>>, vector<16xi32>,
        %get3A_138 = arith.index_cast %add3A_135 : i32 to index
        %get3A_139 = tpu.vector_load %arg7[%get3A_138] {strides = array<i32>} : memref<8192xi32, #tpu.memory_space<vmem>>, vector<16xi32>,
        %gather3A_140 = tpu.vector_load_idx %arg10[%get3A_137] : memref<10240xf32, #tpu.memory_space<vmem>>[vector<16xi32>], vector<16xf32>,
        tpu.vector_store_idx %arg11[%get3A_139], %gather3A_140 {add = true} : memref<10240xf32, #tpu.memory_space<vmem>>[vector<16xi32>], vector<16xf32>,
        %mul3A_141 = arith.constant 128 : i32
        %mul3A_142 = arith.muli %scan3A_79, %mul3A_141 : i32
        %add3A_143 = arith.constant 112 : i32
        %add3A_144 = arith.addi %mul3A_142, %add3A_143 : i32
        %get3A_145 = arith.index_cast %add3A_144 : i32 to index
        %get3A_146 = tpu.vector_load %arg6[%get3A_145] {strides = array<i32>} : memref<8192xi32, #tpu.memory_space<vmem>>, vector<16xi32>,
        %get3A_147 = arith.index_cast %add3A_144 : i32 to index
        %get3A_148 = tpu.vector_load %arg7[%get3A_147] {strides = array<i32>} : memref<8192xi32, #tpu.memory_space<vmem>>, vector<16xi32>,
        %gather3A_149 = tpu.vector_load_idx %arg10[%get3A_146] : memref<10240xf32, #tpu.memory_space<vmem>>[vector<16xi32>], vector<16xf32>,
        tpu.vector_store_idx %arg11[%get3A_148], %gather3A_149 {add = true} : memref<10240xf32, #tpu.memory_space<vmem>>[vector<16xi32>], vector<16xf32>,
      }
      %scan3A_58 = arith.constant 64 : i32
      %lt3A = arith.constant 9 : i32
      %lt3A_59 = arith.cmpi slt, %scan3A_28, %lt3A : i32
      %convert_element_type3A_60 = arith.extui %lt3A_59 : i1 to i32
      %cond3A_61 = arith.constant 0 : i32
      %cond3A_62 = arith.cmpi ne, %convert_element_type3A_60, %cond3A_61 : i32
      scf.if %cond3A_62 {
        %add3A_79 = arith.constant 2 : i32
        %add3A_80 = arith.addi %multiple_of3A_31, %add3A_79 : i32
        %mul3A_81 = arith.constant 8192 : i32
        %mul3A_82 = arith.muli %add3A_80, %mul3A_81 : i32
        %add3A_83 = arith.addi %multiple_of3A_3, %mul3A_82 : i32
        %dma_start3A_84 = tpu.memref_slice %arg3[%add3A_83] : memref<327680xi32, #tpu.memory_space<hbm>> -> memref<8192xi32, #tpu.memory_space<hbm>>
        %dma_start3A_85 = tpu.memref_slice %arg3[%add3A_83] : memref<327680xi32, #tpu.memory_space<hbm>> -> memref<8192xi32, #tpu.memory_space<hbm>>
        tpu.enqueue_dma source(%dma_start3A_85 : memref<8192xi32, #tpu.memory_space<hbm>>) target(%arg6 : memref<8192xi32, #tpu.memory_space<vmem>>) target_semaphore(%arg12 : memref<!tpu.dma_semaphore, #tpu.memory_space<semaphore_mem>>)
        %mul3A_86 = arith.constant 8192 : i32
        %mul3A_87 = arith.muli %add3A_80, %mul3A_86 : i32
        %add3A_88 = arith.addi %multiple_of3A_3, %mul3A_87 : i32
        %dma_start3A_89 = tpu.memref_slice %arg4[%add3A_88] : memref<327680xi32, #tpu.memory_space<hbm>> -> memref<8192xi32, #tpu.memory_space<hbm>>
        %dma_start3A_90 = tpu.memref_slice %arg4[%add3A_88] : memref<327680xi32, #tpu.memory_space<hbm>> -> memref<8192xi32, #tpu.memory_space<hbm>>
        tpu.enqueue_dma source(%dma_start3A_90 : memref<8192xi32, #tpu.memory_space<hbm>>) target(%arg7 : memref<8192xi32, #tpu.memory_space<vmem>>) target_semaphore(%arg12 : memref<!tpu.dma_semaphore, #tpu.memory_space<semaphore_mem>>)
      } else {
      }
      %mul3A_63 = arith.constant 8192 : i32
      %mul3A_64 = arith.muli %add3A_33, %mul3A_63 : i32
      %add3A_65 = arith.addi %multiple_of3A_3, %mul3A_64 : i32
      %dma_wait3A_66 = tpu.memref_slice %arg3[%add3A_65] : memref<327680xi32, #tpu.memory_space<hbm>> -> memref<8192xi32, #tpu.memory_space<hbm>>
      %dma_wait3A_67 = tpu.memref_slice %arg3[%add3A_65] : memref<327680xi32, #tpu.memory_space<hbm>> -> memref<8192xi32, #tpu.memory_space<hbm>>
      tpu.wait_dma2 semaphore(%arg12 : memref<!tpu.dma_semaphore, #tpu.memory_space<semaphore_mem>>) src(%dma_wait3A_67 : memref<8192xi32, #tpu.memory_space<hbm>>) dst(%arg8 : memref<8192xi32, #tpu.memory_space<vmem>>)
      %mul3A_68 = arith.constant 8192 : i32
      %mul3A_69 = arith.muli %add3A_33, %mul3A_68 : i32
      %add3A_70 = arith.addi %multiple_of3A_3, %mul3A_69 : i32
      %dma_wait3A_71 = tpu.memref_slice %arg4[%add3A_70] : memref<327680xi32, #tpu.memory_space<hbm>> -> memref<8192xi32, #tpu.memory_space<hbm>>
      %dma_wait3A_72 = tpu.memref_slice %arg4[%add3A_70] : memref<327680xi32, #tpu.memory_space<hbm>> -> memref<8192xi32, #tpu.memory_space<hbm>>
      tpu.wait_dma2 semaphore(%arg12 : memref<!tpu.dma_semaphore, #tpu.memory_space<semaphore_mem>>) src(%dma_wait3A_72 : memref<8192xi32, #tpu.memory_space<hbm>>) dst(%arg9 : memref<8192xi32, #tpu.memory_space<vmem>>)
      %scan3A_73 = arith.constant 0 : i32
      %scan3A_74 = arith.constant 0 : i32
      %scan3A_75 = arith.constant 64 : i32
      %scan3A_76 = arith.addi %scan3A_74, %scan3A_75 : i32
      %scan3A_77 = arith.constant 1 : i32
      scf.for %scan3A_79 = %scan3A_74 to %scan3A_76 step %scan3A_77  : i32 {
        %mul3A_80 = arith.constant 128 : i32
        %mul3A_81 = arith.muli %scan3A_79, %mul3A_80 : i32
        %add3A_82 = arith.constant 0 : i32
        %add3A_83 = arith.addi %mul3A_81, %add3A_82 : i32
        %get3A = arith.index_cast %add3A_83 : i32 to index
        %get3A_84 = tpu.vector_load %arg8[%get3A] {strides = array<i32>} : memref<8192xi32, #tpu.memory_space<vmem>>, vector<16xi32>,
        %get3A_85 = arith.index_cast %add3A_83 : i32 to index
        %get3A_86 = tpu.vector_load %arg9[%get3A_85] {strides = array<i32>} : memref<8192xi32, #tpu.memory_space<vmem>>, vector<16xi32>,
        %gather3A = tpu.vector_load_idx %arg10[%get3A_84] : memref<10240xf32, #tpu.memory_space<vmem>>[vector<16xi32>], vector<16xf32>,
        tpu.vector_store_idx %arg11[%get3A_86], %gather3A {add = true} : memref<10240xf32, #tpu.memory_space<vmem>>[vector<16xi32>], vector<16xf32>,
        %mul3A_87 = arith.constant 128 : i32
        %mul3A_88 = arith.muli %scan3A_79, %mul3A_87 : i32
        %add3A_89 = arith.constant 16 : i32
        %add3A_90 = arith.addi %mul3A_88, %add3A_89 : i32
        %get3A_91 = arith.index_cast %add3A_90 : i32 to index
        %get3A_92 = tpu.vector_load %arg8[%get3A_91] {strides = array<i32>} : memref<8192xi32, #tpu.memory_space<vmem>>, vector<16xi32>,
        %get3A_93 = arith.index_cast %add3A_90 : i32 to index
        %get3A_94 = tpu.vector_load %arg9[%get3A_93] {strides = array<i32>} : memref<8192xi32, #tpu.memory_space<vmem>>, vector<16xi32>,
        %gather3A_95 = tpu.vector_load_idx %arg10[%get3A_92] : memref<10240xf32, #tpu.memory_space<vmem>>[vector<16xi32>], vector<16xf32>,
        tpu.vector_store_idx %arg11[%get3A_94], %gather3A_95 {add = true} : memref<10240xf32, #tpu.memory_space<vmem>>[vector<16xi32>], vector<16xf32>,
        %mul3A_96 = arith.constant 128 : i32
        %mul3A_97 = arith.muli %scan3A_79, %mul3A_96 : i32
        %add3A_98 = arith.constant 32 : i32
        %add3A_99 = arith.addi %mul3A_97, %add3A_98 : i32
        %get3A_100 = arith.index_cast %add3A_99 : i32 to index
        %get3A_101 = tpu.vector_load %arg8[%get3A_100] {strides = array<i32>} : memref<8192xi32, #tpu.memory_space<vmem>>, vector<16xi32>,
        %get3A_102 = arith.index_cast %add3A_99 : i32 to index
        %get3A_103 = tpu.vector_load %arg9[%get3A_102] {strides = array<i32>} : memref<8192xi32, #tpu.memory_space<vmem>>, vector<16xi32>,
        %gather3A_104 = tpu.vector_load_idx %arg10[%get3A_101] : memref<10240xf32, #tpu.memory_space<vmem>>[vector<16xi32>], vector<16xf32>,
        tpu.vector_store_idx %arg11[%get3A_103], %gather3A_104 {add = true} : memref<10240xf32, #tpu.memory_space<vmem>>[vector<16xi32>], vector<16xf32>,
        %mul3A_105 = arith.constant 128 : i32
        %mul3A_106 = arith.muli %scan3A_79, %mul3A_105 : i32
        %add3A_107 = arith.constant 48 : i32
        %add3A_108 = arith.addi %mul3A_106, %add3A_107 : i32
        %get3A_109 = arith.index_cast %add3A_108 : i32 to index
        %get3A_110 = tpu.vector_load %arg8[%get3A_109] {strides = array<i32>} : memref<8192xi32, #tpu.memory_space<vmem>>, vector<16xi32>,
        %get3A_111 = arith.index_cast %add3A_108 : i32 to index
        %get3A_112 = tpu.vector_load %arg9[%get3A_111] {strides = array<i32>} : memref<8192xi32, #tpu.memory_space<vmem>>, vector<16xi32>,
        %gather3A_113 = tpu.vector_load_idx %arg10[%get3A_110] : memref<10240xf32, #tpu.memory_space<vmem>>[vector<16xi32>], vector<16xf32>,
        tpu.vector_store_idx %arg11[%get3A_112], %gather3A_113 {add = true} : memref<10240xf32, #tpu.memory_space<vmem>>[vector<16xi32>], vector<16xf32>,
        %mul3A_114 = arith.constant 128 : i32
        %mul3A_115 = arith.muli %scan3A_79, %mul3A_114 : i32
        %add3A_116 = arith.constant 64 : i32
        %add3A_117 = arith.addi %mul3A_115, %add3A_116 : i32
        %get3A_118 = arith.index_cast %add3A_117 : i32 to index
        %get3A_119 = tpu.vector_load %arg8[%get3A_118] {strides = array<i32>} : memref<8192xi32, #tpu.memory_space<vmem>>, vector<16xi32>,
        %get3A_120 = arith.index_cast %add3A_117 : i32 to index
        %get3A_121 = tpu.vector_load %arg9[%get3A_120] {strides = array<i32>} : memref<8192xi32, #tpu.memory_space<vmem>>, vector<16xi32>,
        %gather3A_122 = tpu.vector_load_idx %arg10[%get3A_119] : memref<10240xf32, #tpu.memory_space<vmem>>[vector<16xi32>], vector<16xf32>,
        tpu.vector_store_idx %arg11[%get3A_121], %gather3A_122 {add = true} : memref<10240xf32, #tpu.memory_space<vmem>>[vector<16xi32>], vector<16xf32>,
        %mul3A_123 = arith.constant 128 : i32
        %mul3A_124 = arith.muli %scan3A_79, %mul3A_123 : i32
        %add3A_125 = arith.constant 80 : i32
        %add3A_126 = arith.addi %mul3A_124, %add3A_125 : i32
        %get3A_127 = arith.index_cast %add3A_126 : i32 to index
        %get3A_128 = tpu.vector_load %arg8[%get3A_127] {strides = array<i32>} : memref<8192xi32, #tpu.memory_space<vmem>>, vector<16xi32>,
        %get3A_129 = arith.index_cast %add3A_126 : i32 to index
        %get3A_130 = tpu.vector_load %arg9[%get3A_129] {strides = array<i32>} : memref<8192xi32, #tpu.memory_space<vmem>>, vector<16xi32>,
        %gather3A_131 = tpu.vector_load_idx %arg10[%get3A_128] : memref<10240xf32, #tpu.memory_space<vmem>>[vector<16xi32>], vector<16xf32>,
        tpu.vector_store_idx %arg11[%get3A_130], %gather3A_131 {add = true} : memref<10240xf32, #tpu.memory_space<vmem>>[vector<16xi32>], vector<16xf32>,
        %mul3A_132 = arith.constant 128 : i32
        %mul3A_133 = arith.muli %scan3A_79, %mul3A_132 : i32
        %add3A_134 = arith.constant 96 : i32
        %add3A_135 = arith.addi %mul3A_133, %add3A_134 : i32
        %get3A_136 = arith.index_cast %add3A_135 : i32 to index
        %get3A_137 = tpu.vector_load %arg8[%get3A_136] {strides = array<i32>} : memref<8192xi32, #tpu.memory_space<vmem>>, vector<16xi32>,
        %get3A_138 = arith.index_cast %add3A_135 : i32 to index
        %get3A_139 = tpu.vector_load %arg9[%get3A_138] {strides = array<i32>} : memref<8192xi32, #tpu.memory_space<vmem>>, vector<16xi32>,
        %gather3A_140 = tpu.vector_load_idx %arg10[%get3A_137] : memref<10240xf32, #tpu.memory_space<vmem>>[vector<16xi32>], vector<16xf32>,
        tpu.vector_store_idx %arg11[%get3A_139], %gather3A_140 {add = true} : memref<10240xf32, #tpu.memory_space<vmem>>[vector<16xi32>], vector<16xf32>,
        %mul3A_141 = arith.constant 128 : i32
        %mul3A_142 = arith.muli %scan3A_79, %mul3A_141 : i32
        %add3A_143 = arith.constant 112 : i32
        %add3A_144 = arith.addi %mul3A_142, %add3A_143 : i32
        %get3A_145 = arith.index_cast %add3A_144 : i32 to index
        %get3A_146 = tpu.vector_load %arg8[%get3A_145] {strides = array<i32>} : memref<8192xi32, #tpu.memory_space<vmem>>, vector<16xi32>,
        %get3A_147 = arith.index_cast %add3A_144 : i32 to index
        %get3A_148 = tpu.vector_load %arg9[%get3A_147] {strides = array<i32>} : memref<8192xi32, #tpu.memory_space<vmem>>, vector<16xi32>,
        %gather3A_149 = tpu.vector_load_idx %arg10[%get3A_146] : memref<10240xf32, #tpu.memory_space<vmem>>[vector<16xi32>], vector<16xf32>,
        tpu.vector_store_idx %arg11[%get3A_148], %gather3A_149 {add = true} : memref<10240xf32, #tpu.memory_space<vmem>>[vector<16xi32>], vector<16xf32>,
      }
      %scan3A_78 = arith.constant 64 : i32
    }
    %scan3A_21 = arith.constant 10 : i32
    %mul3A_22 = arith.constant 16 : i32
    %mul3A_23 = arith.muli %arg0, %mul3A_22 : i32
    %add3A_24 = arith.addi %mul3A_23, %arg1 : i32
    %mul3A_25 = arith.constant 10240 : i32
    %mul3A_26 = arith.muli %add3A_24, %mul3A_25 : i32
    %multiple_of3A_27 = tpu.assume_multiple %mul3A_26, 8 : i32
    "tpu.region"() ({
      %run_scoped3A = tpu.sem_alloc : memref<!tpu.dma_semaphore, #tpu.memory_space<semaphore_mem>>
      %dma_start3A_28 = tpu.memref_slice %arg5[%multiple_of3A_27] : memref<327680xf32, #tpu.memory_space<hbm>> -> memref<10240xf32, #tpu.memory_space<hbm>>
      %dma_start3A_29 = tpu.memref_slice %arg5[%multiple_of3A_27] : memref<327680xf32, #tpu.memory_space<hbm>> -> memref<10240xf32, #tpu.memory_space<hbm>>
      tpu.enqueue_dma source(%arg11 : memref<10240xf32, #tpu.memory_space<vmem>>) target(%dma_start3A_29 : memref<10240xf32, #tpu.memory_space<hbm>>) target_semaphore(%run_scoped3A : memref<!tpu.dma_semaphore, #tpu.memory_space<semaphore_mem>>)
      %dma_wait3A = tpu.memref_slice %arg5[%multiple_of3A_27] : memref<327680xf32, #tpu.memory_space<hbm>> -> memref<10240xf32, #tpu.memory_space<hbm>>
      %dma_wait3A_30 = tpu.memref_slice %arg5[%multiple_of3A_27] : memref<327680xf32, #tpu.memory_space<hbm>> -> memref<10240xf32, #tpu.memory_space<hbm>>
      tpu.wait_dma2 semaphore(%run_scoped3A : memref<!tpu.dma_semaphore, #tpu.memory_space<semaphore_mem>>) src(%arg11 : memref<10240xf32, #tpu.memory_space<vmem>>) dst(%dma_wait3A_30 : memref<10240xf32, #tpu.memory_space<hbm>>)
      tpu.yield
    }) : () -> ()
    return
  }
}

#map = affine_map<(d0, d1) -> (0)>
module attributes {stable_mosaic.version = 14 : i64} {
  func.func @_deg_sc(%arg0: i32, %arg1: i32, %arg2: memref<327680xi32, #tpu.memory_space<hbm>>, %arg3: memref<327680xf32, #tpu.memory_space<hbm>>, %arg4: memref<10240xi32, #tpu.memory_space<vmem>>, %arg5: memref<10240xf32, #tpu.memory_space<vmem>>, %arg6: memref<!tpu.dma_semaphore, #tpu.memory_space<semaphore_mem>>) attributes {dimension_semantics = [#tpu.dimension_semantics<core_parallel>, #tpu.dimension_semantics<subcore_parallel>], iteration_bounds = array<i64: 2, 16>, scalar_prefetch = 0 : i64, scratch_operands = 3 : i64, tpu.core_type = #tpu.core_type<sc_vector_subcore>, window_params = [{transform_indices = #map}, {transform_indices = #map}]} {
    %mul3A = arith.constant 163840 : i32
    %mul3A_0 = arith.muli %arg0, %mul3A : i32
    %mul3A_1 = arith.constant 10240 : i32
    %mul3A_2 = arith.muli %arg1, %mul3A_1 : i32
    %add3A = arith.addi %mul3A_0, %mul3A_2 : i32
    %multiple_of3A = tpu.assume_multiple %add3A, 8 : i32
    %dma_start3A = tpu.memref_slice %arg2[%multiple_of3A] : memref<327680xi32, #tpu.memory_space<hbm>> -> memref<10240xi32, #tpu.memory_space<hbm>>
    %dma_start3A_3 = tpu.memref_slice %arg2[%multiple_of3A] : memref<327680xi32, #tpu.memory_space<hbm>> -> memref<10240xi32, #tpu.memory_space<hbm>>
    tpu.enqueue_dma source(%dma_start3A_3 : memref<10240xi32, #tpu.memory_space<hbm>>) target(%arg4 : memref<10240xi32, #tpu.memory_space<vmem>>) target_semaphore(%arg6 : memref<!tpu.dma_semaphore, #tpu.memory_space<semaphore_mem>>)
    %scan3A = arith.constant 0 : i32
    %scan3A_4 = arith.constant 0 : i32
    %scan3A_5 = arith.constant 640 : i32
    %scan3A_6 = arith.addi %scan3A_4, %scan3A_5 : i32
    %scan3A_7 = arith.constant 1 : i32
    scf.for %scan3A_23 = %scan3A_4 to %scan3A_6 step %scan3A_7  : i32 {
      %broadcast_in_dim3A_24 = arith.constant 0.000000e+00 : f32
      %broadcast_in_dim3A_25 = vector.broadcast %broadcast_in_dim3A_24 : f32 to vector<16xf32>
      %mul3A_26 = arith.constant 16 : i32
      %mul3A_27 = arith.muli %scan3A_23, %mul3A_26 : i32
      %swap3A = arith.index_cast %mul3A_27 : i32 to index
      %swap3A_28 = tpu.vector_load %arg5[%swap3A] {strides = array<i32>} : memref<10240xf32, #tpu.memory_space<vmem>>, vector<16xf32>,
      tpu.vector_store %arg5[%swap3A], %broadcast_in_dim3A_25 {strides = array<i32>} : memref<10240xf32, #tpu.memory_space<vmem>>, vector<16xf32>,
    }
    %scan3A_8 = arith.constant 640 : i32
    %dma_wait3A = tpu.memref_slice %arg2[%multiple_of3A] : memref<327680xi32, #tpu.memory_space<hbm>> -> memref<10240xi32, #tpu.memory_space<hbm>>
    %dma_wait3A_9 = tpu.memref_slice %arg2[%multiple_of3A] : memref<327680xi32, #tpu.memory_space<hbm>> -> memref<10240xi32, #tpu.memory_space<hbm>>
    tpu.wait_dma2 semaphore(%arg6 : memref<!tpu.dma_semaphore, #tpu.memory_space<semaphore_mem>>) src(%dma_wait3A_9 : memref<10240xi32, #tpu.memory_space<hbm>>) dst(%arg4 : memref<10240xi32, #tpu.memory_space<vmem>>)
    %broadcast_in_dim3A = arith.constant 1.000000e+00 : f32
    %broadcast_in_dim3A_10 = vector.broadcast %broadcast_in_dim3A : f32 to vector<16xf32>
    %scan3A_11 = arith.constant 0 : i32
    %scan3A_12 = arith.constant 0 : i32
    %scan3A_13 = arith.constant 80 : i32
    %scan3A_14 = arith.addi %scan3A_12, %scan3A_13 : i32
    %scan3A_15 = arith.constant 1 : i32
    scf.for %scan3A_23 = %scan3A_12 to %scan3A_14 step %scan3A_15  : i32 {
      %mul3A_24 = arith.constant 128 : i32
      %mul3A_25 = arith.muli %scan3A_23, %mul3A_24 : i32
      %add3A_26 = arith.constant 0 : i32
      %add3A_27 = arith.addi %mul3A_25, %add3A_26 : i32
      %get3A = arith.index_cast %add3A_27 : i32 to index
      %get3A_28 = tpu.vector_load %arg4[%get3A] {strides = array<i32>} : memref<10240xi32, #tpu.memory_space<vmem>>, vector<16xi32>,
      tpu.vector_store_idx %arg5[%get3A_28], %broadcast_in_dim3A_10 {add = true} : memref<10240xf32, #tpu.memory_space<vmem>>[vector<16xi32>], vector<16xf32>,
      %mul3A_29 = arith.constant 128 : i32
      %mul3A_30 = arith.muli %scan3A_23, %mul3A_29 : i32
      %add3A_31 = arith.constant 16 : i32
      %add3A_32 = arith.addi %mul3A_30, %add3A_31 : i32
      %get3A_33 = arith.index_cast %add3A_32 : i32 to index
      %get3A_34 = tpu.vector_load %arg4[%get3A_33] {strides = array<i32>} : memref<10240xi32, #tpu.memory_space<vmem>>, vector<16xi32>,
      tpu.vector_store_idx %arg5[%get3A_34], %broadcast_in_dim3A_10 {add = true} : memref<10240xf32, #tpu.memory_space<vmem>>[vector<16xi32>], vector<16xf32>,
      %mul3A_35 = arith.constant 128 : i32
      %mul3A_36 = arith.muli %scan3A_23, %mul3A_35 : i32
      %add3A_37 = arith.constant 32 : i32
      %add3A_38 = arith.addi %mul3A_36, %add3A_37 : i32
      %get3A_39 = arith.index_cast %add3A_38 : i32 to index
      %get3A_40 = tpu.vector_load %arg4[%get3A_39] {strides = array<i32>} : memref<10240xi32, #tpu.memory_space<vmem>>, vector<16xi32>,
      tpu.vector_store_idx %arg5[%get3A_40], %broadcast_in_dim3A_10 {add = true} : memref<10240xf32, #tpu.memory_space<vmem>>[vector<16xi32>], vector<16xf32>,
      %mul3A_41 = arith.constant 128 : i32
      %mul3A_42 = arith.muli %scan3A_23, %mul3A_41 : i32
      %add3A_43 = arith.constant 48 : i32
      %add3A_44 = arith.addi %mul3A_42, %add3A_43 : i32
      %get3A_45 = arith.index_cast %add3A_44 : i32 to index
      %get3A_46 = tpu.vector_load %arg4[%get3A_45] {strides = array<i32>} : memref<10240xi32, #tpu.memory_space<vmem>>, vector<16xi32>,
      tpu.vector_store_idx %arg5[%get3A_46], %broadcast_in_dim3A_10 {add = true} : memref<10240xf32, #tpu.memory_space<vmem>>[vector<16xi32>], vector<16xf32>,
      %mul3A_47 = arith.constant 128 : i32
      %mul3A_48 = arith.muli %scan3A_23, %mul3A_47 : i32
      %add3A_49 = arith.constant 64 : i32
      %add3A_50 = arith.addi %mul3A_48, %add3A_49 : i32
      %get3A_51 = arith.index_cast %add3A_50 : i32 to index
      %get3A_52 = tpu.vector_load %arg4[%get3A_51] {strides = array<i32>} : memref<10240xi32, #tpu.memory_space<vmem>>, vector<16xi32>,
      tpu.vector_store_idx %arg5[%get3A_52], %broadcast_in_dim3A_10 {add = true} : memref<10240xf32, #tpu.memory_space<vmem>>[vector<16xi32>], vector<16xf32>,
      %mul3A_53 = arith.constant 128 : i32
      %mul3A_54 = arith.muli %scan3A_23, %mul3A_53 : i32
      %add3A_55 = arith.constant 80 : i32
      %add3A_56 = arith.addi %mul3A_54, %add3A_55 : i32
      %get3A_57 = arith.index_cast %add3A_56 : i32 to index
      %get3A_58 = tpu.vector_load %arg4[%get3A_57] {strides = array<i32>} : memref<10240xi32, #tpu.memory_space<vmem>>, vector<16xi32>,
      tpu.vector_store_idx %arg5[%get3A_58], %broadcast_in_dim3A_10 {add = true} : memref<10240xf32, #tpu.memory_space<vmem>>[vector<16xi32>], vector<16xf32>,
      %mul3A_59 = arith.constant 128 : i32
      %mul3A_60 = arith.muli %scan3A_23, %mul3A_59 : i32
      %add3A_61 = arith.constant 96 : i32
      %add3A_62 = arith.addi %mul3A_60, %add3A_61 : i32
      %get3A_63 = arith.index_cast %add3A_62 : i32 to index
      %get3A_64 = tpu.vector_load %arg4[%get3A_63] {strides = array<i32>} : memref<10240xi32, #tpu.memory_space<vmem>>, vector<16xi32>,
      tpu.vector_store_idx %arg5[%get3A_64], %broadcast_in_dim3A_10 {add = true} : memref<10240xf32, #tpu.memory_space<vmem>>[vector<16xi32>], vector<16xf32>,
      %mul3A_65 = arith.constant 128 : i32
      %mul3A_66 = arith.muli %scan3A_23, %mul3A_65 : i32
      %add3A_67 = arith.constant 112 : i32
      %add3A_68 = arith.addi %mul3A_66, %add3A_67 : i32
      %get3A_69 = arith.index_cast %add3A_68 : i32 to index
      %get3A_70 = tpu.vector_load %arg4[%get3A_69] {strides = array<i32>} : memref<10240xi32, #tpu.memory_space<vmem>>, vector<16xi32>,
      tpu.vector_store_idx %arg5[%get3A_70], %broadcast_in_dim3A_10 {add = true} : memref<10240xf32, #tpu.memory_space<vmem>>[vector<16xi32>], vector<16xf32>,
    }
    %scan3A_16 = arith.constant 80 : i32
    %mul3A_17 = arith.constant 16 : i32
    %mul3A_18 = arith.muli %arg0, %mul3A_17 : i32
    %add3A_19 = arith.addi %mul3A_18, %arg1 : i32
    %mul3A_20 = arith.constant 10240 : i32
    %mul3A_21 = arith.muli %add3A_19, %mul3A_20 : i32
    %multiple_of3A_22 = tpu.assume_multiple %mul3A_21, 8 : i32
    "tpu.region"() ({
      %run_scoped3A = tpu.sem_alloc : memref<!tpu.dma_semaphore, #tpu.memory_space<semaphore_mem>>
      %dma_start3A_23 = tpu.memref_slice %arg3[%multiple_of3A_22] : memref<327680xf32, #tpu.memory_space<hbm>> -> memref<10240xf32, #tpu.memory_space<hbm>>
      %dma_start3A_24 = tpu.memref_slice %arg3[%multiple_of3A_22] : memref<327680xf32, #tpu.memory_space<hbm>> -> memref<10240xf32, #tpu.memory_space<hbm>>
      tpu.enqueue_dma source(%arg5 : memref<10240xf32, #tpu.memory_space<vmem>>) target(%dma_start3A_24 : memref<10240xf32, #tpu.memory_space<hbm>>) target_semaphore(%run_scoped3A : memref<!tpu.dma_semaphore, #tpu.memory_space<semaphore_mem>>)
      %dma_wait3A_25 = tpu.memref_slice %arg3[%multiple_of3A_22] : memref<327680xf32, #tpu.memory_space<hbm>> -> memref<10240xf32, #tpu.memory_space<hbm>>
      %dma_wait3A_26 = tpu.memref_slice %arg3[%multiple_of3A_22] : memref<327680xf32, #tpu.memory_space<hbm>> -> memref<10240xf32, #tpu.memory_space<hbm>>
      tpu.wait_dma2 semaphore(%run_scoped3A : memref<!tpu.dma_semaphore, #tpu.memory_space<semaphore_mem>>) src(%arg5 : memref<10240xf32, #tpu.memory_space<vmem>>) dst(%dma_wait3A_26 : memref<10240xf32, #tpu.memory_space<hbm>>)
      tpu.yield
    }) : () -> ()
    return
  }
}

#map = affine_map<(d0, d1) -> (0)>
module attributes {stable_mosaic.version = 14 : i64} {
  func.func @_prop_sc(%arg0: i32, %arg1: i32, %arg2: memref<163840xf32, #tpu.memory_space<hbm>>, %arg3: memref<327680xi32, #tpu.memory_space<hbm>>, %arg4: memref<327680xi32, #tpu.memory_space<hbm>>, %arg5: memref<327680xf32, #tpu.memory_space<hbm>>, %arg6: memref<8192xi32, #tpu.memory_space<vmem>>, %arg7: memref<8192xi32, #tpu.memory_space<vmem>>, %arg8: memref<8192xi32, #tpu.memory_space<vmem>>, %arg9: memref<8192xi32, #tpu.memory_space<vmem>>, %arg10: memref<10240xf32, #tpu.memory_space<vmem>>, %arg11: memref<10240xf32, #tpu.memory_space<vmem>>, %arg12: memref<!tpu.dma_semaphore, #tpu.memory_space<semaphore_mem>>) attributes {dimension_semantics = [#tpu.dimension_semantics<core_parallel>, #tpu.dimension_semantics<subcore_parallel>], iteration_bounds = array<i64: 2, 16>, scalar_prefetch = 0 : i64, scratch_operands = 7 : i64, tpu.core_type = #tpu.core_type<sc_vector_subcore>, window_params = [{transform_indices = #map}, {transform_indices = #map}, {transform_indices = #map}, {transform_indices = #map}]} {
    %mul3A = arith.constant 10240 : i32
    %mul3A_0 = arith.muli %arg1, %mul3A : i32
    %multiple_of3A = tpu.assume_multiple %mul3A_0, 8 : i32
    %mul3A_1 = arith.constant 163840 : i32
    %mul3A_2 = arith.muli %arg0, %mul3A_1 : i32
    %multiple_of3A_3 = tpu.assume_multiple %mul3A_2, 8 : i32
    "tpu.region"() ({
      %run_scoped3A = tpu.sem_alloc : memref<!tpu.dma_semaphore, #tpu.memory_space<semaphore_mem>>
      %dma_start3A_28 = tpu.memref_slice %arg2[%multiple_of3A] : memref<163840xf32, #tpu.memory_space<hbm>> -> memref<10240xf32, #tpu.memory_space<hbm>>
      %dma_start3A_29 = tpu.memref_slice %arg2[%multiple_of3A] : memref<163840xf32, #tpu.memory_space<hbm>> -> memref<10240xf32, #tpu.memory_space<hbm>>
      tpu.enqueue_dma source(%dma_start3A_29 : memref<10240xf32, #tpu.memory_space<hbm>>) target(%arg10 : memref<10240xf32, #tpu.memory_space<vmem>>) target_semaphore(%run_scoped3A : memref<!tpu.dma_semaphore, #tpu.memory_space<semaphore_mem>>)
      %dma_wait3A = tpu.memref_slice %arg2[%multiple_of3A] : memref<163840xf32, #tpu.memory_space<hbm>> -> memref<10240xf32, #tpu.memory_space<hbm>>
      %dma_wait3A_30 = tpu.memref_slice %arg2[%multiple_of3A] : memref<163840xf32, #tpu.memory_space<hbm>> -> memref<10240xf32, #tpu.memory_space<hbm>>
      tpu.wait_dma2 semaphore(%run_scoped3A : memref<!tpu.dma_semaphore, #tpu.memory_space<semaphore_mem>>) src(%dma_wait3A_30 : memref<10240xf32, #tpu.memory_space<hbm>>) dst(%arg10 : memref<10240xf32, #tpu.memory_space<vmem>>)
      tpu.yield
    }) : () -> ()
    %eq3A = arith.constant 0 : i32
    %eq3A_4 = arith.cmpi eq, %arg0, %eq3A : i32
    %convert_element_type3A = arith.extui %eq3A_4 : i1 to i32
    %cond3A = arith.constant 0 : i32
    %cond3A_5 = arith.cmpi ne, %convert_element_type3A, %cond3A : i32
    scf.if %cond3A_5 {
      "tpu.region"() ({
        %run_scoped3A = tpu.sem_alloc : memref<!tpu.dma_semaphore, #tpu.memory_space<semaphore_mem>>
        %dma_start3A_28 = tpu.memref_slice %arg2[%multiple_of3A] : memref<163840xf32, #tpu.memory_space<hbm>> -> memref<10240xf32, #tpu.memory_space<hbm>>
        %dma_start3A_29 = tpu.memref_slice %arg2[%multiple_of3A] : memref<163840xf32, #tpu.memory_space<hbm>> -> memref<10240xf32, #tpu.memory_space<hbm>>
        tpu.enqueue_dma source(%dma_start3A_29 : memref<10240xf32, #tpu.memory_space<hbm>>) target(%arg11 : memref<10240xf32, #tpu.memory_space<vmem>>) target_semaphore(%run_scoped3A : memref<!tpu.dma_semaphore, #tpu.memory_space<semaphore_mem>>)
        %dma_wait3A = tpu.memref_slice %arg2[%multiple_of3A] : memref<163840xf32, #tpu.memory_space<hbm>> -> memref<10240xf32, #tpu.memory_space<hbm>>
        %dma_wait3A_30 = tpu.memref_slice %arg2[%multiple_of3A] : memref<163840xf32, #tpu.memory_space<hbm>> -> memref<10240xf32, #tpu.memory_space<hbm>>
        tpu.wait_dma2 semaphore(%run_scoped3A : memref<!tpu.dma_semaphore, #tpu.memory_space<semaphore_mem>>) src(%dma_wait3A_30 : memref<10240xf32, #tpu.memory_space<hbm>>) dst(%arg11 : memref<10240xf32, #tpu.memory_space<vmem>>)
        tpu.yield
      }) : () -> ()
    } else {
    }
    %eq3A_6 = arith.constant 1 : i32
    %eq3A_7 = arith.cmpi eq, %arg0, %eq3A_6 : i32
    %convert_element_type3A_8 = arith.extui %eq3A_7 : i1 to i32
    %cond3A_9 = arith.constant 0 : i32
    %cond3A_10 = arith.cmpi ne, %convert_element_type3A_8, %cond3A_9 : i32
    scf.if %cond3A_10 {
      %scan3A_28 = arith.constant 0 : i32
      %scan3A_29 = arith.constant 0 : i32
      %scan3A_30 = arith.constant 640 : i32
      %scan3A_31 = arith.addi %scan3A_29, %scan3A_30 : i32
      %scan3A_32 = arith.constant 1 : i32
      scf.for %scan3A_34 = %scan3A_29 to %scan3A_31 step %scan3A_32  : i32 {
        %broadcast_in_dim3A = arith.constant 0.000000e+00 : f32
        %broadcast_in_dim3A_35 = vector.broadcast %broadcast_in_dim3A : f32 to vector<16xf32>
        %mul3A_36 = arith.constant 16 : i32
        %mul3A_37 = arith.muli %scan3A_34, %mul3A_36 : i32
        %swap3A = arith.index_cast %mul3A_37 : i32 to index
        %swap3A_38 = tpu.vector_load %arg11[%swap3A] {strides = array<i32>} : memref<10240xf32, #tpu.memory_space<vmem>>, vector<16xf32>,
        tpu.vector_store %arg11[%swap3A], %broadcast_in_dim3A_35 {strides = array<i32>} : memref<10240xf32, #tpu.memory_space<vmem>>, vector<16xf32>,
      }
      %scan3A_33 = arith.constant 640 : i32
    } else {
    }
    %add3A = arith.constant 0 : i32
    %add3A_11 = arith.addi %multiple_of3A_3, %add3A : i32
    %dma_start3A = tpu.memref_slice %arg3[%add3A_11] : memref<327680xi32, #tpu.memory_space<hbm>> -> memref<8192xi32, #tpu.memory_space<hbm>>
    %dma_start3A_12 = tpu.memref_slice %arg3[%add3A_11] : memref<327680xi32, #tpu.memory_space<hbm>> -> memref<8192xi32, #tpu.memory_space<hbm>>
    tpu.enqueue_dma source(%dma_start3A_12 : memref<8192xi32, #tpu.memory_space<hbm>>) target(%arg6 : memref<8192xi32, #tpu.memory_space<vmem>>) target_semaphore(%arg12 : memref<!tpu.dma_semaphore, #tpu.memory_space<semaphore_mem>>)
    %add3A_13 = arith.constant 0 : i32
    %add3A_14 = arith.addi %multiple_of3A_3, %add3A_13 : i32
    %dma_start3A_15 = tpu.memref_slice %arg4[%add3A_14] : memref<327680xi32, #tpu.memory_space<hbm>> -> memref<8192xi32, #tpu.memory_space<hbm>>
    %dma_start3A_16 = tpu.memref_slice %arg4[%add3A_14] : memref<327680xi32, #tpu.memory_space<hbm>> -> memref<8192xi32, #tpu.memory_space<hbm>>
    tpu.enqueue_dma source(%dma_start3A_16 : memref<8192xi32, #tpu.memory_space<hbm>>) target(%arg7 : memref<8192xi32, #tpu.memory_space<vmem>>) target_semaphore(%arg12 : memref<!tpu.dma_semaphore, #tpu.memory_space<semaphore_mem>>)
    %scan3A = arith.constant 0 : i32
    %scan3A_17 = arith.constant 0 : i32
    %scan3A_18 = arith.constant 10 : i32
    %scan3A_19 = arith.addi %scan3A_17, %scan3A_18 : i32
    %scan3A_20 = arith.constant 1 : i32
    scf.for %scan3A_28 = %scan3A_17 to %scan3A_19 step %scan3A_20  : i32 {
      %mul3A_29 = arith.constant 2 : i32
      %mul3A_30 = arith.muli %mul3A_29, %scan3A_28 : i32
      %multiple_of3A_31 = tpu.assume_multiple %mul3A_30, 2 : i32
      %add3A_32 = arith.constant 1 : i32
      %add3A_33 = arith.addi %multiple_of3A_31, %add3A_32 : i32
      %mul3A_34 = arith.constant 8192 : i32
      %mul3A_35 = arith.muli %add3A_33, %mul3A_34 : i32
      %add3A_36 = arith.addi %multiple_of3A_3, %mul3A_35 : i32
      %dma_start3A_37 = tpu.memref_slice %arg3[%add3A_36] : memref<327680xi32, #tpu.memory_space<hbm>> -> memref<8192xi32, #tpu.memory_space<hbm>>
      %dma_start3A_38 = tpu.memref_slice %arg3[%add3A_36] : memref<327680xi32, #tpu.memory_space<hbm>> -> memref<8192xi32, #tpu.memory_space<hbm>>
      tpu.enqueue_dma source(%dma_start3A_38 : memref<8192xi32, #tpu.memory_space<hbm>>) target(%arg8 : memref<8192xi32, #tpu.memory_space<vmem>>) target_semaphore(%arg12 : memref<!tpu.dma_semaphore, #tpu.memory_space<semaphore_mem>>)
      %mul3A_39 = arith.constant 8192 : i32
      %mul3A_40 = arith.muli %add3A_33, %mul3A_39 : i32
      %add3A_41 = arith.addi %multiple_of3A_3, %mul3A_40 : i32
      %dma_start3A_42 = tpu.memref_slice %arg4[%add3A_41] : memref<327680xi32, #tpu.memory_space<hbm>> -> memref<8192xi32, #tpu.memory_space<hbm>>
      %dma_start3A_43 = tpu.memref_slice %arg4[%add3A_41] : memref<327680xi32, #tpu.memory_space<hbm>> -> memref<8192xi32, #tpu.memory_space<hbm>>
      tpu.enqueue_dma source(%dma_start3A_43 : memref<8192xi32, #tpu.memory_space<hbm>>) target(%arg9 : memref<8192xi32, #tpu.memory_space<vmem>>) target_semaphore(%arg12 : memref<!tpu.dma_semaphore, #tpu.memory_space<semaphore_mem>>)
      %mul3A_44 = arith.constant 8192 : i32
      %mul3A_45 = arith.muli %multiple_of3A_31, %mul3A_44 : i32
      %add3A_46 = arith.addi %multiple_of3A_3, %mul3A_45 : i32
      %dma_wait3A = tpu.memref_slice %arg3[%add3A_46] : memref<327680xi32, #tpu.memory_space<hbm>> -> memref<8192xi32, #tpu.memory_space<hbm>>
      %dma_wait3A_47 = tpu.memref_slice %arg3[%add3A_46] : memref<327680xi32, #tpu.memory_space<hbm>> -> memref<8192xi32, #tpu.memory_space<hbm>>
      tpu.wait_dma2 semaphore(%arg12 : memref<!tpu.dma_semaphore, #tpu.memory_space<semaphore_mem>>) src(%dma_wait3A_47 : memref<8192xi32, #tpu.memory_space<hbm>>) dst(%arg6 : memref<8192xi32, #tpu.memory_space<vmem>>)
      %mul3A_48 = arith.constant 8192 : i32
      %mul3A_49 = arith.muli %multiple_of3A_31, %mul3A_48 : i32
      %add3A_50 = arith.addi %multiple_of3A_3, %mul3A_49 : i32
      %dma_wait3A_51 = tpu.memref_slice %arg4[%add3A_50] : memref<327680xi32, #tpu.memory_space<hbm>> -> memref<8192xi32, #tpu.memory_space<hbm>>
      %dma_wait3A_52 = tpu.memref_slice %arg4[%add3A_50] : memref<327680xi32, #tpu.memory_space<hbm>> -> memref<8192xi32, #tpu.memory_space<hbm>>
      tpu.wait_dma2 semaphore(%arg12 : memref<!tpu.dma_semaphore, #tpu.memory_space<semaphore_mem>>) src(%dma_wait3A_52 : memref<8192xi32, #tpu.memory_space<hbm>>) dst(%arg7 : memref<8192xi32, #tpu.memory_space<vmem>>)
      %scan3A_53 = arith.constant 0 : i32
      %scan3A_54 = arith.constant 0 : i32
      %scan3A_55 = arith.constant 64 : i32
      %scan3A_56 = arith.addi %scan3A_54, %scan3A_55 : i32
      %scan3A_57 = arith.constant 1 : i32
      scf.for %scan3A_79 = %scan3A_54 to %scan3A_56 step %scan3A_57  : i32 {
        %mul3A_80 = arith.constant 128 : i32
        %mul3A_81 = arith.muli %scan3A_79, %mul3A_80 : i32
        %add3A_82 = arith.constant 0 : i32
        %add3A_83 = arith.addi %mul3A_81, %add3A_82 : i32
        %get3A = arith.index_cast %add3A_83 : i32 to index
        %get3A_84 = tpu.vector_load %arg6[%get3A] {strides = array<i32>} : memref<8192xi32, #tpu.memory_space<vmem>>, vector<16xi32>,
        %get3A_85 = arith.index_cast %add3A_83 : i32 to index
        %get3A_86 = tpu.vector_load %arg7[%get3A_85] {strides = array<i32>} : memref<8192xi32, #tpu.memory_space<vmem>>, vector<16xi32>,
        %gather3A = tpu.vector_load_idx %arg10[%get3A_84] : memref<10240xf32, #tpu.memory_space<vmem>>[vector<16xi32>], vector<16xf32>,
        tpu.vector_store_idx %arg11[%get3A_86], %gather3A {add = true} : memref<10240xf32, #tpu.memory_space<vmem>>[vector<16xi32>], vector<16xf32>,
        %mul3A_87 = arith.constant 128 : i32
        %mul3A_88 = arith.muli %scan3A_79, %mul3A_87 : i32
        %add3A_89 = arith.constant 16 : i32
        %add3A_90 = arith.addi %mul3A_88, %add3A_89 : i32
        %get3A_91 = arith.index_cast %add3A_90 : i32 to index
        %get3A_92 = tpu.vector_load %arg6[%get3A_91] {strides = array<i32>} : memref<8192xi32, #tpu.memory_space<vmem>>, vector<16xi32>,
        %get3A_93 = arith.index_cast %add3A_90 : i32 to index
        %get3A_94 = tpu.vector_load %arg7[%get3A_93] {strides = array<i32>} : memref<8192xi32, #tpu.memory_space<vmem>>, vector<16xi32>,
        %gather3A_95 = tpu.vector_load_idx %arg10[%get3A_92] : memref<10240xf32, #tpu.memory_space<vmem>>[vector<16xi32>], vector<16xf32>,
        tpu.vector_store_idx %arg11[%get3A_94], %gather3A_95 {add = true} : memref<10240xf32, #tpu.memory_space<vmem>>[vector<16xi32>], vector<16xf32>,
        %mul3A_96 = arith.constant 128 : i32
        %mul3A_97 = arith.muli %scan3A_79, %mul3A_96 : i32
        %add3A_98 = arith.constant 32 : i32
        %add3A_99 = arith.addi %mul3A_97, %add3A_98 : i32
        %get3A_100 = arith.index_cast %add3A_99 : i32 to index
        %get3A_101 = tpu.vector_load %arg6[%get3A_100] {strides = array<i32>} : memref<8192xi32, #tpu.memory_space<vmem>>, vector<16xi32>,
        %get3A_102 = arith.index_cast %add3A_99 : i32 to index
        %get3A_103 = tpu.vector_load %arg7[%get3A_102] {strides = array<i32>} : memref<8192xi32, #tpu.memory_space<vmem>>, vector<16xi32>,
        %gather3A_104 = tpu.vector_load_idx %arg10[%get3A_101] : memref<10240xf32, #tpu.memory_space<vmem>>[vector<16xi32>], vector<16xf32>,
        tpu.vector_store_idx %arg11[%get3A_103], %gather3A_104 {add = true} : memref<10240xf32, #tpu.memory_space<vmem>>[vector<16xi32>], vector<16xf32>,
        %mul3A_105 = arith.constant 128 : i32
        %mul3A_106 = arith.muli %scan3A_79, %mul3A_105 : i32
        %add3A_107 = arith.constant 48 : i32
        %add3A_108 = arith.addi %mul3A_106, %add3A_107 : i32
        %get3A_109 = arith.index_cast %add3A_108 : i32 to index
        %get3A_110 = tpu.vector_load %arg6[%get3A_109] {strides = array<i32>} : memref<8192xi32, #tpu.memory_space<vmem>>, vector<16xi32>,
        %get3A_111 = arith.index_cast %add3A_108 : i32 to index
        %get3A_112 = tpu.vector_load %arg7[%get3A_111] {strides = array<i32>} : memref<8192xi32, #tpu.memory_space<vmem>>, vector<16xi32>,
        %gather3A_113 = tpu.vector_load_idx %arg10[%get3A_110] : memref<10240xf32, #tpu.memory_space<vmem>>[vector<16xi32>], vector<16xf32>,
        tpu.vector_store_idx %arg11[%get3A_112], %gather3A_113 {add = true} : memref<10240xf32, #tpu.memory_space<vmem>>[vector<16xi32>], vector<16xf32>,
        %mul3A_114 = arith.constant 128 : i32
        %mul3A_115 = arith.muli %scan3A_79, %mul3A_114 : i32
        %add3A_116 = arith.constant 64 : i32
        %add3A_117 = arith.addi %mul3A_115, %add3A_116 : i32
        %get3A_118 = arith.index_cast %add3A_117 : i32 to index
        %get3A_119 = tpu.vector_load %arg6[%get3A_118] {strides = array<i32>} : memref<8192xi32, #tpu.memory_space<vmem>>, vector<16xi32>,
        %get3A_120 = arith.index_cast %add3A_117 : i32 to index
        %get3A_121 = tpu.vector_load %arg7[%get3A_120] {strides = array<i32>} : memref<8192xi32, #tpu.memory_space<vmem>>, vector<16xi32>,
        %gather3A_122 = tpu.vector_load_idx %arg10[%get3A_119] : memref<10240xf32, #tpu.memory_space<vmem>>[vector<16xi32>], vector<16xf32>,
        tpu.vector_store_idx %arg11[%get3A_121], %gather3A_122 {add = true} : memref<10240xf32, #tpu.memory_space<vmem>>[vector<16xi32>], vector<16xf32>,
        %mul3A_123 = arith.constant 128 : i32
        %mul3A_124 = arith.muli %scan3A_79, %mul3A_123 : i32
        %add3A_125 = arith.constant 80 : i32
        %add3A_126 = arith.addi %mul3A_124, %add3A_125 : i32
        %get3A_127 = arith.index_cast %add3A_126 : i32 to index
        %get3A_128 = tpu.vector_load %arg6[%get3A_127] {strides = array<i32>} : memref<8192xi32, #tpu.memory_space<vmem>>, vector<16xi32>,
        %get3A_129 = arith.index_cast %add3A_126 : i32 to index
        %get3A_130 = tpu.vector_load %arg7[%get3A_129] {strides = array<i32>} : memref<8192xi32, #tpu.memory_space<vmem>>, vector<16xi32>,
        %gather3A_131 = tpu.vector_load_idx %arg10[%get3A_128] : memref<10240xf32, #tpu.memory_space<vmem>>[vector<16xi32>], vector<16xf32>,
        tpu.vector_store_idx %arg11[%get3A_130], %gather3A_131 {add = true} : memref<10240xf32, #tpu.memory_space<vmem>>[vector<16xi32>], vector<16xf32>,
        %mul3A_132 = arith.constant 128 : i32
        %mul3A_133 = arith.muli %scan3A_79, %mul3A_132 : i32
        %add3A_134 = arith.constant 96 : i32
        %add3A_135 = arith.addi %mul3A_133, %add3A_134 : i32
        %get3A_136 = arith.index_cast %add3A_135 : i32 to index
        %get3A_137 = tpu.vector_load %arg6[%get3A_136] {strides = array<i32>} : memref<8192xi32, #tpu.memory_space<vmem>>, vector<16xi32>,
        %get3A_138 = arith.index_cast %add3A_135 : i32 to index
        %get3A_139 = tpu.vector_load %arg7[%get3A_138] {strides = array<i32>} : memref<8192xi32, #tpu.memory_space<vmem>>, vector<16xi32>,
        %gather3A_140 = tpu.vector_load_idx %arg10[%get3A_137] : memref<10240xf32, #tpu.memory_space<vmem>>[vector<16xi32>], vector<16xf32>,
        tpu.vector_store_idx %arg11[%get3A_139], %gather3A_140 {add = true} : memref<10240xf32, #tpu.memory_space<vmem>>[vector<16xi32>], vector<16xf32>,
        %mul3A_141 = arith.constant 128 : i32
        %mul3A_142 = arith.muli %scan3A_79, %mul3A_141 : i32
        %add3A_143 = arith.constant 112 : i32
        %add3A_144 = arith.addi %mul3A_142, %add3A_143 : i32
        %get3A_145 = arith.index_cast %add3A_144 : i32 to index
        %get3A_146 = tpu.vector_load %arg6[%get3A_145] {strides = array<i32>} : memref<8192xi32, #tpu.memory_space<vmem>>, vector<16xi32>,
        %get3A_147 = arith.index_cast %add3A_144 : i32 to index
        %get3A_148 = tpu.vector_load %arg7[%get3A_147] {strides = array<i32>} : memref<8192xi32, #tpu.memory_space<vmem>>, vector<16xi32>,
        %gather3A_149 = tpu.vector_load_idx %arg10[%get3A_146] : memref<10240xf32, #tpu.memory_space<vmem>>[vector<16xi32>], vector<16xf32>,
        tpu.vector_store_idx %arg11[%get3A_148], %gather3A_149 {add = true} : memref<10240xf32, #tpu.memory_space<vmem>>[vector<16xi32>], vector<16xf32>,
      }
      %scan3A_58 = arith.constant 64 : i32
      %lt3A = arith.constant 9 : i32
      %lt3A_59 = arith.cmpi slt, %scan3A_28, %lt3A : i32
      %convert_element_type3A_60 = arith.extui %lt3A_59 : i1 to i32
      %cond3A_61 = arith.constant 0 : i32
      %cond3A_62 = arith.cmpi ne, %convert_element_type3A_60, %cond3A_61 : i32
      scf.if %cond3A_62 {
        %add3A_79 = arith.constant 2 : i32
        %add3A_80 = arith.addi %multiple_of3A_31, %add3A_79 : i32
        %mul3A_81 = arith.constant 8192 : i32
        %mul3A_82 = arith.muli %add3A_80, %mul3A_81 : i32
        %add3A_83 = arith.addi %multiple_of3A_3, %mul3A_82 : i32
        %dma_start3A_84 = tpu.memref_slice %arg3[%add3A_83] : memref<327680xi32, #tpu.memory_space<hbm>> -> memref<8192xi32, #tpu.memory_space<hbm>>
        %dma_start3A_85 = tpu.memref_slice %arg3[%add3A_83] : memref<327680xi32, #tpu.memory_space<hbm>> -> memref<8192xi32, #tpu.memory_space<hbm>>
        tpu.enqueue_dma source(%dma_start3A_85 : memref<8192xi32, #tpu.memory_space<hbm>>) target(%arg6 : memref<8192xi32, #tpu.memory_space<vmem>>) target_semaphore(%arg12 : memref<!tpu.dma_semaphore, #tpu.memory_space<semaphore_mem>>)
        %mul3A_86 = arith.constant 8192 : i32
        %mul3A_87 = arith.muli %add3A_80, %mul3A_86 : i32
        %add3A_88 = arith.addi %multiple_of3A_3, %mul3A_87 : i32
        %dma_start3A_89 = tpu.memref_slice %arg4[%add3A_88] : memref<327680xi32, #tpu.memory_space<hbm>> -> memref<8192xi32, #tpu.memory_space<hbm>>
        %dma_start3A_90 = tpu.memref_slice %arg4[%add3A_88] : memref<327680xi32, #tpu.memory_space<hbm>> -> memref<8192xi32, #tpu.memory_space<hbm>>
        tpu.enqueue_dma source(%dma_start3A_90 : memref<8192xi32, #tpu.memory_space<hbm>>) target(%arg7 : memref<8192xi32, #tpu.memory_space<vmem>>) target_semaphore(%arg12 : memref<!tpu.dma_semaphore, #tpu.memory_space<semaphore_mem>>)
      } else {
      }
      %mul3A_63 = arith.constant 8192 : i32
      %mul3A_64 = arith.muli %add3A_33, %mul3A_63 : i32
      %add3A_65 = arith.addi %multiple_of3A_3, %mul3A_64 : i32
      %dma_wait3A_66 = tpu.memref_slice %arg3[%add3A_65] : memref<327680xi32, #tpu.memory_space<hbm>> -> memref<8192xi32, #tpu.memory_space<hbm>>
      %dma_wait3A_67 = tpu.memref_slice %arg3[%add3A_65] : memref<327680xi32, #tpu.memory_space<hbm>> -> memref<8192xi32, #tpu.memory_space<hbm>>
      tpu.wait_dma2 semaphore(%arg12 : memref<!tpu.dma_semaphore, #tpu.memory_space<semaphore_mem>>) src(%dma_wait3A_67 : memref<8192xi32, #tpu.memory_space<hbm>>) dst(%arg8 : memref<8192xi32, #tpu.memory_space<vmem>>)
      %mul3A_68 = arith.constant 8192 : i32
      %mul3A_69 = arith.muli %add3A_33, %mul3A_68 : i32
      %add3A_70 = arith.addi %multiple_of3A_3, %mul3A_69 : i32
      %dma_wait3A_71 = tpu.memref_slice %arg4[%add3A_70] : memref<327680xi32, #tpu.memory_space<hbm>> -> memref<8192xi32, #tpu.memory_space<hbm>>
      %dma_wait3A_72 = tpu.memref_slice %arg4[%add3A_70] : memref<327680xi32, #tpu.memory_space<hbm>> -> memref<8192xi32, #tpu.memory_space<hbm>>
      tpu.wait_dma2 semaphore(%arg12 : memref<!tpu.dma_semaphore, #tpu.memory_space<semaphore_mem>>) src(%dma_wait3A_72 : memref<8192xi32, #tpu.memory_space<hbm>>) dst(%arg9 : memref<8192xi32, #tpu.memory_space<vmem>>)
      %scan3A_73 = arith.constant 0 : i32
      %scan3A_74 = arith.constant 0 : i32
      %scan3A_75 = arith.constant 64 : i32
      %scan3A_76 = arith.addi %scan3A_74, %scan3A_75 : i32
      %scan3A_77 = arith.constant 1 : i32
      scf.for %scan3A_79 = %scan3A_74 to %scan3A_76 step %scan3A_77  : i32 {
        %mul3A_80 = arith.constant 128 : i32
        %mul3A_81 = arith.muli %scan3A_79, %mul3A_80 : i32
        %add3A_82 = arith.constant 0 : i32
        %add3A_83 = arith.addi %mul3A_81, %add3A_82 : i32
        %get3A = arith.index_cast %add3A_83 : i32 to index
        %get3A_84 = tpu.vector_load %arg8[%get3A] {strides = array<i32>} : memref<8192xi32, #tpu.memory_space<vmem>>, vector<16xi32>,
        %get3A_85 = arith.index_cast %add3A_83 : i32 to index
        %get3A_86 = tpu.vector_load %arg9[%get3A_85] {strides = array<i32>} : memref<8192xi32, #tpu.memory_space<vmem>>, vector<16xi32>,
        %gather3A = tpu.vector_load_idx %arg10[%get3A_84] : memref<10240xf32, #tpu.memory_space<vmem>>[vector<16xi32>], vector<16xf32>,
        tpu.vector_store_idx %arg11[%get3A_86], %gather3A {add = true} : memref<10240xf32, #tpu.memory_space<vmem>>[vector<16xi32>], vector<16xf32>,
        %mul3A_87 = arith.constant 128 : i32
        %mul3A_88 = arith.muli %scan3A_79, %mul3A_87 : i32
        %add3A_89 = arith.constant 16 : i32
        %add3A_90 = arith.addi %mul3A_88, %add3A_89 : i32
        %get3A_91 = arith.index_cast %add3A_90 : i32 to index
        %get3A_92 = tpu.vector_load %arg8[%get3A_91] {strides = array<i32>} : memref<8192xi32, #tpu.memory_space<vmem>>, vector<16xi32>,
        %get3A_93 = arith.index_cast %add3A_90 : i32 to index
        %get3A_94 = tpu.vector_load %arg9[%get3A_93] {strides = array<i32>} : memref<8192xi32, #tpu.memory_space<vmem>>, vector<16xi32>,
        %gather3A_95 = tpu.vector_load_idx %arg10[%get3A_92] : memref<10240xf32, #tpu.memory_space<vmem>>[vector<16xi32>], vector<16xf32>,
        tpu.vector_store_idx %arg11[%get3A_94], %gather3A_95 {add = true} : memref<10240xf32, #tpu.memory_space<vmem>>[vector<16xi32>], vector<16xf32>,
        %mul3A_96 = arith.constant 128 : i32
        %mul3A_97 = arith.muli %scan3A_79, %mul3A_96 : i32
        %add3A_98 = arith.constant 32 : i32
        %add3A_99 = arith.addi %mul3A_97, %add3A_98 : i32
        %get3A_100 = arith.index_cast %add3A_99 : i32 to index
        %get3A_101 = tpu.vector_load %arg8[%get3A_100] {strides = array<i32>} : memref<8192xi32, #tpu.memory_space<vmem>>, vector<16xi32>,
        %get3A_102 = arith.index_cast %add3A_99 : i32 to index
        %get3A_103 = tpu.vector_load %arg9[%get3A_102] {strides = array<i32>} : memref<8192xi32, #tpu.memory_space<vmem>>, vector<16xi32>,
        %gather3A_104 = tpu.vector_load_idx %arg10[%get3A_101] : memref<10240xf32, #tpu.memory_space<vmem>>[vector<16xi32>], vector<16xf32>,
        tpu.vector_store_idx %arg11[%get3A_103], %gather3A_104 {add = true} : memref<10240xf32, #tpu.memory_space<vmem>>[vector<16xi32>], vector<16xf32>,
        %mul3A_105 = arith.constant 128 : i32
        %mul3A_106 = arith.muli %scan3A_79, %mul3A_105 : i32
        %add3A_107 = arith.constant 48 : i32
        %add3A_108 = arith.addi %mul3A_106, %add3A_107 : i32
        %get3A_109 = arith.index_cast %add3A_108 : i32 to index
        %get3A_110 = tpu.vector_load %arg8[%get3A_109] {strides = array<i32>} : memref<8192xi32, #tpu.memory_space<vmem>>, vector<16xi32>,
        %get3A_111 = arith.index_cast %add3A_108 : i32 to index
        %get3A_112 = tpu.vector_load %arg9[%get3A_111] {strides = array<i32>} : memref<8192xi32, #tpu.memory_space<vmem>>, vector<16xi32>,
        %gather3A_113 = tpu.vector_load_idx %arg10[%get3A_110] : memref<10240xf32, #tpu.memory_space<vmem>>[vector<16xi32>], vector<16xf32>,
        tpu.vector_store_idx %arg11[%get3A_112], %gather3A_113 {add = true} : memref<10240xf32, #tpu.memory_space<vmem>>[vector<16xi32>], vector<16xf32>,
        %mul3A_114 = arith.constant 128 : i32
        %mul3A_115 = arith.muli %scan3A_79, %mul3A_114 : i32
        %add3A_116 = arith.constant 64 : i32
        %add3A_117 = arith.addi %mul3A_115, %add3A_116 : i32
        %get3A_118 = arith.index_cast %add3A_117 : i32 to index
        %get3A_119 = tpu.vector_load %arg8[%get3A_118] {strides = array<i32>} : memref<8192xi32, #tpu.memory_space<vmem>>, vector<16xi32>,
        %get3A_120 = arith.index_cast %add3A_117 : i32 to index
        %get3A_121 = tpu.vector_load %arg9[%get3A_120] {strides = array<i32>} : memref<8192xi32, #tpu.memory_space<vmem>>, vector<16xi32>,
        %gather3A_122 = tpu.vector_load_idx %arg10[%get3A_119] : memref<10240xf32, #tpu.memory_space<vmem>>[vector<16xi32>], vector<16xf32>,
        tpu.vector_store_idx %arg11[%get3A_121], %gather3A_122 {add = true} : memref<10240xf32, #tpu.memory_space<vmem>>[vector<16xi32>], vector<16xf32>,
        %mul3A_123 = arith.constant 128 : i32
        %mul3A_124 = arith.muli %scan3A_79, %mul3A_123 : i32
        %add3A_125 = arith.constant 80 : i32
        %add3A_126 = arith.addi %mul3A_124, %add3A_125 : i32
        %get3A_127 = arith.index_cast %add3A_126 : i32 to index
        %get3A_128 = tpu.vector_load %arg8[%get3A_127] {strides = array<i32>} : memref<8192xi32, #tpu.memory_space<vmem>>, vector<16xi32>,
        %get3A_129 = arith.index_cast %add3A_126 : i32 to index
        %get3A_130 = tpu.vector_load %arg9[%get3A_129] {strides = array<i32>} : memref<8192xi32, #tpu.memory_space<vmem>>, vector<16xi32>,
        %gather3A_131 = tpu.vector_load_idx %arg10[%get3A_128] : memref<10240xf32, #tpu.memory_space<vmem>>[vector<16xi32>], vector<16xf32>,
        tpu.vector_store_idx %arg11[%get3A_130], %gather3A_131 {add = true} : memref<10240xf32, #tpu.memory_space<vmem>>[vector<16xi32>], vector<16xf32>,
        %mul3A_132 = arith.constant 128 : i32
        %mul3A_133 = arith.muli %scan3A_79, %mul3A_132 : i32
        %add3A_134 = arith.constant 96 : i32
        %add3A_135 = arith.addi %mul3A_133, %add3A_134 : i32
        %get3A_136 = arith.index_cast %add3A_135 : i32 to index
        %get3A_137 = tpu.vector_load %arg8[%get3A_136] {strides = array<i32>} : memref<8192xi32, #tpu.memory_space<vmem>>, vector<16xi32>,
        %get3A_138 = arith.index_cast %add3A_135 : i32 to index
        %get3A_139 = tpu.vector_load %arg9[%get3A_138] {strides = array<i32>} : memref<8192xi32, #tpu.memory_space<vmem>>, vector<16xi32>,
        %gather3A_140 = tpu.vector_load_idx %arg10[%get3A_137] : memref<10240xf32, #tpu.memory_space<vmem>>[vector<16xi32>], vector<16xf32>,
        tpu.vector_store_idx %arg11[%get3A_139], %gather3A_140 {add = true} : memref<10240xf32, #tpu.memory_space<vmem>>[vector<16xi32>], vector<16xf32>,
        %mul3A_141 = arith.constant 128 : i32
        %mul3A_142 = arith.muli %scan3A_79, %mul3A_141 : i32
        %add3A_143 = arith.constant 112 : i32
        %add3A_144 = arith.addi %mul3A_142, %add3A_143 : i32
        %get3A_145 = arith.index_cast %add3A_144 : i32 to index
        %get3A_146 = tpu.vector_load %arg8[%get3A_145] {strides = array<i32>} : memref<8192xi32, #tpu.memory_space<vmem>>, vector<16xi32>,
        %get3A_147 = arith.index_cast %add3A_144 : i32 to index
        %get3A_148 = tpu.vector_load %arg9[%get3A_147] {strides = array<i32>} : memref<8192xi32, #tpu.memory_space<vmem>>, vector<16xi32>,
        %gather3A_149 = tpu.vector_load_idx %arg10[%get3A_146] : memref<10240xf32, #tpu.memory_space<vmem>>[vector<16xi32>], vector<16xf32>,
        tpu.vector_store_idx %arg11[%get3A_148], %gather3A_149 {add = true} : memref<10240xf32, #tpu.memory_space<vmem>>[vector<16xi32>], vector<16xf32>,
      }
      %scan3A_78 = arith.constant 64 : i32
    }
    %scan3A_21 = arith.constant 10 : i32
    %mul3A_22 = arith.constant 16 : i32
    %mul3A_23 = arith.muli %arg0, %mul3A_22 : i32
    %add3A_24 = arith.addi %mul3A_23, %arg1 : i32
    %mul3A_25 = arith.constant 10240 : i32
    %mul3A_26 = arith.muli %add3A_24, %mul3A_25 : i32
    %multiple_of3A_27 = tpu.assume_multiple %mul3A_26, 8 : i32
    "tpu.region"() ({
      %run_scoped3A = tpu.sem_alloc : memref<!tpu.dma_semaphore, #tpu.memory_space<semaphore_mem>>
      %dma_start3A_28 = tpu.memref_slice %arg5[%multiple_of3A_27] : memref<327680xf32, #tpu.memory_space<hbm>> -> memref<10240xf32, #tpu.memory_space<hbm>>
      %dma_start3A_29 = tpu.memref_slice %arg5[%multiple_of3A_27] : memref<327680xf32, #tpu.memory_space<hbm>> -> memref<10240xf32, #tpu.memory_space<hbm>>
      tpu.enqueue_dma source(%arg11 : memref<10240xf32, #tpu.memory_space<vmem>>) target(%dma_start3A_29 : memref<10240xf32, #tpu.memory_space<hbm>>) target_semaphore(%run_scoped3A : memref<!tpu.dma_semaphore, #tpu.memory_space<semaphore_mem>>)
      %dma_wait3A = tpu.memref_slice %arg5[%multiple_of3A_27] : memref<327680xf32, #tpu.memory_space<hbm>> -> memref<10240xf32, #tpu.memory_space<hbm>>
      %dma_wait3A_30 = tpu.memref_slice %arg5[%multiple_of3A_27] : memref<327680xf32, #tpu.memory_space<hbm>> -> memref<10240xf32, #tpu.memory_space<hbm>>
      tpu.wait_dma2 semaphore(%run_scoped3A : memref<!tpu.dma_semaphore, #tpu.memory_space<semaphore_mem>>) src(%arg11 : memref<10240xf32, #tpu.memory_space<vmem>>) dst(%dma_wait3A_30 : memref<10240xf32, #tpu.memory_space<hbm>>)
      tpu.yield
    }) : () -> ()
    return
  }
}

#map = affine_map<(d0, d1) -> (0)>
module attributes {stable_mosaic.version = 14 : i64} {
  func.func @_prop_sc(%arg0: i32, %arg1: i32, %arg2: memref<163840xf32, #tpu.memory_space<hbm>>, %arg3: memref<327680xi32, #tpu.memory_space<hbm>>, %arg4: memref<327680xi32, #tpu.memory_space<hbm>>, %arg5: memref<327680xf32, #tpu.memory_space<hbm>>, %arg6: memref<8192xi32, #tpu.memory_space<vmem>>, %arg7: memref<8192xi32, #tpu.memory_space<vmem>>, %arg8: memref<8192xi32, #tpu.memory_space<vmem>>, %arg9: memref<8192xi32, #tpu.memory_space<vmem>>, %arg10: memref<10240xf32, #tpu.memory_space<vmem>>, %arg11: memref<10240xf32, #tpu.memory_space<vmem>>, %arg12: memref<!tpu.dma_semaphore, #tpu.memory_space<semaphore_mem>>) attributes {dimension_semantics = [#tpu.dimension_semantics<core_parallel>, #tpu.dimension_semantics<subcore_parallel>], iteration_bounds = array<i64: 2, 16>, scalar_prefetch = 0 : i64, scratch_operands = 7 : i64, tpu.core_type = #tpu.core_type<sc_vector_subcore>, window_params = [{transform_indices = #map}, {transform_indices = #map}, {transform_indices = #map}, {transform_indices = #map}]} {
    %mul3A = arith.constant 10240 : i32
    %mul3A_0 = arith.muli %arg1, %mul3A : i32
    %multiple_of3A = tpu.assume_multiple %mul3A_0, 8 : i32
    %mul3A_1 = arith.constant 163840 : i32
    %mul3A_2 = arith.muli %arg0, %mul3A_1 : i32
    %multiple_of3A_3 = tpu.assume_multiple %mul3A_2, 8 : i32
    "tpu.region"() ({
      %run_scoped3A = tpu.sem_alloc : memref<!tpu.dma_semaphore, #tpu.memory_space<semaphore_mem>>
      %dma_start3A_28 = tpu.memref_slice %arg2[%multiple_of3A] : memref<163840xf32, #tpu.memory_space<hbm>> -> memref<10240xf32, #tpu.memory_space<hbm>>
      %dma_start3A_29 = tpu.memref_slice %arg2[%multiple_of3A] : memref<163840xf32, #tpu.memory_space<hbm>> -> memref<10240xf32, #tpu.memory_space<hbm>>
      tpu.enqueue_dma source(%dma_start3A_29 : memref<10240xf32, #tpu.memory_space<hbm>>) target(%arg10 : memref<10240xf32, #tpu.memory_space<vmem>>) target_semaphore(%run_scoped3A : memref<!tpu.dma_semaphore, #tpu.memory_space<semaphore_mem>>)
      %dma_wait3A = tpu.memref_slice %arg2[%multiple_of3A] : memref<163840xf32, #tpu.memory_space<hbm>> -> memref<10240xf32, #tpu.memory_space<hbm>>
      %dma_wait3A_30 = tpu.memref_slice %arg2[%multiple_of3A] : memref<163840xf32, #tpu.memory_space<hbm>> -> memref<10240xf32, #tpu.memory_space<hbm>>
      tpu.wait_dma2 semaphore(%run_scoped3A : memref<!tpu.dma_semaphore, #tpu.memory_space<semaphore_mem>>) src(%dma_wait3A_30 : memref<10240xf32, #tpu.memory_space<hbm>>) dst(%arg10 : memref<10240xf32, #tpu.memory_space<vmem>>)
      tpu.yield
    }) : () -> ()
    %eq3A = arith.constant 0 : i32
    %eq3A_4 = arith.cmpi eq, %arg0, %eq3A : i32
    %convert_element_type3A = arith.extui %eq3A_4 : i1 to i32
    %cond3A = arith.constant 0 : i32
    %cond3A_5 = arith.cmpi ne, %convert_element_type3A, %cond3A : i32
    scf.if %cond3A_5 {
      "tpu.region"() ({
        %run_scoped3A = tpu.sem_alloc : memref<!tpu.dma_semaphore, #tpu.memory_space<semaphore_mem>>
        %dma_start3A_28 = tpu.memref_slice %arg2[%multiple_of3A] : memref<163840xf32, #tpu.memory_space<hbm>> -> memref<10240xf32, #tpu.memory_space<hbm>>
        %dma_start3A_29 = tpu.memref_slice %arg2[%multiple_of3A] : memref<163840xf32, #tpu.memory_space<hbm>> -> memref<10240xf32, #tpu.memory_space<hbm>>
        tpu.enqueue_dma source(%dma_start3A_29 : memref<10240xf32, #tpu.memory_space<hbm>>) target(%arg11 : memref<10240xf32, #tpu.memory_space<vmem>>) target_semaphore(%run_scoped3A : memref<!tpu.dma_semaphore, #tpu.memory_space<semaphore_mem>>)
        %dma_wait3A = tpu.memref_slice %arg2[%multiple_of3A] : memref<163840xf32, #tpu.memory_space<hbm>> -> memref<10240xf32, #tpu.memory_space<hbm>>
        %dma_wait3A_30 = tpu.memref_slice %arg2[%multiple_of3A] : memref<163840xf32, #tpu.memory_space<hbm>> -> memref<10240xf32, #tpu.memory_space<hbm>>
        tpu.wait_dma2 semaphore(%run_scoped3A : memref<!tpu.dma_semaphore, #tpu.memory_space<semaphore_mem>>) src(%dma_wait3A_30 : memref<10240xf32, #tpu.memory_space<hbm>>) dst(%arg11 : memref<10240xf32, #tpu.memory_space<vmem>>)
        tpu.yield
      }) : () -> ()
    } else {
    }
    %eq3A_6 = arith.constant 1 : i32
    %eq3A_7 = arith.cmpi eq, %arg0, %eq3A_6 : i32
    %convert_element_type3A_8 = arith.extui %eq3A_7 : i1 to i32
    %cond3A_9 = arith.constant 0 : i32
    %cond3A_10 = arith.cmpi ne, %convert_element_type3A_8, %cond3A_9 : i32
    scf.if %cond3A_10 {
      %scan3A_28 = arith.constant 0 : i32
      %scan3A_29 = arith.constant 0 : i32
      %scan3A_30 = arith.constant 640 : i32
      %scan3A_31 = arith.addi %scan3A_29, %scan3A_30 : i32
      %scan3A_32 = arith.constant 1 : i32
      scf.for %scan3A_34 = %scan3A_29 to %scan3A_31 step %scan3A_32  : i32 {
        %broadcast_in_dim3A = arith.constant 0.000000e+00 : f32
        %broadcast_in_dim3A_35 = vector.broadcast %broadcast_in_dim3A : f32 to vector<16xf32>
        %mul3A_36 = arith.constant 16 : i32
        %mul3A_37 = arith.muli %scan3A_34, %mul3A_36 : i32
        %swap3A = arith.index_cast %mul3A_37 : i32 to index
        %swap3A_38 = tpu.vector_load %arg11[%swap3A] {strides = array<i32>} : memref<10240xf32, #tpu.memory_space<vmem>>, vector<16xf32>,
        tpu.vector_store %arg11[%swap3A], %broadcast_in_dim3A_35 {strides = array<i32>} : memref<10240xf32, #tpu.memory_space<vmem>>, vector<16xf32>,
      }
      %scan3A_33 = arith.constant 640 : i32
    } else {
    }
    %add3A = arith.constant 0 : i32
    %add3A_11 = arith.addi %multiple_of3A_3, %add3A : i32
    %dma_start3A = tpu.memref_slice %arg3[%add3A_11] : memref<327680xi32, #tpu.memory_space<hbm>> -> memref<8192xi32, #tpu.memory_space<hbm>>
    %dma_start3A_12 = tpu.memref_slice %arg3[%add3A_11] : memref<327680xi32, #tpu.memory_space<hbm>> -> memref<8192xi32, #tpu.memory_space<hbm>>
    tpu.enqueue_dma source(%dma_start3A_12 : memref<8192xi32, #tpu.memory_space<hbm>>) target(%arg6 : memref<8192xi32, #tpu.memory_space<vmem>>) target_semaphore(%arg12 : memref<!tpu.dma_semaphore, #tpu.memory_space<semaphore_mem>>)
    %add3A_13 = arith.constant 0 : i32
    %add3A_14 = arith.addi %multiple_of3A_3, %add3A_13 : i32
    %dma_start3A_15 = tpu.memref_slice %arg4[%add3A_14] : memref<327680xi32, #tpu.memory_space<hbm>> -> memref<8192xi32, #tpu.memory_space<hbm>>
    %dma_start3A_16 = tpu.memref_slice %arg4[%add3A_14] : memref<327680xi32, #tpu.memory_space<hbm>> -> memref<8192xi32, #tpu.memory_space<hbm>>
    tpu.enqueue_dma source(%dma_start3A_16 : memref<8192xi32, #tpu.memory_space<hbm>>) target(%arg7 : memref<8192xi32, #tpu.memory_space<vmem>>) target_semaphore(%arg12 : memref<!tpu.dma_semaphore, #tpu.memory_space<semaphore_mem>>)
    %scan3A = arith.constant 0 : i32
    %scan3A_17 = arith.constant 0 : i32
    %scan3A_18 = arith.constant 10 : i32
    %scan3A_19 = arith.addi %scan3A_17, %scan3A_18 : i32
    %scan3A_20 = arith.constant 1 : i32
    scf.for %scan3A_28 = %scan3A_17 to %scan3A_19 step %scan3A_20  : i32 {
      %mul3A_29 = arith.constant 2 : i32
      %mul3A_30 = arith.muli %mul3A_29, %scan3A_28 : i32
      %multiple_of3A_31 = tpu.assume_multiple %mul3A_30, 2 : i32
      %add3A_32 = arith.constant 1 : i32
      %add3A_33 = arith.addi %multiple_of3A_31, %add3A_32 : i32
      %mul3A_34 = arith.constant 8192 : i32
      %mul3A_35 = arith.muli %add3A_33, %mul3A_34 : i32
      %add3A_36 = arith.addi %multiple_of3A_3, %mul3A_35 : i32
      %dma_start3A_37 = tpu.memref_slice %arg3[%add3A_36] : memref<327680xi32, #tpu.memory_space<hbm>> -> memref<8192xi32, #tpu.memory_space<hbm>>
      %dma_start3A_38 = tpu.memref_slice %arg3[%add3A_36] : memref<327680xi32, #tpu.memory_space<hbm>> -> memref<8192xi32, #tpu.memory_space<hbm>>
      tpu.enqueue_dma source(%dma_start3A_38 : memref<8192xi32, #tpu.memory_space<hbm>>) target(%arg8 : memref<8192xi32, #tpu.memory_space<vmem>>) target_semaphore(%arg12 : memref<!tpu.dma_semaphore, #tpu.memory_space<semaphore_mem>>)
      %mul3A_39 = arith.constant 8192 : i32
      %mul3A_40 = arith.muli %add3A_33, %mul3A_39 : i32
      %add3A_41 = arith.addi %multiple_of3A_3, %mul3A_40 : i32
      %dma_start3A_42 = tpu.memref_slice %arg4[%add3A_41] : memref<327680xi32, #tpu.memory_space<hbm>> -> memref<8192xi32, #tpu.memory_space<hbm>>
      %dma_start3A_43 = tpu.memref_slice %arg4[%add3A_41] : memref<327680xi32, #tpu.memory_space<hbm>> -> memref<8192xi32, #tpu.memory_space<hbm>>
      tpu.enqueue_dma source(%dma_start3A_43 : memref<8192xi32, #tpu.memory_space<hbm>>) target(%arg9 : memref<8192xi32, #tpu.memory_space<vmem>>) target_semaphore(%arg12 : memref<!tpu.dma_semaphore, #tpu.memory_space<semaphore_mem>>)
      %mul3A_44 = arith.constant 8192 : i32
      %mul3A_45 = arith.muli %multiple_of3A_31, %mul3A_44 : i32
      %add3A_46 = arith.addi %multiple_of3A_3, %mul3A_45 : i32
      %dma_wait3A = tpu.memref_slice %arg3[%add3A_46] : memref<327680xi32, #tpu.memory_space<hbm>> -> memref<8192xi32, #tpu.memory_space<hbm>>
      %dma_wait3A_47 = tpu.memref_slice %arg3[%add3A_46] : memref<327680xi32, #tpu.memory_space<hbm>> -> memref<8192xi32, #tpu.memory_space<hbm>>
      tpu.wait_dma2 semaphore(%arg12 : memref<!tpu.dma_semaphore, #tpu.memory_space<semaphore_mem>>) src(%dma_wait3A_47 : memref<8192xi32, #tpu.memory_space<hbm>>) dst(%arg6 : memref<8192xi32, #tpu.memory_space<vmem>>)
      %mul3A_48 = arith.constant 8192 : i32
      %mul3A_49 = arith.muli %multiple_of3A_31, %mul3A_48 : i32
      %add3A_50 = arith.addi %multiple_of3A_3, %mul3A_49 : i32
      %dma_wait3A_51 = tpu.memref_slice %arg4[%add3A_50] : memref<327680xi32, #tpu.memory_space<hbm>> -> memref<8192xi32, #tpu.memory_space<hbm>>
      %dma_wait3A_52 = tpu.memref_slice %arg4[%add3A_50] : memref<327680xi32, #tpu.memory_space<hbm>> -> memref<8192xi32, #tpu.memory_space<hbm>>
      tpu.wait_dma2 semaphore(%arg12 : memref<!tpu.dma_semaphore, #tpu.memory_space<semaphore_mem>>) src(%dma_wait3A_52 : memref<8192xi32, #tpu.memory_space<hbm>>) dst(%arg7 : memref<8192xi32, #tpu.memory_space<vmem>>)
      %scan3A_53 = arith.constant 0 : i32
      %scan3A_54 = arith.constant 0 : i32
      %scan3A_55 = arith.constant 64 : i32
      %scan3A_56 = arith.addi %scan3A_54, %scan3A_55 : i32
      %scan3A_57 = arith.constant 1 : i32
      scf.for %scan3A_79 = %scan3A_54 to %scan3A_56 step %scan3A_57  : i32 {
        %mul3A_80 = arith.constant 128 : i32
        %mul3A_81 = arith.muli %scan3A_79, %mul3A_80 : i32
        %add3A_82 = arith.constant 0 : i32
        %add3A_83 = arith.addi %mul3A_81, %add3A_82 : i32
        %get3A = arith.index_cast %add3A_83 : i32 to index
        %get3A_84 = tpu.vector_load %arg6[%get3A] {strides = array<i32>} : memref<8192xi32, #tpu.memory_space<vmem>>, vector<16xi32>,
        %get3A_85 = arith.index_cast %add3A_83 : i32 to index
        %get3A_86 = tpu.vector_load %arg7[%get3A_85] {strides = array<i32>} : memref<8192xi32, #tpu.memory_space<vmem>>, vector<16xi32>,
        %gather3A = tpu.vector_load_idx %arg10[%get3A_84] : memref<10240xf32, #tpu.memory_space<vmem>>[vector<16xi32>], vector<16xf32>,
        tpu.vector_store_idx %arg11[%get3A_86], %gather3A {add = true} : memref<10240xf32, #tpu.memory_space<vmem>>[vector<16xi32>], vector<16xf32>,
        %mul3A_87 = arith.constant 128 : i32
        %mul3A_88 = arith.muli %scan3A_79, %mul3A_87 : i32
        %add3A_89 = arith.constant 16 : i32
        %add3A_90 = arith.addi %mul3A_88, %add3A_89 : i32
        %get3A_91 = arith.index_cast %add3A_90 : i32 to index
        %get3A_92 = tpu.vector_load %arg6[%get3A_91] {strides = array<i32>} : memref<8192xi32, #tpu.memory_space<vmem>>, vector<16xi32>,
        %get3A_93 = arith.index_cast %add3A_90 : i32 to index
        %get3A_94 = tpu.vector_load %arg7[%get3A_93] {strides = array<i32>} : memref<8192xi32, #tpu.memory_space<vmem>>, vector<16xi32>,
        %gather3A_95 = tpu.vector_load_idx %arg10[%get3A_92] : memref<10240xf32, #tpu.memory_space<vmem>>[vector<16xi32>], vector<16xf32>,
        tpu.vector_store_idx %arg11[%get3A_94], %gather3A_95 {add = true} : memref<10240xf32, #tpu.memory_space<vmem>>[vector<16xi32>], vector<16xf32>,
        %mul3A_96 = arith.constant 128 : i32
        %mul3A_97 = arith.muli %scan3A_79, %mul3A_96 : i32
        %add3A_98 = arith.constant 32 : i32
        %add3A_99 = arith.addi %mul3A_97, %add3A_98 : i32
        %get3A_100 = arith.index_cast %add3A_99 : i32 to index
        %get3A_101 = tpu.vector_load %arg6[%get3A_100] {strides = array<i32>} : memref<8192xi32, #tpu.memory_space<vmem>>, vector<16xi32>,
        %get3A_102 = arith.index_cast %add3A_99 : i32 to index
        %get3A_103 = tpu.vector_load %arg7[%get3A_102] {strides = array<i32>} : memref<8192xi32, #tpu.memory_space<vmem>>, vector<16xi32>,
        %gather3A_104 = tpu.vector_load_idx %arg10[%get3A_101] : memref<10240xf32, #tpu.memory_space<vmem>>[vector<16xi32>], vector<16xf32>,
        tpu.vector_store_idx %arg11[%get3A_103], %gather3A_104 {add = true} : memref<10240xf32, #tpu.memory_space<vmem>>[vector<16xi32>], vector<16xf32>,
        %mul3A_105 = arith.constant 128 : i32
        %mul3A_106 = arith.muli %scan3A_79, %mul3A_105 : i32
        %add3A_107 = arith.constant 48 : i32
        %add3A_108 = arith.addi %mul3A_106, %add3A_107 : i32
        %get3A_109 = arith.index_cast %add3A_108 : i32 to index
        %get3A_110 = tpu.vector_load %arg6[%get3A_109] {strides = array<i32>} : memref<8192xi32, #tpu.memory_space<vmem>>, vector<16xi32>,
        %get3A_111 = arith.index_cast %add3A_108 : i32 to index
        %get3A_112 = tpu.vector_load %arg7[%get3A_111] {strides = array<i32>} : memref<8192xi32, #tpu.memory_space<vmem>>, vector<16xi32>,
        %gather3A_113 = tpu.vector_load_idx %arg10[%get3A_110] : memref<10240xf32, #tpu.memory_space<vmem>>[vector<16xi32>], vector<16xf32>,
        tpu.vector_store_idx %arg11[%get3A_112], %gather3A_113 {add = true} : memref<10240xf32, #tpu.memory_space<vmem>>[vector<16xi32>], vector<16xf32>,
        %mul3A_114 = arith.constant 128 : i32
        %mul3A_115 = arith.muli %scan3A_79, %mul3A_114 : i32
        %add3A_116 = arith.constant 64 : i32
        %add3A_117 = arith.addi %mul3A_115, %add3A_116 : i32
        %get3A_118 = arith.index_cast %add3A_117 : i32 to index
        %get3A_119 = tpu.vector_load %arg6[%get3A_118] {strides = array<i32>} : memref<8192xi32, #tpu.memory_space<vmem>>, vector<16xi32>,
        %get3A_120 = arith.index_cast %add3A_117 : i32 to index
        %get3A_121 = tpu.vector_load %arg7[%get3A_120] {strides = array<i32>} : memref<8192xi32, #tpu.memory_space<vmem>>, vector<16xi32>,
        %gather3A_122 = tpu.vector_load_idx %arg10[%get3A_119] : memref<10240xf32, #tpu.memory_space<vmem>>[vector<16xi32>], vector<16xf32>,
        tpu.vector_store_idx %arg11[%get3A_121], %gather3A_122 {add = true} : memref<10240xf32, #tpu.memory_space<vmem>>[vector<16xi32>], vector<16xf32>,
        %mul3A_123 = arith.constant 128 : i32
        %mul3A_124 = arith.muli %scan3A_79, %mul3A_123 : i32
        %add3A_125 = arith.constant 80 : i32
        %add3A_126 = arith.addi %mul3A_124, %add3A_125 : i32
        %get3A_127 = arith.index_cast %add3A_126 : i32 to index
        %get3A_128 = tpu.vector_load %arg6[%get3A_127] {strides = array<i32>} : memref<8192xi32, #tpu.memory_space<vmem>>, vector<16xi32>,
        %get3A_129 = arith.index_cast %add3A_126 : i32 to index
        %get3A_130 = tpu.vector_load %arg7[%get3A_129] {strides = array<i32>} : memref<8192xi32, #tpu.memory_space<vmem>>, vector<16xi32>,
        %gather3A_131 = tpu.vector_load_idx %arg10[%get3A_128] : memref<10240xf32, #tpu.memory_space<vmem>>[vector<16xi32>], vector<16xf32>,
        tpu.vector_store_idx %arg11[%get3A_130], %gather3A_131 {add = true} : memref<10240xf32, #tpu.memory_space<vmem>>[vector<16xi32>], vector<16xf32>,
        %mul3A_132 = arith.constant 128 : i32
        %mul3A_133 = arith.muli %scan3A_79, %mul3A_132 : i32
        %add3A_134 = arith.constant 96 : i32
        %add3A_135 = arith.addi %mul3A_133, %add3A_134 : i32
        %get3A_136 = arith.index_cast %add3A_135 : i32 to index
        %get3A_137 = tpu.vector_load %arg6[%get3A_136] {strides = array<i32>} : memref<8192xi32, #tpu.memory_space<vmem>>, vector<16xi32>,
        %get3A_138 = arith.index_cast %add3A_135 : i32 to index
        %get3A_139 = tpu.vector_load %arg7[%get3A_138] {strides = array<i32>} : memref<8192xi32, #tpu.memory_space<vmem>>, vector<16xi32>,
        %gather3A_140 = tpu.vector_load_idx %arg10[%get3A_137] : memref<10240xf32, #tpu.memory_space<vmem>>[vector<16xi32>], vector<16xf32>,
        tpu.vector_store_idx %arg11[%get3A_139], %gather3A_140 {add = true} : memref<10240xf32, #tpu.memory_space<vmem>>[vector<16xi32>], vector<16xf32>,
        %mul3A_141 = arith.constant 128 : i32
        %mul3A_142 = arith.muli %scan3A_79, %mul3A_141 : i32
        %add3A_143 = arith.constant 112 : i32
        %add3A_144 = arith.addi %mul3A_142, %add3A_143 : i32
        %get3A_145 = arith.index_cast %add3A_144 : i32 to index
        %get3A_146 = tpu.vector_load %arg6[%get3A_145] {strides = array<i32>} : memref<8192xi32, #tpu.memory_space<vmem>>, vector<16xi32>,
        %get3A_147 = arith.index_cast %add3A_144 : i32 to index
        %get3A_148 = tpu.vector_load %arg7[%get3A_147] {strides = array<i32>} : memref<8192xi32, #tpu.memory_space<vmem>>, vector<16xi32>,
        %gather3A_149 = tpu.vector_load_idx %arg10[%get3A_146] : memref<10240xf32, #tpu.memory_space<vmem>>[vector<16xi32>], vector<16xf32>,
        tpu.vector_store_idx %arg11[%get3A_148], %gather3A_149 {add = true} : memref<10240xf32, #tpu.memory_space<vmem>>[vector<16xi32>], vector<16xf32>,
      }
      %scan3A_58 = arith.constant 64 : i32
      %lt3A = arith.constant 9 : i32
      %lt3A_59 = arith.cmpi slt, %scan3A_28, %lt3A : i32
      %convert_element_type3A_60 = arith.extui %lt3A_59 : i1 to i32
      %cond3A_61 = arith.constant 0 : i32
      %cond3A_62 = arith.cmpi ne, %convert_element_type3A_60, %cond3A_61 : i32
      scf.if %cond3A_62 {
        %add3A_79 = arith.constant 2 : i32
        %add3A_80 = arith.addi %multiple_of3A_31, %add3A_79 : i32
        %mul3A_81 = arith.constant 8192 : i32
        %mul3A_82 = arith.muli %add3A_80, %mul3A_81 : i32
        %add3A_83 = arith.addi %multiple_of3A_3, %mul3A_82 : i32
        %dma_start3A_84 = tpu.memref_slice %arg3[%add3A_83] : memref<327680xi32, #tpu.memory_space<hbm>> -> memref<8192xi32, #tpu.memory_space<hbm>>
        %dma_start3A_85 = tpu.memref_slice %arg3[%add3A_83] : memref<327680xi32, #tpu.memory_space<hbm>> -> memref<8192xi32, #tpu.memory_space<hbm>>
        tpu.enqueue_dma source(%dma_start3A_85 : memref<8192xi32, #tpu.memory_space<hbm>>) target(%arg6 : memref<8192xi32, #tpu.memory_space<vmem>>) target_semaphore(%arg12 : memref<!tpu.dma_semaphore, #tpu.memory_space<semaphore_mem>>)
        %mul3A_86 = arith.constant 8192 : i32
        %mul3A_87 = arith.muli %add3A_80, %mul3A_86 : i32
        %add3A_88 = arith.addi %multiple_of3A_3, %mul3A_87 : i32
        %dma_start3A_89 = tpu.memref_slice %arg4[%add3A_88] : memref<327680xi32, #tpu.memory_space<hbm>> -> memref<8192xi32, #tpu.memory_space<hbm>>
        %dma_start3A_90 = tpu.memref_slice %arg4[%add3A_88] : memref<327680xi32, #tpu.memory_space<hbm>> -> memref<8192xi32, #tpu.memory_space<hbm>>
        tpu.enqueue_dma source(%dma_start3A_90 : memref<8192xi32, #tpu.memory_space<hbm>>) target(%arg7 : memref<8192xi32, #tpu.memory_space<vmem>>) target_semaphore(%arg12 : memref<!tpu.dma_semaphore, #tpu.memory_space<semaphore_mem>>)
      } else {
      }
      %mul3A_63 = arith.constant 8192 : i32
      %mul3A_64 = arith.muli %add3A_33, %mul3A_63 : i32
      %add3A_65 = arith.addi %multiple_of3A_3, %mul3A_64 : i32
      %dma_wait3A_66 = tpu.memref_slice %arg3[%add3A_65] : memref<327680xi32, #tpu.memory_space<hbm>> -> memref<8192xi32, #tpu.memory_space<hbm>>
      %dma_wait3A_67 = tpu.memref_slice %arg3[%add3A_65] : memref<327680xi32, #tpu.memory_space<hbm>> -> memref<8192xi32, #tpu.memory_space<hbm>>
      tpu.wait_dma2 semaphore(%arg12 : memref<!tpu.dma_semaphore, #tpu.memory_space<semaphore_mem>>) src(%dma_wait3A_67 : memref<8192xi32, #tpu.memory_space<hbm>>) dst(%arg8 : memref<8192xi32, #tpu.memory_space<vmem>>)
      %mul3A_68 = arith.constant 8192 : i32
      %mul3A_69 = arith.muli %add3A_33, %mul3A_68 : i32
      %add3A_70 = arith.addi %multiple_of3A_3, %mul3A_69 : i32
      %dma_wait3A_71 = tpu.memref_slice %arg4[%add3A_70] : memref<327680xi32, #tpu.memory_space<hbm>> -> memref<8192xi32, #tpu.memory_space<hbm>>
      %dma_wait3A_72 = tpu.memref_slice %arg4[%add3A_70] : memref<327680xi32, #tpu.memory_space<hbm>> -> memref<8192xi32, #tpu.memory_space<hbm>>
      tpu.wait_dma2 semaphore(%arg12 : memref<!tpu.dma_semaphore, #tpu.memory_space<semaphore_mem>>) src(%dma_wait3A_72 : memref<8192xi32, #tpu.memory_space<hbm>>) dst(%arg9 : memref<8192xi32, #tpu.memory_space<vmem>>)
      %scan3A_73 = arith.constant 0 : i32
      %scan3A_74 = arith.constant 0 : i32
      %scan3A_75 = arith.constant 64 : i32
      %scan3A_76 = arith.addi %scan3A_74, %scan3A_75 : i32
      %scan3A_77 = arith.constant 1 : i32
      scf.for %scan3A_79 = %scan3A_74 to %scan3A_76 step %scan3A_77  : i32 {
        %mul3A_80 = arith.constant 128 : i32
        %mul3A_81 = arith.muli %scan3A_79, %mul3A_80 : i32
        %add3A_82 = arith.constant 0 : i32
        %add3A_83 = arith.addi %mul3A_81, %add3A_82 : i32
        %get3A = arith.index_cast %add3A_83 : i32 to index
        %get3A_84 = tpu.vector_load %arg8[%get3A] {strides = array<i32>} : memref<8192xi32, #tpu.memory_space<vmem>>, vector<16xi32>,
        %get3A_85 = arith.index_cast %add3A_83 : i32 to index
        %get3A_86 = tpu.vector_load %arg9[%get3A_85] {strides = array<i32>} : memref<8192xi32, #tpu.memory_space<vmem>>, vector<16xi32>,
        %gather3A = tpu.vector_load_idx %arg10[%get3A_84] : memref<10240xf32, #tpu.memory_space<vmem>>[vector<16xi32>], vector<16xf32>,
        tpu.vector_store_idx %arg11[%get3A_86], %gather3A {add = true} : memref<10240xf32, #tpu.memory_space<vmem>>[vector<16xi32>], vector<16xf32>,
        %mul3A_87 = arith.constant 128 : i32
        %mul3A_88 = arith.muli %scan3A_79, %mul3A_87 : i32
        %add3A_89 = arith.constant 16 : i32
        %add3A_90 = arith.addi %mul3A_88, %add3A_89 : i32
        %get3A_91 = arith.index_cast %add3A_90 : i32 to index
        %get3A_92 = tpu.vector_load %arg8[%get3A_91] {strides = array<i32>} : memref<8192xi32, #tpu.memory_space<vmem>>, vector<16xi32>,
        %get3A_93 = arith.index_cast %add3A_90 : i32 to index
        %get3A_94 = tpu.vector_load %arg9[%get3A_93] {strides = array<i32>} : memref<8192xi32, #tpu.memory_space<vmem>>, vector<16xi32>,
        %gather3A_95 = tpu.vector_load_idx %arg10[%get3A_92] : memref<10240xf32, #tpu.memory_space<vmem>>[vector<16xi32>], vector<16xf32>,
        tpu.vector_store_idx %arg11[%get3A_94], %gather3A_95 {add = true} : memref<10240xf32, #tpu.memory_space<vmem>>[vector<16xi32>], vector<16xf32>,
        %mul3A_96 = arith.constant 128 : i32
        %mul3A_97 = arith.muli %scan3A_79, %mul3A_96 : i32
        %add3A_98 = arith.constant 32 : i32
        %add3A_99 = arith.addi %mul3A_97, %add3A_98 : i32
        %get3A_100 = arith.index_cast %add3A_99 : i32 to index
        %get3A_101 = tpu.vector_load %arg8[%get3A_100] {strides = array<i32>} : memref<8192xi32, #tpu.memory_space<vmem>>, vector<16xi32>,
        %get3A_102 = arith.index_cast %add3A_99 : i32 to index
        %get3A_103 = tpu.vector_load %arg9[%get3A_102] {strides = array<i32>} : memref<8192xi32, #tpu.memory_space<vmem>>, vector<16xi32>,
        %gather3A_104 = tpu.vector_load_idx %arg10[%get3A_101] : memref<10240xf32, #tpu.memory_space<vmem>>[vector<16xi32>], vector<16xf32>,
        tpu.vector_store_idx %arg11[%get3A_103], %gather3A_104 {add = true} : memref<10240xf32, #tpu.memory_space<vmem>>[vector<16xi32>], vector<16xf32>,
        %mul3A_105 = arith.constant 128 : i32
        %mul3A_106 = arith.muli %scan3A_79, %mul3A_105 : i32
        %add3A_107 = arith.constant 48 : i32
        %add3A_108 = arith.addi %mul3A_106, %add3A_107 : i32
        %get3A_109 = arith.index_cast %add3A_108 : i32 to index
        %get3A_110 = tpu.vector_load %arg8[%get3A_109] {strides = array<i32>} : memref<8192xi32, #tpu.memory_space<vmem>>, vector<16xi32>,
        %get3A_111 = arith.index_cast %add3A_108 : i32 to index
        %get3A_112 = tpu.vector_load %arg9[%get3A_111] {strides = array<i32>} : memref<8192xi32, #tpu.memory_space<vmem>>, vector<16xi32>,
        %gather3A_113 = tpu.vector_load_idx %arg10[%get3A_110] : memref<10240xf32, #tpu.memory_space<vmem>>[vector<16xi32>], vector<16xf32>,
        tpu.vector_store_idx %arg11[%get3A_112], %gather3A_113 {add = true} : memref<10240xf32, #tpu.memory_space<vmem>>[vector<16xi32>], vector<16xf32>,
        %mul3A_114 = arith.constant 128 : i32
        %mul3A_115 = arith.muli %scan3A_79, %mul3A_114 : i32
        %add3A_116 = arith.constant 64 : i32
        %add3A_117 = arith.addi %mul3A_115, %add3A_116 : i32
        %get3A_118 = arith.index_cast %add3A_117 : i32 to index
        %get3A_119 = tpu.vector_load %arg8[%get3A_118] {strides = array<i32>} : memref<8192xi32, #tpu.memory_space<vmem>>, vector<16xi32>,
        %get3A_120 = arith.index_cast %add3A_117 : i32 to index
        %get3A_121 = tpu.vector_load %arg9[%get3A_120] {strides = array<i32>} : memref<8192xi32, #tpu.memory_space<vmem>>, vector<16xi32>,
        %gather3A_122 = tpu.vector_load_idx %arg10[%get3A_119] : memref<10240xf32, #tpu.memory_space<vmem>>[vector<16xi32>], vector<16xf32>,
        tpu.vector_store_idx %arg11[%get3A_121], %gather3A_122 {add = true} : memref<10240xf32, #tpu.memory_space<vmem>>[vector<16xi32>], vector<16xf32>,
        %mul3A_123 = arith.constant 128 : i32
        %mul3A_124 = arith.muli %scan3A_79, %mul3A_123 : i32
        %add3A_125 = arith.constant 80 : i32
        %add3A_126 = arith.addi %mul3A_124, %add3A_125 : i32
        %get3A_127 = arith.index_cast %add3A_126 : i32 to index
        %get3A_128 = tpu.vector_load %arg8[%get3A_127] {strides = array<i32>} : memref<8192xi32, #tpu.memory_space<vmem>>, vector<16xi32>,
        %get3A_129 = arith.index_cast %add3A_126 : i32 to index
        %get3A_130 = tpu.vector_load %arg9[%get3A_129] {strides = array<i32>} : memref<8192xi32, #tpu.memory_space<vmem>>, vector<16xi32>,
        %gather3A_131 = tpu.vector_load_idx %arg10[%get3A_128] : memref<10240xf32, #tpu.memory_space<vmem>>[vector<16xi32>], vector<16xf32>,
        tpu.vector_store_idx %arg11[%get3A_130], %gather3A_131 {add = true} : memref<10240xf32, #tpu.memory_space<vmem>>[vector<16xi32>], vector<16xf32>,
        %mul3A_132 = arith.constant 128 : i32
        %mul3A_133 = arith.muli %scan3A_79, %mul3A_132 : i32
        %add3A_134 = arith.constant 96 : i32
        %add3A_135 = arith.addi %mul3A_133, %add3A_134 : i32
        %get3A_136 = arith.index_cast %add3A_135 : i32 to index
        %get3A_137 = tpu.vector_load %arg8[%get3A_136] {strides = array<i32>} : memref<8192xi32, #tpu.memory_space<vmem>>, vector<16xi32>,
        %get3A_138 = arith.index_cast %add3A_135 : i32 to index
        %get3A_139 = tpu.vector_load %arg9[%get3A_138] {strides = array<i32>} : memref<8192xi32, #tpu.memory_space<vmem>>, vector<16xi32>,
        %gather3A_140 = tpu.vector_load_idx %arg10[%get3A_137] : memref<10240xf32, #tpu.memory_space<vmem>>[vector<16xi32>], vector<16xf32>,
        tpu.vector_store_idx %arg11[%get3A_139], %gather3A_140 {add = true} : memref<10240xf32, #tpu.memory_space<vmem>>[vector<16xi32>], vector<16xf32>,
        %mul3A_141 = arith.constant 128 : i32
        %mul3A_142 = arith.muli %scan3A_79, %mul3A_141 : i32
        %add3A_143 = arith.constant 112 : i32
        %add3A_144 = arith.addi %mul3A_142, %add3A_143 : i32
        %get3A_145 = arith.index_cast %add3A_144 : i32 to index
        %get3A_146 = tpu.vector_load %arg8[%get3A_145] {strides = array<i32>} : memref<8192xi32, #tpu.memory_space<vmem>>, vector<16xi32>,
        %get3A_147 = arith.index_cast %add3A_144 : i32 to index
        %get3A_148 = tpu.vector_load %arg9[%get3A_147] {strides = array<i32>} : memref<8192xi32, #tpu.memory_space<vmem>>, vector<16xi32>,
        %gather3A_149 = tpu.vector_load_idx %arg10[%get3A_146] : memref<10240xf32, #tpu.memory_space<vmem>>[vector<16xi32>], vector<16xf32>,
        tpu.vector_store_idx %arg11[%get3A_148], %gather3A_149 {add = true} : memref<10240xf32, #tpu.memory_space<vmem>>[vector<16xi32>], vector<16xf32>,
      }
      %scan3A_78 = arith.constant 64 : i32
    }
    %scan3A_21 = arith.constant 10 : i32
    %mul3A_22 = arith.constant 16 : i32
    %mul3A_23 = arith.muli %arg0, %mul3A_22 : i32
    %add3A_24 = arith.addi %mul3A_23, %arg1 : i32
    %mul3A_25 = arith.constant 10240 : i32
    %mul3A_26 = arith.muli %add3A_24, %mul3A_25 : i32
    %multiple_of3A_27 = tpu.assume_multiple %mul3A_26, 8 : i32
    "tpu.region"() ({
      %run_scoped3A = tpu.sem_alloc : memref<!tpu.dma_semaphore, #tpu.memory_space<semaphore_mem>>
      %dma_start3A_28 = tpu.memref_slice %arg5[%multiple_of3A_27] : memref<327680xf32, #tpu.memory_space<hbm>> -> memref<10240xf32, #tpu.memory_space<hbm>>
      %dma_start3A_29 = tpu.memref_slice %arg5[%multiple_of3A_27] : memref<327680xf32, #tpu.memory_space<hbm>> -> memref<10240xf32, #tpu.memory_space<hbm>>
      tpu.enqueue_dma source(%arg11 : memref<10240xf32, #tpu.memory_space<vmem>>) target(%dma_start3A_29 : memref<10240xf32, #tpu.memory_space<hbm>>) target_semaphore(%run_scoped3A : memref<!tpu.dma_semaphore, #tpu.memory_space<semaphore_mem>>)
      %dma_wait3A = tpu.memref_slice %arg5[%multiple_of3A_27] : memref<327680xf32, #tpu.memory_space<hbm>> -> memref<10240xf32, #tpu.memory_space<hbm>>
      %dma_wait3A_30 = tpu.memref_slice %arg5[%multiple_of3A_27] : memref<327680xf32, #tpu.memory_space<hbm>> -> memref<10240xf32, #tpu.memory_space<hbm>>
      tpu.wait_dma2 semaphore(%run_scoped3A : memref<!tpu.dma_semaphore, #tpu.memory_space<semaphore_mem>>) src(%arg11 : memref<10240xf32, #tpu.memory_space<vmem>>) dst(%dma_wait3A_30 : memref<10240xf32, #tpu.memory_space<hbm>>)
      tpu.yield
    }) : () -> ()
    return
  }
}

#map = affine_map<(d0, d1) -> (0)>
module attributes {stable_mosaic.version = 14 : i64} {
  func.func @_prop2_sc(%arg0: i32, %arg1: i32, %arg2: memref<20480xf32, #tpu.memory_space<hbm>>, %arg3: memref<327680xi32, #tpu.memory_space<hbm>>, %arg4: memref<327680xi32, #tpu.memory_space<hbm>>, %arg5: memref<327680xf32, #tpu.memory_space<hbm>>, %arg6: memref<2048xi32, #tpu.memory_space<vmem>>, %arg7: memref<2048xi32, #tpu.memory_space<vmem>>, %arg8: memref<2048xi32, #tpu.memory_space<vmem>>, %arg9: memref<2048xi32, #tpu.memory_space<vmem>>, %arg10: memref<10240xf32, #tpu.memory_space<vmem>>, %arg11: memref<10240xf32, #tpu.memory_space<vmem>>, %arg12: memref<!tpu.dma_semaphore, #tpu.memory_space<semaphore_mem>>) attributes {dimension_semantics = [#tpu.dimension_semantics<core_parallel>, #tpu.dimension_semantics<subcore_parallel>], iteration_bounds = array<i64: 2, 16>, scalar_prefetch = 0 : i64, scratch_operands = 7 : i64, tpu.core_type = #tpu.core_type<sc_vector_subcore>, window_params = [{transform_indices = #map}, {transform_indices = #map}, {transform_indices = #map}, {transform_indices = #map}]} {
    %jit3A = arith.constant 2 : i32
    %eq3A = arith.constant 0 : i32
    %eq3A_0 = arith.cmpi eq, %jit3A, %eq3A : i32
    %jit3A_1 = arith.constant 1 : i32
    %select_n3A = arith.select %eq3A_0, %jit3A_1, %jit3A : i32
    %rem3A = arith.remsi %arg1, %select_n3A : i32
    %ne3A = arith.constant 0 : i32
    %ne3A_2 = arith.cmpi ne, %rem3A, %ne3A : i32
    %lt3A = arith.constant 0 : i32
    %lt3A_3 = arith.cmpi slt, %rem3A, %lt3A : i32
    %lt3A_4 = arith.constant 0 : i32
    %lt3A_5 = arith.cmpi slt, %select_n3A, %lt3A_4 : i32
    %ne3A_6 = arith.xori %lt3A_3, %lt3A_5 : i1
    %and3A = arith.andi %ne3A_6, %ne3A_2 : i1
    %add3A = arith.addi %rem3A, %select_n3A : i32
    %select_n3A_7 = arith.select %and3A, %add3A, %rem3A : i32
    %jit3A_8 = arith.constant 2 : i32
    %div3A = arith.divsi %arg1, %jit3A_8 : i32
    %sign3A = arith.constant 0 : i32
    %sign3A_9 = arith.cmpi sgt, %arg1, %sign3A : i32
    %sign3A_10 = arith.extui %sign3A_9 : i1 to i32
    %sign3A_11 = arith.constant 0 : i32
    %sign3A_12 = arith.cmpi slt, %arg1, %sign3A_11 : i32
    %sign3A_13 = arith.extui %sign3A_12 : i1 to i32
    %sign3A_14 = arith.subi %sign3A_10, %sign3A_13 : i32
    %sign3A_15 = arith.constant 0 : i32
    %sign3A_16 = arith.cmpi sgt, %jit3A_8, %sign3A_15 : i32
    %sign3A_17 = arith.extui %sign3A_16 : i1 to i32
    %sign3A_18 = arith.constant 0 : i32
    %sign3A_19 = arith.cmpi slt, %jit3A_8, %sign3A_18 : i32
    %sign3A_20 = arith.extui %sign3A_19 : i1 to i32
    %sign3A_21 = arith.subi %sign3A_17, %sign3A_20 : i32
    %ne3A_22 = arith.cmpi ne, %sign3A_14, %sign3A_21 : i32
    %rem3A_23 = arith.remsi %arg1, %jit3A_8 : i32
    %ne3A_24 = arith.constant 0 : i32
    %ne3A_25 = arith.cmpi ne, %rem3A_23, %ne3A_24 : i32
    %and3A_26 = arith.andi %ne3A_22, %ne3A_25 : i1
    %sub3A = arith.constant 1 : i32
    %sub3A_27 = arith.subi %div3A, %sub3A : i32
    %select_n3A_28 = arith.select %and3A_26, %sub3A_27, %div3A : i32
    %mul3A = arith.constant 10240 : i32
    %mul3A_29 = arith.muli %select_n3A_7, %mul3A : i32
    %multiple_of3A = tpu.assume_multiple %mul3A_29, 8 : i32
    %mul3A_30 = arith.constant 163840 : i32
    %mul3A_31 = arith.muli %arg0, %mul3A_30 : i32
    %mul3A_32 = arith.constant 20480 : i32
    %mul3A_33 = arith.muli %select_n3A_28, %mul3A_32 : i32
    %add3A_34 = arith.addi %mul3A_31, %mul3A_33 : i32
    %multiple_of3A_35 = tpu.assume_multiple %add3A_34, 8 : i32
    "tpu.region"() ({
      %run_scoped3A = tpu.sem_alloc : memref<!tpu.dma_semaphore, #tpu.memory_space<semaphore_mem>>
      %dma_start3A_67 = tpu.memref_slice %arg2[%multiple_of3A] : memref<20480xf32, #tpu.memory_space<hbm>> -> memref<10240xf32, #tpu.memory_space<hbm>>
      %dma_start3A_68 = tpu.memref_slice %arg2[%multiple_of3A] : memref<20480xf32, #tpu.memory_space<hbm>> -> memref<10240xf32, #tpu.memory_space<hbm>>
      tpu.enqueue_dma source(%dma_start3A_68 : memref<10240xf32, #tpu.memory_space<hbm>>) target(%arg10 : memref<10240xf32, #tpu.memory_space<vmem>>) target_semaphore(%run_scoped3A : memref<!tpu.dma_semaphore, #tpu.memory_space<semaphore_mem>>)
      %dma_wait3A = tpu.memref_slice %arg2[%multiple_of3A] : memref<20480xf32, #tpu.memory_space<hbm>> -> memref<10240xf32, #tpu.memory_space<hbm>>
      %dma_wait3A_69 = tpu.memref_slice %arg2[%multiple_of3A] : memref<20480xf32, #tpu.memory_space<hbm>> -> memref<10240xf32, #tpu.memory_space<hbm>>
      tpu.wait_dma2 semaphore(%run_scoped3A : memref<!tpu.dma_semaphore, #tpu.memory_space<semaphore_mem>>) src(%dma_wait3A_69 : memref<10240xf32, #tpu.memory_space<hbm>>) dst(%arg10 : memref<10240xf32, #tpu.memory_space<vmem>>)
      tpu.yield
    }) : () -> ()
    %eq3A_36 = arith.constant 0 : i32
    %eq3A_37 = arith.cmpi eq, %arg0, %eq3A_36 : i32
    %eq3A_38 = arith.constant 0 : i32
    %eq3A_39 = arith.cmpi eq, %select_n3A_28, %eq3A_38 : i32
    %and3A_40 = arith.andi %eq3A_37, %eq3A_39 : i1
    %convert_element_type3A = arith.extui %and3A_40 : i1 to i32
    %cond3A = arith.constant 0 : i32
    %cond3A_41 = arith.cmpi ne, %convert_element_type3A, %cond3A : i32
    scf.if %cond3A_41 {
      "tpu.region"() ({
        %run_scoped3A = tpu.sem_alloc : memref<!tpu.dma_semaphore, #tpu.memory_space<semaphore_mem>>
        %dma_start3A_67 = tpu.memref_slice %arg2[%multiple_of3A] : memref<20480xf32, #tpu.memory_space<hbm>> -> memref<10240xf32, #tpu.memory_space<hbm>>
        %dma_start3A_68 = tpu.memref_slice %arg2[%multiple_of3A] : memref<20480xf32, #tpu.memory_space<hbm>> -> memref<10240xf32, #tpu.memory_space<hbm>>
        tpu.enqueue_dma source(%dma_start3A_68 : memref<10240xf32, #tpu.memory_space<hbm>>) target(%arg11 : memref<10240xf32, #tpu.memory_space<vmem>>) target_semaphore(%run_scoped3A : memref<!tpu.dma_semaphore, #tpu.memory_space<semaphore_mem>>)
        %dma_wait3A = tpu.memref_slice %arg2[%multiple_of3A] : memref<20480xf32, #tpu.memory_space<hbm>> -> memref<10240xf32, #tpu.memory_space<hbm>>
        %dma_wait3A_69 = tpu.memref_slice %arg2[%multiple_of3A] : memref<20480xf32, #tpu.memory_space<hbm>> -> memref<10240xf32, #tpu.memory_space<hbm>>
        tpu.wait_dma2 semaphore(%run_scoped3A : memref<!tpu.dma_semaphore, #tpu.memory_space<semaphore_mem>>) src(%dma_wait3A_69 : memref<10240xf32, #tpu.memory_space<hbm>>) dst(%arg11 : memref<10240xf32, #tpu.memory_space<vmem>>)
        tpu.yield
      }) : () -> ()
    } else {
    }
    %ne3A_42 = arith.constant 0 : i32
    %ne3A_43 = arith.cmpi ne, %arg0, %ne3A_42 : i32
    %ne3A_44 = arith.constant 0 : i32
    %ne3A_45 = arith.cmpi ne, %select_n3A_28, %ne3A_44 : i32
    %or3A = arith.ori %ne3A_43, %ne3A_45 : i1
    %convert_element_type3A_46 = arith.extui %or3A : i1 to i32
    %cond3A_47 = arith.constant 0 : i32
    %cond3A_48 = arith.cmpi ne, %convert_element_type3A_46, %cond3A_47 : i32
    scf.if %cond3A_48 {
      %scan3A_67 = arith.constant 0 : i32
      %scan3A_68 = arith.constant 0 : i32
      %scan3A_69 = arith.constant 640 : i32
      %scan3A_70 = arith.addi %scan3A_68, %scan3A_69 : i32
      %scan3A_71 = arith.constant 1 : i32
      scf.for %scan3A_73 = %scan3A_68 to %scan3A_70 step %scan3A_71  : i32 {
        %broadcast_in_dim3A = arith.constant 0.000000e+00 : f32
        %broadcast_in_dim3A_74 = vector.broadcast %broadcast_in_dim3A : f32 to vector<16xf32>
        %mul3A_75 = arith.constant 16 : i32
        %mul3A_76 = arith.muli %scan3A_73, %mul3A_75 : i32
        %swap3A = arith.index_cast %mul3A_76 : i32 to index
        %swap3A_77 = tpu.vector_load %arg11[%swap3A] {strides = array<i32>} : memref<10240xf32, #tpu.memory_space<vmem>>, vector<16xf32>,
        tpu.vector_store %arg11[%swap3A], %broadcast_in_dim3A_74 {strides = array<i32>} : memref<10240xf32, #tpu.memory_space<vmem>>, vector<16xf32>,
      }
      %scan3A_72 = arith.constant 640 : i32
    } else {
    }
    %add3A_49 = arith.constant 0 : i32
    %add3A_50 = arith.addi %multiple_of3A_35, %add3A_49 : i32
    %dma_start3A = tpu.memref_slice %arg3[%add3A_50] : memref<327680xi32, #tpu.memory_space<hbm>> -> memref<2048xi32, #tpu.memory_space<hbm>>
    %dma_start3A_51 = tpu.memref_slice %arg3[%add3A_50] : memref<327680xi32, #tpu.memory_space<hbm>> -> memref<2048xi32, #tpu.memory_space<hbm>>
    tpu.enqueue_dma source(%dma_start3A_51 : memref<2048xi32, #tpu.memory_space<hbm>>) target(%arg6 : memref<2048xi32, #tpu.memory_space<vmem>>) target_semaphore(%arg12 : memref<!tpu.dma_semaphore, #tpu.memory_space<semaphore_mem>>)
    %add3A_52 = arith.constant 0 : i32
    %add3A_53 = arith.addi %multiple_of3A_35, %add3A_52 : i32
    %dma_start3A_54 = tpu.memref_slice %arg4[%add3A_53] : memref<327680xi32, #tpu.memory_space<hbm>> -> memref<2048xi32, #tpu.memory_space<hbm>>
    %dma_start3A_55 = tpu.memref_slice %arg4[%add3A_53] : memref<327680xi32, #tpu.memory_space<hbm>> -> memref<2048xi32, #tpu.memory_space<hbm>>
    tpu.enqueue_dma source(%dma_start3A_55 : memref<2048xi32, #tpu.memory_space<hbm>>) target(%arg7 : memref<2048xi32, #tpu.memory_space<vmem>>) target_semaphore(%arg12 : memref<!tpu.dma_semaphore, #tpu.memory_space<semaphore_mem>>)
    %scan3A = arith.constant 0 : i32
    %scan3A_56 = arith.constant 0 : i32
    %scan3A_57 = arith.constant 5 : i32
    %scan3A_58 = arith.addi %scan3A_56, %scan3A_57 : i32
    %scan3A_59 = arith.constant 1 : i32
    scf.for %scan3A_67 = %scan3A_56 to %scan3A_58 step %scan3A_59  : i32 {
      %mul3A_68 = arith.constant 2 : i32
      %mul3A_69 = arith.muli %mul3A_68, %scan3A_67 : i32
      %multiple_of3A_70 = tpu.assume_multiple %mul3A_69, 2 : i32
      %add3A_71 = arith.constant 1 : i32
      %add3A_72 = arith.addi %multiple_of3A_70, %add3A_71 : i32
      %mul3A_73 = arith.constant 2048 : i32
      %mul3A_74 = arith.muli %add3A_72, %mul3A_73 : i32
      %add3A_75 = arith.addi %multiple_of3A_35, %mul3A_74 : i32
      %dma_start3A_76 = tpu.memref_slice %arg3[%add3A_75] : memref<327680xi32, #tpu.memory_space<hbm>> -> memref<2048xi32, #tpu.memory_space<hbm>>
      %dma_start3A_77 = tpu.memref_slice %arg3[%add3A_75] : memref<327680xi32, #tpu.memory_space<hbm>> -> memref<2048xi32, #tpu.memory_space<hbm>>
      tpu.enqueue_dma source(%dma_start3A_77 : memref<2048xi32, #tpu.memory_space<hbm>>) target(%arg8 : memref<2048xi32, #tpu.memory_space<vmem>>) target_semaphore(%arg12 : memref<!tpu.dma_semaphore, #tpu.memory_space<semaphore_mem>>)
      %mul3A_78 = arith.constant 2048 : i32
      %mul3A_79 = arith.muli %add3A_72, %mul3A_78 : i32
      %add3A_80 = arith.addi %multiple_of3A_35, %mul3A_79 : i32
      %dma_start3A_81 = tpu.memref_slice %arg4[%add3A_80] : memref<327680xi32, #tpu.memory_space<hbm>> -> memref<2048xi32, #tpu.memory_space<hbm>>
      %dma_start3A_82 = tpu.memref_slice %arg4[%add3A_80] : memref<327680xi32, #tpu.memory_space<hbm>> -> memref<2048xi32, #tpu.memory_space<hbm>>
      tpu.enqueue_dma source(%dma_start3A_82 : memref<2048xi32, #tpu.memory_space<hbm>>) target(%arg9 : memref<2048xi32, #tpu.memory_space<vmem>>) target_semaphore(%arg12 : memref<!tpu.dma_semaphore, #tpu.memory_space<semaphore_mem>>)
      %mul3A_83 = arith.constant 2048 : i32
      %mul3A_84 = arith.muli %multiple_of3A_70, %mul3A_83 : i32
      %add3A_85 = arith.addi %multiple_of3A_35, %mul3A_84 : i32
      %dma_wait3A = tpu.memref_slice %arg3[%add3A_85] : memref<327680xi32, #tpu.memory_space<hbm>> -> memref<2048xi32, #tpu.memory_space<hbm>>
      %dma_wait3A_86 = tpu.memref_slice %arg3[%add3A_85] : memref<327680xi32, #tpu.memory_space<hbm>> -> memref<2048xi32, #tpu.memory_space<hbm>>
      tpu.wait_dma2 semaphore(%arg12 : memref<!tpu.dma_semaphore, #tpu.memory_space<semaphore_mem>>) src(%dma_wait3A_86 : memref<2048xi32, #tpu.memory_space<hbm>>) dst(%arg6 : memref<2048xi32, #tpu.memory_space<vmem>>)
      %mul3A_87 = arith.constant 2048 : i32
      %mul3A_88 = arith.muli %multiple_of3A_70, %mul3A_87 : i32
      %add3A_89 = arith.addi %multiple_of3A_35, %mul3A_88 : i32
      %dma_wait3A_90 = tpu.memref_slice %arg4[%add3A_89] : memref<327680xi32, #tpu.memory_space<hbm>> -> memref<2048xi32, #tpu.memory_space<hbm>>
      %dma_wait3A_91 = tpu.memref_slice %arg4[%add3A_89] : memref<327680xi32, #tpu.memory_space<hbm>> -> memref<2048xi32, #tpu.memory_space<hbm>>
      tpu.wait_dma2 semaphore(%arg12 : memref<!tpu.dma_semaphore, #tpu.memory_space<semaphore_mem>>) src(%dma_wait3A_91 : memref<2048xi32, #tpu.memory_space<hbm>>) dst(%arg7 : memref<2048xi32, #tpu.memory_space<vmem>>)
      %scan3A_92 = arith.constant 0 : i32
      %scan3A_93 = arith.constant 0 : i32
      %scan3A_94 = arith.constant 16 : i32
      %scan3A_95 = arith.addi %scan3A_93, %scan3A_94 : i32
      %scan3A_96 = arith.constant 1 : i32
      scf.for %scan3A_119 = %scan3A_93 to %scan3A_95 step %scan3A_96  : i32 {
        %mul3A_120 = arith.constant 128 : i32
        %mul3A_121 = arith.muli %scan3A_119, %mul3A_120 : i32
        %add3A_122 = arith.constant 0 : i32
        %add3A_123 = arith.addi %mul3A_121, %add3A_122 : i32
        %get3A = arith.index_cast %add3A_123 : i32 to index
        %get3A_124 = tpu.vector_load %arg6[%get3A] {strides = array<i32>} : memref<2048xi32, #tpu.memory_space<vmem>>, vector<16xi32>,
        %get3A_125 = arith.index_cast %add3A_123 : i32 to index
        %get3A_126 = tpu.vector_load %arg7[%get3A_125] {strides = array<i32>} : memref<2048xi32, #tpu.memory_space<vmem>>, vector<16xi32>,
        %gather3A = tpu.vector_load_idx %arg10[%get3A_124] : memref<10240xf32, #tpu.memory_space<vmem>>[vector<16xi32>], vector<16xf32>,
        tpu.vector_store_idx %arg11[%get3A_126], %gather3A {add = true} : memref<10240xf32, #tpu.memory_space<vmem>>[vector<16xi32>], vector<16xf32>,
        %mul3A_127 = arith.constant 128 : i32
        %mul3A_128 = arith.muli %scan3A_119, %mul3A_127 : i32
        %add3A_129 = arith.constant 16 : i32
        %add3A_130 = arith.addi %mul3A_128, %add3A_129 : i32
        %get3A_131 = arith.index_cast %add3A_130 : i32 to index
        %get3A_132 = tpu.vector_load %arg6[%get3A_131] {strides = array<i32>} : memref<2048xi32, #tpu.memory_space<vmem>>, vector<16xi32>,
        %get3A_133 = arith.index_cast %add3A_130 : i32 to index
        %get3A_134 = tpu.vector_load %arg7[%get3A_133] {strides = array<i32>} : memref<2048xi32, #tpu.memory_space<vmem>>, vector<16xi32>,
        %gather3A_135 = tpu.vector_load_idx %arg10[%get3A_132] : memref<10240xf32, #tpu.memory_space<vmem>>[vector<16xi32>], vector<16xf32>,
        tpu.vector_store_idx %arg11[%get3A_134], %gather3A_135 {add = true} : memref<10240xf32, #tpu.memory_space<vmem>>[vector<16xi32>], vector<16xf32>,
        %mul3A_136 = arith.constant 128 : i32
        %mul3A_137 = arith.muli %scan3A_119, %mul3A_136 : i32
        %add3A_138 = arith.constant 32 : i32
        %add3A_139 = arith.addi %mul3A_137, %add3A_138 : i32
        %get3A_140 = arith.index_cast %add3A_139 : i32 to index
        %get3A_141 = tpu.vector_load %arg6[%get3A_140] {strides = array<i32>} : memref<2048xi32, #tpu.memory_space<vmem>>, vector<16xi32>,
        %get3A_142 = arith.index_cast %add3A_139 : i32 to index
        %get3A_143 = tpu.vector_load %arg7[%get3A_142] {strides = array<i32>} : memref<2048xi32, #tpu.memory_space<vmem>>, vector<16xi32>,
        %gather3A_144 = tpu.vector_load_idx %arg10[%get3A_141] : memref<10240xf32, #tpu.memory_space<vmem>>[vector<16xi32>], vector<16xf32>,
        tpu.vector_store_idx %arg11[%get3A_143], %gather3A_144 {add = true} : memref<10240xf32, #tpu.memory_space<vmem>>[vector<16xi32>], vector<16xf32>,
        %mul3A_145 = arith.constant 128 : i32
        %mul3A_146 = arith.muli %scan3A_119, %mul3A_145 : i32
        %add3A_147 = arith.constant 48 : i32
        %add3A_148 = arith.addi %mul3A_146, %add3A_147 : i32
        %get3A_149 = arith.index_cast %add3A_148 : i32 to index
        %get3A_150 = tpu.vector_load %arg6[%get3A_149] {strides = array<i32>} : memref<2048xi32, #tpu.memory_space<vmem>>, vector<16xi32>,
        %get3A_151 = arith.index_cast %add3A_148 : i32 to index
        %get3A_152 = tpu.vector_load %arg7[%get3A_151] {strides = array<i32>} : memref<2048xi32, #tpu.memory_space<vmem>>, vector<16xi32>,
        %gather3A_153 = tpu.vector_load_idx %arg10[%get3A_150] : memref<10240xf32, #tpu.memory_space<vmem>>[vector<16xi32>], vector<16xf32>,
        tpu.vector_store_idx %arg11[%get3A_152], %gather3A_153 {add = true} : memref<10240xf32, #tpu.memory_space<vmem>>[vector<16xi32>], vector<16xf32>,
        %mul3A_154 = arith.constant 128 : i32
        %mul3A_155 = arith.muli %scan3A_119, %mul3A_154 : i32
        %add3A_156 = arith.constant 64 : i32
        %add3A_157 = arith.addi %mul3A_155, %add3A_156 : i32
        %get3A_158 = arith.index_cast %add3A_157 : i32 to index
        %get3A_159 = tpu.vector_load %arg6[%get3A_158] {strides = array<i32>} : memref<2048xi32, #tpu.memory_space<vmem>>, vector<16xi32>,
        %get3A_160 = arith.index_cast %add3A_157 : i32 to index
        %get3A_161 = tpu.vector_load %arg7[%get3A_160] {strides = array<i32>} : memref<2048xi32, #tpu.memory_space<vmem>>, vector<16xi32>,
        %gather3A_162 = tpu.vector_load_idx %arg10[%get3A_159] : memref<10240xf32, #tpu.memory_space<vmem>>[vector<16xi32>], vector<16xf32>,
        tpu.vector_store_idx %arg11[%get3A_161], %gather3A_162 {add = true} : memref<10240xf32, #tpu.memory_space<vmem>>[vector<16xi32>], vector<16xf32>,
        %mul3A_163 = arith.constant 128 : i32
        %mul3A_164 = arith.muli %scan3A_119, %mul3A_163 : i32
        %add3A_165 = arith.constant 80 : i32
        %add3A_166 = arith.addi %mul3A_164, %add3A_165 : i32
        %get3A_167 = arith.index_cast %add3A_166 : i32 to index
        %get3A_168 = tpu.vector_load %arg6[%get3A_167] {strides = array<i32>} : memref<2048xi32, #tpu.memory_space<vmem>>, vector<16xi32>,
        %get3A_169 = arith.index_cast %add3A_166 : i32 to index
        %get3A_170 = tpu.vector_load %arg7[%get3A_169] {strides = array<i32>} : memref<2048xi32, #tpu.memory_space<vmem>>, vector<16xi32>,
        %gather3A_171 = tpu.vector_load_idx %arg10[%get3A_168] : memref<10240xf32, #tpu.memory_space<vmem>>[vector<16xi32>], vector<16xf32>,
        tpu.vector_store_idx %arg11[%get3A_170], %gather3A_171 {add = true} : memref<10240xf32, #tpu.memory_space<vmem>>[vector<16xi32>], vector<16xf32>,
        %mul3A_172 = arith.constant 128 : i32
        %mul3A_173 = arith.muli %scan3A_119, %mul3A_172 : i32
        %add3A_174 = arith.constant 96 : i32
        %add3A_175 = arith.addi %mul3A_173, %add3A_174 : i32
        %get3A_176 = arith.index_cast %add3A_175 : i32 to index
        %get3A_177 = tpu.vector_load %arg6[%get3A_176] {strides = array<i32>} : memref<2048xi32, #tpu.memory_space<vmem>>, vector<16xi32>,
        %get3A_178 = arith.index_cast %add3A_175 : i32 to index
        %get3A_179 = tpu.vector_load %arg7[%get3A_178] {strides = array<i32>} : memref<2048xi32, #tpu.memory_space<vmem>>, vector<16xi32>,
        %gather3A_180 = tpu.vector_load_idx %arg10[%get3A_177] : memref<10240xf32, #tpu.memory_space<vmem>>[vector<16xi32>], vector<16xf32>,
        tpu.vector_store_idx %arg11[%get3A_179], %gather3A_180 {add = true} : memref<10240xf32, #tpu.memory_space<vmem>>[vector<16xi32>], vector<16xf32>,
        %mul3A_181 = arith.constant 128 : i32
        %mul3A_182 = arith.muli %scan3A_119, %mul3A_181 : i32
        %add3A_183 = arith.constant 112 : i32
        %add3A_184 = arith.addi %mul3A_182, %add3A_183 : i32
        %get3A_185 = arith.index_cast %add3A_184 : i32 to index
        %get3A_186 = tpu.vector_load %arg6[%get3A_185] {strides = array<i32>} : memref<2048xi32, #tpu.memory_space<vmem>>, vector<16xi32>,
        %get3A_187 = arith.index_cast %add3A_184 : i32 to index
        %get3A_188 = tpu.vector_load %arg7[%get3A_187] {strides = array<i32>} : memref<2048xi32, #tpu.memory_space<vmem>>, vector<16xi32>,
        %gather3A_189 = tpu.vector_load_idx %arg10[%get3A_186] : memref<10240xf32, #tpu.memory_space<vmem>>[vector<16xi32>], vector<16xf32>,
        tpu.vector_store_idx %arg11[%get3A_188], %gather3A_189 {add = true} : memref<10240xf32, #tpu.memory_space<vmem>>[vector<16xi32>], vector<16xf32>,
      }
      %scan3A_97 = arith.constant 16 : i32
      %lt3A_98 = arith.constant 4 : i32
      %lt3A_99 = arith.cmpi slt, %scan3A_67, %lt3A_98 : i32
      %convert_element_type3A_100 = arith.extui %lt3A_99 : i1 to i32
      %cond3A_101 = arith.constant 0 : i32
      %cond3A_102 = arith.cmpi ne, %convert_element_type3A_100, %cond3A_101 : i32
      scf.if %cond3A_102 {
        %add3A_119 = arith.constant 2 : i32
        %add3A_120 = arith.addi %multiple_of3A_70, %add3A_119 : i32
        %mul3A_121 = arith.constant 2048 : i32
        %mul3A_122 = arith.muli %add3A_120, %mul3A_121 : i32
        %add3A_123 = arith.addi %multiple_of3A_35, %mul3A_122 : i32
        %dma_start3A_124 = tpu.memref_slice %arg3[%add3A_123] : memref<327680xi32, #tpu.memory_space<hbm>> -> memref<2048xi32, #tpu.memory_space<hbm>>
        %dma_start3A_125 = tpu.memref_slice %arg3[%add3A_123] : memref<327680xi32, #tpu.memory_space<hbm>> -> memref<2048xi32, #tpu.memory_space<hbm>>
        tpu.enqueue_dma source(%dma_start3A_125 : memref<2048xi32, #tpu.memory_space<hbm>>) target(%arg6 : memref<2048xi32, #tpu.memory_space<vmem>>) target_semaphore(%arg12 : memref<!tpu.dma_semaphore, #tpu.memory_space<semaphore_mem>>)
        %mul3A_126 = arith.constant 2048 : i32
        %mul3A_127 = arith.muli %add3A_120, %mul3A_126 : i32
        %add3A_128 = arith.addi %multiple_of3A_35, %mul3A_127 : i32
        %dma_start3A_129 = tpu.memref_slice %arg4[%add3A_128] : memref<327680xi32, #tpu.memory_space<hbm>> -> memref<2048xi32, #tpu.memory_space<hbm>>
        %dma_start3A_130 = tpu.memref_slice %arg4[%add3A_128] : memref<327680xi32, #tpu.memory_space<hbm>> -> memref<2048xi32, #tpu.memory_space<hbm>>
        tpu.enqueue_dma source(%dma_start3A_130 : memref<2048xi32, #tpu.memory_space<hbm>>) target(%arg7 : memref<2048xi32, #tpu.memory_space<vmem>>) target_semaphore(%arg12 : memref<!tpu.dma_semaphore, #tpu.memory_space<semaphore_mem>>)
      } else {
      }
      %mul3A_103 = arith.constant 2048 : i32
      %mul3A_104 = arith.muli %add3A_72, %mul3A_103 : i32
      %add3A_105 = arith.addi %multiple_of3A_35, %mul3A_104 : i32
      %dma_wait3A_106 = tpu.memref_slice %arg3[%add3A_105] : memref<327680xi32, #tpu.memory_space<hbm>> -> memref<2048xi32, #tpu.memory_space<hbm>>
      %dma_wait3A_107 = tpu.memref_slice %arg3[%add3A_105] : memref<327680xi32, #tpu.memory_space<hbm>> -> memref<2048xi32, #tpu.memory_space<hbm>>
      tpu.wait_dma2 semaphore(%arg12 : memref<!tpu.dma_semaphore, #tpu.memory_space<semaphore_mem>>) src(%dma_wait3A_107 : memref<2048xi32, #tpu.memory_space<hbm>>) dst(%arg8 : memref<2048xi32, #tpu.memory_space<vmem>>)
      %mul3A_108 = arith.constant 2048 : i32
      %mul3A_109 = arith.muli %add3A_72, %mul3A_108 : i32
      %add3A_110 = arith.addi %multiple_of3A_35, %mul3A_109 : i32
      %dma_wait3A_111 = tpu.memref_slice %arg4[%add3A_110] : memref<327680xi32, #tpu.memory_space<hbm>> -> memref<2048xi32, #tpu.memory_space<hbm>>
      %dma_wait3A_112 = tpu.memref_slice %arg4[%add3A_110] : memref<327680xi32, #tpu.memory_space<hbm>> -> memref<2048xi32, #tpu.memory_space<hbm>>
      tpu.wait_dma2 semaphore(%arg12 : memref<!tpu.dma_semaphore, #tpu.memory_space<semaphore_mem>>) src(%dma_wait3A_112 : memref<2048xi32, #tpu.memory_space<hbm>>) dst(%arg9 : memref<2048xi32, #tpu.memory_space<vmem>>)
      %scan3A_113 = arith.constant 0 : i32
      %scan3A_114 = arith.constant 0 : i32
      %scan3A_115 = arith.constant 16 : i32
      %scan3A_116 = arith.addi %scan3A_114, %scan3A_115 : i32
      %scan3A_117 = arith.constant 1 : i32
      scf.for %scan3A_119 = %scan3A_114 to %scan3A_116 step %scan3A_117  : i32 {
        %mul3A_120 = arith.constant 128 : i32
        %mul3A_121 = arith.muli %scan3A_119, %mul3A_120 : i32
        %add3A_122 = arith.constant 0 : i32
        %add3A_123 = arith.addi %mul3A_121, %add3A_122 : i32
        %get3A = arith.index_cast %add3A_123 : i32 to index
        %get3A_124 = tpu.vector_load %arg8[%get3A] {strides = array<i32>} : memref<2048xi32, #tpu.memory_space<vmem>>, vector<16xi32>,
        %get3A_125 = arith.index_cast %add3A_123 : i32 to index
        %get3A_126 = tpu.vector_load %arg9[%get3A_125] {strides = array<i32>} : memref<2048xi32, #tpu.memory_space<vmem>>, vector<16xi32>,
        %gather3A = tpu.vector_load_idx %arg10[%get3A_124] : memref<10240xf32, #tpu.memory_space<vmem>>[vector<16xi32>], vector<16xf32>,
        tpu.vector_store_idx %arg11[%get3A_126], %gather3A {add = true} : memref<10240xf32, #tpu.memory_space<vmem>>[vector<16xi32>], vector<16xf32>,
        %mul3A_127 = arith.constant 128 : i32
        %mul3A_128 = arith.muli %scan3A_119, %mul3A_127 : i32
        %add3A_129 = arith.constant 16 : i32
        %add3A_130 = arith.addi %mul3A_128, %add3A_129 : i32
        %get3A_131 = arith.index_cast %add3A_130 : i32 to index
        %get3A_132 = tpu.vector_load %arg8[%get3A_131] {strides = array<i32>} : memref<2048xi32, #tpu.memory_space<vmem>>, vector<16xi32>,
        %get3A_133 = arith.index_cast %add3A_130 : i32 to index
        %get3A_134 = tpu.vector_load %arg9[%get3A_133] {strides = array<i32>} : memref<2048xi32, #tpu.memory_space<vmem>>, vector<16xi32>,
        %gather3A_135 = tpu.vector_load_idx %arg10[%get3A_132] : memref<10240xf32, #tpu.memory_space<vmem>>[vector<16xi32>], vector<16xf32>,
        tpu.vector_store_idx %arg11[%get3A_134], %gather3A_135 {add = true} : memref<10240xf32, #tpu.memory_space<vmem>>[vector<16xi32>], vector<16xf32>,
        %mul3A_136 = arith.constant 128 : i32
        %mul3A_137 = arith.muli %scan3A_119, %mul3A_136 : i32
        %add3A_138 = arith.constant 32 : i32
        %add3A_139 = arith.addi %mul3A_137, %add3A_138 : i32
        %get3A_140 = arith.index_cast %add3A_139 : i32 to index
        %get3A_141 = tpu.vector_load %arg8[%get3A_140] {strides = array<i32>} : memref<2048xi32, #tpu.memory_space<vmem>>, vector<16xi32>,
        %get3A_142 = arith.index_cast %add3A_139 : i32 to index
        %get3A_143 = tpu.vector_load %arg9[%get3A_142] {strides = array<i32>} : memref<2048xi32, #tpu.memory_space<vmem>>, vector<16xi32>,
        %gather3A_144 = tpu.vector_load_idx %arg10[%get3A_141] : memref<10240xf32, #tpu.memory_space<vmem>>[vector<16xi32>], vector<16xf32>,
        tpu.vector_store_idx %arg11[%get3A_143], %gather3A_144 {add = true} : memref<10240xf32, #tpu.memory_space<vmem>>[vector<16xi32>], vector<16xf32>,
        %mul3A_145 = arith.constant 128 : i32
        %mul3A_146 = arith.muli %scan3A_119, %mul3A_145 : i32
        %add3A_147 = arith.constant 48 : i32
        %add3A_148 = arith.addi %mul3A_146, %add3A_147 : i32
        %get3A_149 = arith.index_cast %add3A_148 : i32 to index
        %get3A_150 = tpu.vector_load %arg8[%get3A_149] {strides = array<i32>} : memref<2048xi32, #tpu.memory_space<vmem>>, vector<16xi32>,
        %get3A_151 = arith.index_cast %add3A_148 : i32 to index
        %get3A_152 = tpu.vector_load %arg9[%get3A_151] {strides = array<i32>} : memref<2048xi32, #tpu.memory_space<vmem>>, vector<16xi32>,
        %gather3A_153 = tpu.vector_load_idx %arg10[%get3A_150] : memref<10240xf32, #tpu.memory_space<vmem>>[vector<16xi32>], vector<16xf32>,
        tpu.vector_store_idx %arg11[%get3A_152], %gather3A_153 {add = true} : memref<10240xf32, #tpu.memory_space<vmem>>[vector<16xi32>], vector<16xf32>,
        %mul3A_154 = arith.constant 128 : i32
        %mul3A_155 = arith.muli %scan3A_119, %mul3A_154 : i32
        %add3A_156 = arith.constant 64 : i32
        %add3A_157 = arith.addi %mul3A_155, %add3A_156 : i32
        %get3A_158 = arith.index_cast %add3A_157 : i32 to index
        %get3A_159 = tpu.vector_load %arg8[%get3A_158] {strides = array<i32>} : memref<2048xi32, #tpu.memory_space<vmem>>, vector<16xi32>,
        %get3A_160 = arith.index_cast %add3A_157 : i32 to index
        %get3A_161 = tpu.vector_load %arg9[%get3A_160] {strides = array<i32>} : memref<2048xi32, #tpu.memory_space<vmem>>, vector<16xi32>,
        %gather3A_162 = tpu.vector_load_idx %arg10[%get3A_159] : memref<10240xf32, #tpu.memory_space<vmem>>[vector<16xi32>], vector<16xf32>,
        tpu.vector_store_idx %arg11[%get3A_161], %gather3A_162 {add = true} : memref<10240xf32, #tpu.memory_space<vmem>>[vector<16xi32>], vector<16xf32>,
        %mul3A_163 = arith.constant 128 : i32
        %mul3A_164 = arith.muli %scan3A_119, %mul3A_163 : i32
        %add3A_165 = arith.constant 80 : i32
        %add3A_166 = arith.addi %mul3A_164, %add3A_165 : i32
        %get3A_167 = arith.index_cast %add3A_166 : i32 to index
        %get3A_168 = tpu.vector_load %arg8[%get3A_167] {strides = array<i32>} : memref<2048xi32, #tpu.memory_space<vmem>>, vector<16xi32>,
        %get3A_169 = arith.index_cast %add3A_166 : i32 to index
        %get3A_170 = tpu.vector_load %arg9[%get3A_169] {strides = array<i32>} : memref<2048xi32, #tpu.memory_space<vmem>>, vector<16xi32>,
        %gather3A_171 = tpu.vector_load_idx %arg10[%get3A_168] : memref<10240xf32, #tpu.memory_space<vmem>>[vector<16xi32>], vector<16xf32>,
        tpu.vector_store_idx %arg11[%get3A_170], %gather3A_171 {add = true} : memref<10240xf32, #tpu.memory_space<vmem>>[vector<16xi32>], vector<16xf32>,
        %mul3A_172 = arith.constant 128 : i32
        %mul3A_173 = arith.muli %scan3A_119, %mul3A_172 : i32
        %add3A_174 = arith.constant 96 : i32
        %add3A_175 = arith.addi %mul3A_173, %add3A_174 : i32
        %get3A_176 = arith.index_cast %add3A_175 : i32 to index
        %get3A_177 = tpu.vector_load %arg8[%get3A_176] {strides = array<i32>} : memref<2048xi32, #tpu.memory_space<vmem>>, vector<16xi32>,
        %get3A_178 = arith.index_cast %add3A_175 : i32 to index
        %get3A_179 = tpu.vector_load %arg9[%get3A_178] {strides = array<i32>} : memref<2048xi32, #tpu.memory_space<vmem>>, vector<16xi32>,
        %gather3A_180 = tpu.vector_load_idx %arg10[%get3A_177] : memref<10240xf32, #tpu.memory_space<vmem>>[vector<16xi32>], vector<16xf32>,
        tpu.vector_store_idx %arg11[%get3A_179], %gather3A_180 {add = true} : memref<10240xf32, #tpu.memory_space<vmem>>[vector<16xi32>], vector<16xf32>,
        %mul3A_181 = arith.constant 128 : i32
        %mul3A_182 = arith.muli %scan3A_119, %mul3A_181 : i32
        %add3A_183 = arith.constant 112 : i32
        %add3A_184 = arith.addi %mul3A_182, %add3A_183 : i32
        %get3A_185 = arith.index_cast %add3A_184 : i32 to index
        %get3A_186 = tpu.vector_load %arg8[%get3A_185] {strides = array<i32>} : memref<2048xi32, #tpu.memory_space<vmem>>, vector<16xi32>,
        %get3A_187 = arith.index_cast %add3A_184 : i32 to index
        %get3A_188 = tpu.vector_load %arg9[%get3A_187] {strides = array<i32>} : memref<2048xi32, #tpu.memory_space<vmem>>, vector<16xi32>,
        %gather3A_189 = tpu.vector_load_idx %arg10[%get3A_186] : memref<10240xf32, #tpu.memory_space<vmem>>[vector<16xi32>], vector<16xf32>,
        tpu.vector_store_idx %arg11[%get3A_188], %gather3A_189 {add = true} : memref<10240xf32, #tpu.memory_space<vmem>>[vector<16xi32>], vector<16xf32>,
      }
      %scan3A_118 = arith.constant 16 : i32
    }
    %scan3A_60 = arith.constant 5 : i32
    %mul3A_61 = arith.constant 16 : i32
    %mul3A_62 = arith.muli %arg0, %mul3A_61 : i32
    %add3A_63 = arith.addi %mul3A_62, %arg1 : i32
    %mul3A_64 = arith.constant 10240 : i32
    %mul3A_65 = arith.muli %add3A_63, %mul3A_64 : i32
    %multiple_of3A_66 = tpu.assume_multiple %mul3A_65, 8 : i32
    "tpu.region"() ({
      %run_scoped3A = tpu.sem_alloc : memref<!tpu.dma_semaphore, #tpu.memory_space<semaphore_mem>>
      %dma_start3A_67 = tpu.memref_slice %arg5[%multiple_of3A_66] : memref<327680xf32, #tpu.memory_space<hbm>> -> memref<10240xf32, #tpu.memory_space<hbm>>
      %dma_start3A_68 = tpu.memref_slice %arg5[%multiple_of3A_66] : memref<327680xf32, #tpu.memory_space<hbm>> -> memref<10240xf32, #tpu.memory_space<hbm>>
      tpu.enqueue_dma source(%arg11 : memref<10240xf32, #tpu.memory_space<vmem>>) target(%dma_start3A_68 : memref<10240xf32, #tpu.memory_space<hbm>>) target_semaphore(%run_scoped3A : memref<!tpu.dma_semaphore, #tpu.memory_space<semaphore_mem>>)
      %dma_wait3A = tpu.memref_slice %arg5[%multiple_of3A_66] : memref<327680xf32, #tpu.memory_space<hbm>> -> memref<10240xf32, #tpu.memory_space<hbm>>
      %dma_wait3A_69 = tpu.memref_slice %arg5[%multiple_of3A_66] : memref<327680xf32, #tpu.memory_space<hbm>> -> memref<10240xf32, #tpu.memory_space<hbm>>
      tpu.wait_dma2 semaphore(%run_scoped3A : memref<!tpu.dma_semaphore, #tpu.memory_space<semaphore_mem>>) src(%arg11 : memref<10240xf32, #tpu.memory_space<vmem>>) dst(%dma_wait3A_69 : memref<10240xf32, #tpu.memory_space<hbm>>)
      tpu.yield
    }) : () -> ()
    return
  }
}

module attributes {stable_mosaic.version = 14 : i64} {
  func.func @_prep_body(%arg0: memref<10000x128xf32, #tpu.memory_space<vmem>>, %arg1: memref<128x16xf32, #tpu.memory_space<vmem>>, %arg2: memref<32x10240xf32, #tpu.memory_space<vmem>>, %arg3: memref<16x10240xf32, #tpu.memory_space<vmem>>, %arg4: memref<1x10240xf32, #tpu.memory_space<vmem>>) attributes {dimension_semantics = [], scalar_prefetch = 0 : i64, scratch_operands = 0 : i64, tpu.core_type = #tpu.core_type<tc>} {
    %broadcast_in_dim3A = arith.constant 1.000000e+00 : f32
    %broadcast_in_dim3A_0 = vector.broadcast %broadcast_in_dim3A : f32 to vector<1x10240xf32>
    %get3A = arith.constant 0 : index
    %get3A_1 = arith.constant 0 : index
    %get3A_2 = vector.load %arg2[%get3A, %get3A_1] : memref<32x10240xf32, #tpu.memory_space<vmem>>, vector<1x10240xf32>
    %add3A = arith.addf %broadcast_in_dim3A_0, %get3A_2 : vector<1x10240xf32>
    %get3A_3 = arith.constant 1 : index
    %get3A_4 = arith.constant 0 : index
    %get3A_5 = vector.load %arg2[%get3A_3, %get3A_4] : memref<32x10240xf32, #tpu.memory_space<vmem>>, vector<1x10240xf32>
    %add3A_6 = arith.addf %add3A, %get3A_5 : vector<1x10240xf32>
    %get3A_7 = arith.constant 2 : index
    %get3A_8 = arith.constant 0 : index
    %get3A_9 = vector.load %arg2[%get3A_7, %get3A_8] : memref<32x10240xf32, #tpu.memory_space<vmem>>, vector<1x10240xf32>
    %add3A_10 = arith.addf %add3A_6, %get3A_9 : vector<1x10240xf32>
    %get3A_11 = arith.constant 3 : index
    %get3A_12 = arith.constant 0 : index
    %get3A_13 = vector.load %arg2[%get3A_11, %get3A_12] : memref<32x10240xf32, #tpu.memory_space<vmem>>, vector<1x10240xf32>
    %add3A_14 = arith.addf %add3A_10, %get3A_13 : vector<1x10240xf32>
    %get3A_15 = arith.constant 4 : index
    %get3A_16 = arith.constant 0 : index
    %get3A_17 = vector.load %arg2[%get3A_15, %get3A_16] : memref<32x10240xf32, #tpu.memory_space<vmem>>, vector<1x10240xf32>
    %add3A_18 = arith.addf %add3A_14, %get3A_17 : vector<1x10240xf32>
    %get3A_19 = arith.constant 5 : index
    %get3A_20 = arith.constant 0 : index
    %get3A_21 = vector.load %arg2[%get3A_19, %get3A_20] : memref<32x10240xf32, #tpu.memory_space<vmem>>, vector<1x10240xf32>
    %add3A_22 = arith.addf %add3A_18, %get3A_21 : vector<1x10240xf32>
    %get3A_23 = arith.constant 6 : index
    %get3A_24 = arith.constant 0 : index
    %get3A_25 = vector.load %arg2[%get3A_23, %get3A_24] : memref<32x10240xf32, #tpu.memory_space<vmem>>, vector<1x10240xf32>
    %add3A_26 = arith.addf %add3A_22, %get3A_25 : vector<1x10240xf32>
    %get3A_27 = arith.constant 7 : index
    %get3A_28 = arith.constant 0 : index
    %get3A_29 = vector.load %arg2[%get3A_27, %get3A_28] : memref<32x10240xf32, #tpu.memory_space<vmem>>, vector<1x10240xf32>
    %add3A_30 = arith.addf %add3A_26, %get3A_29 : vector<1x10240xf32>
    %get3A_31 = arith.constant 8 : index
    %get3A_32 = arith.constant 0 : index
    %get3A_33 = vector.load %arg2[%get3A_31, %get3A_32] : memref<32x10240xf32, #tpu.memory_space<vmem>>, vector<1x10240xf32>
    %add3A_34 = arith.addf %add3A_30, %get3A_33 : vector<1x10240xf32>
    %get3A_35 = arith.constant 9 : index
    %get3A_36 = arith.constant 0 : index
    %get3A_37 = vector.load %arg2[%get3A_35, %get3A_36] : memref<32x10240xf32, #tpu.memory_space<vmem>>, vector<1x10240xf32>
    %add3A_38 = arith.addf %add3A_34, %get3A_37 : vector<1x10240xf32>
    %get3A_39 = arith.constant 10 : index
    %get3A_40 = arith.constant 0 : index
    %get3A_41 = vector.load %arg2[%get3A_39, %get3A_40] : memref<32x10240xf32, #tpu.memory_space<vmem>>, vector<1x10240xf32>
    %add3A_42 = arith.addf %add3A_38, %get3A_41 : vector<1x10240xf32>
    %get3A_43 = arith.constant 11 : index
    %get3A_44 = arith.constant 0 : index
    %get3A_45 = vector.load %arg2[%get3A_43, %get3A_44] : memref<32x10240xf32, #tpu.memory_space<vmem>>, vector<1x10240xf32>
    %add3A_46 = arith.addf %add3A_42, %get3A_45 : vector<1x10240xf32>
    %get3A_47 = arith.constant 12 : index
    %get3A_48 = arith.constant 0 : index
    %get3A_49 = vector.load %arg2[%get3A_47, %get3A_48] : memref<32x10240xf32, #tpu.memory_space<vmem>>, vector<1x10240xf32>
    %add3A_50 = arith.addf %add3A_46, %get3A_49 : vector<1x10240xf32>
    %get3A_51 = arith.constant 13 : index
    %get3A_52 = arith.constant 0 : index
    %get3A_53 = vector.load %arg2[%get3A_51, %get3A_52] : memref<32x10240xf32, #tpu.memory_space<vmem>>, vector<1x10240xf32>
    %add3A_54 = arith.addf %add3A_50, %get3A_53 : vector<1x10240xf32>
    %get3A_55 = arith.constant 14 : index
    %get3A_56 = arith.constant 0 : index
    %get3A_57 = vector.load %arg2[%get3A_55, %get3A_56] : memref<32x10240xf32, #tpu.memory_space<vmem>>, vector<1x10240xf32>
    %add3A_58 = arith.addf %add3A_54, %get3A_57 : vector<1x10240xf32>
    %get3A_59 = arith.constant 15 : index
    %get3A_60 = arith.constant 0 : index
    %get3A_61 = vector.load %arg2[%get3A_59, %get3A_60] : memref<32x10240xf32, #tpu.memory_space<vmem>>, vector<1x10240xf32>
    %add3A_62 = arith.addf %add3A_58, %get3A_61 : vector<1x10240xf32>
    %get3A_63 = arith.constant 16 : index
    %get3A_64 = arith.constant 0 : index
    %get3A_65 = vector.load %arg2[%get3A_63, %get3A_64] : memref<32x10240xf32, #tpu.memory_space<vmem>>, vector<1x10240xf32>
    %add3A_66 = arith.addf %add3A_62, %get3A_65 : vector<1x10240xf32>
    %get3A_67 = arith.constant 17 : index
    %get3A_68 = arith.constant 0 : index
    %get3A_69 = vector.load %arg2[%get3A_67, %get3A_68] : memref<32x10240xf32, #tpu.memory_space<vmem>>, vector<1x10240xf32>
    %add3A_70 = arith.addf %add3A_66, %get3A_69 : vector<1x10240xf32>
    %get3A_71 = arith.constant 18 : index
    %get3A_72 = arith.constant 0 : index
    %get3A_73 = vector.load %arg2[%get3A_71, %get3A_72] : memref<32x10240xf32, #tpu.memory_space<vmem>>, vector<1x10240xf32>
    %add3A_74 = arith.addf %add3A_70, %get3A_73 : vector<1x10240xf32>
    %get3A_75 = arith.constant 19 : index
    %get3A_76 = arith.constant 0 : index
    %get3A_77 = vector.load %arg2[%get3A_75, %get3A_76] : memref<32x10240xf32, #tpu.memory_space<vmem>>, vector<1x10240xf32>
    %add3A_78 = arith.addf %add3A_74, %get3A_77 : vector<1x10240xf32>
    %get3A_79 = arith.constant 20 : index
    %get3A_80 = arith.constant 0 : index
    %get3A_81 = vector.load %arg2[%get3A_79, %get3A_80] : memref<32x10240xf32, #tpu.memory_space<vmem>>, vector<1x10240xf32>
    %add3A_82 = arith.addf %add3A_78, %get3A_81 : vector<1x10240xf32>
    %get3A_83 = arith.constant 21 : index
    %get3A_84 = arith.constant 0 : index
    %get3A_85 = vector.load %arg2[%get3A_83, %get3A_84] : memref<32x10240xf32, #tpu.memory_space<vmem>>, vector<1x10240xf32>
    %add3A_86 = arith.addf %add3A_82, %get3A_85 : vector<1x10240xf32>
    %get3A_87 = arith.constant 22 : index
    %get3A_88 = arith.constant 0 : index
    %get3A_89 = vector.load %arg2[%get3A_87, %get3A_88] : memref<32x10240xf32, #tpu.memory_space<vmem>>, vector<1x10240xf32>
    %add3A_90 = arith.addf %add3A_86, %get3A_89 : vector<1x10240xf32>
    %get3A_91 = arith.constant 23 : index
    %get3A_92 = arith.constant 0 : index
    %get3A_93 = vector.load %arg2[%get3A_91, %get3A_92] : memref<32x10240xf32, #tpu.memory_space<vmem>>, vector<1x10240xf32>
    %add3A_94 = arith.addf %add3A_90, %get3A_93 : vector<1x10240xf32>
    %get3A_95 = arith.constant 24 : index
    %get3A_96 = arith.constant 0 : index
    %get3A_97 = vector.load %arg2[%get3A_95, %get3A_96] : memref<32x10240xf32, #tpu.memory_space<vmem>>, vector<1x10240xf32>
    %add3A_98 = arith.addf %add3A_94, %get3A_97 : vector<1x10240xf32>
    %get3A_99 = arith.constant 25 : index
    %get3A_100 = arith.constant 0 : index
    %get3A_101 = vector.load %arg2[%get3A_99, %get3A_100] : memref<32x10240xf32, #tpu.memory_space<vmem>>, vector<1x10240xf32>
    %add3A_102 = arith.addf %add3A_98, %get3A_101 : vector<1x10240xf32>
    %get3A_103 = arith.constant 26 : index
    %get3A_104 = arith.constant 0 : index
    %get3A_105 = vector.load %arg2[%get3A_103, %get3A_104] : memref<32x10240xf32, #tpu.memory_space<vmem>>, vector<1x10240xf32>
    %add3A_106 = arith.addf %add3A_102, %get3A_105 : vector<1x10240xf32>
    %get3A_107 = arith.constant 27 : index
    %get3A_108 = arith.constant 0 : index
    %get3A_109 = vector.load %arg2[%get3A_107, %get3A_108] : memref<32x10240xf32, #tpu.memory_space<vmem>>, vector<1x10240xf32>
    %add3A_110 = arith.addf %add3A_106, %get3A_109 : vector<1x10240xf32>
    %get3A_111 = arith.constant 28 : index
    %get3A_112 = arith.constant 0 : index
    %get3A_113 = vector.load %arg2[%get3A_111, %get3A_112] : memref<32x10240xf32, #tpu.memory_space<vmem>>, vector<1x10240xf32>
    %add3A_114 = arith.addf %add3A_110, %get3A_113 : vector<1x10240xf32>
    %get3A_115 = arith.constant 29 : index
    %get3A_116 = arith.constant 0 : index
    %get3A_117 = vector.load %arg2[%get3A_115, %get3A_116] : memref<32x10240xf32, #tpu.memory_space<vmem>>, vector<1x10240xf32>
    %add3A_118 = arith.addf %add3A_114, %get3A_117 : vector<1x10240xf32>
    %get3A_119 = arith.constant 30 : index
    %get3A_120 = arith.constant 0 : index
    %get3A_121 = vector.load %arg2[%get3A_119, %get3A_120] : memref<32x10240xf32, #tpu.memory_space<vmem>>, vector<1x10240xf32>
    %add3A_122 = arith.addf %add3A_118, %get3A_121 : vector<1x10240xf32>
    %get3A_123 = arith.constant 31 : index
    %get3A_124 = arith.constant 0 : index
    %get3A_125 = vector.load %arg2[%get3A_123, %get3A_124] : memref<32x10240xf32, #tpu.memory_space<vmem>>, vector<1x10240xf32>
    %add3A_126 = arith.addf %add3A_122, %get3A_125 : vector<1x10240xf32>
    %iota3A = tpu.iota {dimensions = array<i32: 1>} : vector<1x10240xi32>
    %max3A = arith.constant 1.000000e+00 : f32
    %max3A_127 = vector.broadcast %max3A : f32 to vector<1x10240xf32>
    %max3A_128 = arith.maximumf %add3A_126, %max3A_127 : vector<1x10240xf32>
    %rsqrt3A = math.rsqrt %max3A_128 : vector<1x10240xf32>
    %lt3A = arith.constant 10000 : i32
    %lt3A_129 = vector.broadcast %lt3A : i32 to vector<1x10240xi32>
    %lt3A_130 = arith.cmpi slt, %iota3A, %lt3A_129 : vector<1x10240xi32>
    %convert_element_type3A = arith.extui %lt3A_130 : vector<1x10240xi1> to vector<1x10240xi32>
    %convert_element_type3A_131 = arith.sitofp %convert_element_type3A : vector<1x10240xi32> to vector<1x10240xf32>
    %mul3A = arith.mulf %rsqrt3A, %convert_element_type3A_131 : vector<1x10240xf32>
    %swap3A = arith.constant 0 : index
    %swap3A_132 = arith.constant 0 : index
    %swap3A_133 = vector.load %arg4[%swap3A, %swap3A_132] : memref<1x10240xf32, #tpu.memory_space<vmem>>, vector<1x10240xf32>
    tpu.vector_store %arg4[%swap3A, %swap3A_132], %mul3A {strides = array<i32>} : memref<1x10240xf32, #tpu.memory_space<vmem>>, vector<1x10240xf32>,
    %get3A_134 = arith.constant 0 : index
    %get3A_135 = arith.constant 0 : index
    %get3A_136 = vector.load %arg1[%get3A_134, %get3A_135] : memref<128x16xf32, #tpu.memory_space<vmem>>, vector<128x16xf32>
    %get3A_137 = arith.constant 0 : index
    %get3A_138 = arith.constant 0 : index
    %get3A_139 = vector.load %arg0[%get3A_137, %get3A_138] : memref<10000x128xf32, #tpu.memory_space<vmem>>, vector<10000x128xf32>
    %dot_general3A = arith.constant dense<0.000000e+00> : vector<16x10000xf32>
    %dot_general3A_140 = tpu.matmul %get3A_136, %get3A_139, %dot_general3A {dimension_numbers = #tpu.dot_dimension_numbers<[0], [1], [1], [0], [0, 1, 1, 0], [], []>, transpose_lhs_hint = false} : vector<128x16xf32>, vector<10000x128xf32>, vector<16x10000xf32> -> vector<16x10000xf32>
    %broadcast_in_dim3A_141 = arith.constant 0.000000e+00 : f32
    %broadcast_in_dim3A_142 = vector.broadcast %broadcast_in_dim3A_141 : f32 to vector<16x240xf32>
    %concatenate3A = tpu.concatenate %dot_general3A_140, %broadcast_in_dim3A_142 in 1 : vector<16x10000xf32>, vector<16x240xf32> -> vector<16x10240xf32>
    %mul3A_143 = vector.broadcast %mul3A : vector<1x10240xf32> to vector<16x10240xf32>
    %mul3A_144 = arith.mulf %mul3A_143, %concatenate3A : vector<16x10240xf32>
    %swap3A_145 = arith.constant 0 : index
    %swap3A_146 = arith.constant 0 : index
    %swap3A_147 = vector.load %arg3[%swap3A_145, %swap3A_146] : memref<16x10240xf32, #tpu.memory_space<vmem>>, vector<16x10240xf32>
    tpu.vector_store %arg3[%swap3A_145, %swap3A_146], %mul3A_144 {strides = array<i32>} : memref<16x10240xf32, #tpu.memory_space<vmem>>, vector<16x10240xf32>,
    return
  }
}

module attributes {stable_mosaic.version = 14 : i64} {
  func.func @_trans_body(%arg0: memref<2x16x10240xf32, #tpu.memory_space<vmem>>, %arg1: memref<1x10240xf32, #tpu.memory_space<vmem>>, %arg2: memref<16x1xf32, #tpu.memory_space<vmem>>, %arg3: memref<1x1xf32, #tpu.memory_space<vmem>>, %arg4: memref<16x16xf32, #tpu.memory_space<vmem>>, %arg5: memref<16x10240xf32, #tpu.memory_space<vmem>>) attributes {dimension_semantics = [], scalar_prefetch = 0 : i64, scratch_operands = 0 : i64, tpu.core_type = #tpu.core_type<tc>} {
    %get3A = arith.constant 0 : index
    %get3A_0 = arith.constant 0 : index
    %get3A_1 = vector.load %arg1[%get3A, %get3A_0] : memref<1x10240xf32, #tpu.memory_space<vmem>>, vector<1x10240xf32>
    %get3A_2 = arith.constant 0 : index
    %get3A_3 = arith.constant 0 : index
    %get3A_4 = arith.constant 0 : index
    %get3A_5 = vector.load %arg0[%get3A_2, %get3A_3, %get3A_4] : memref<2x16x10240xf32, #tpu.memory_space<vmem>>, vector<1x16x10240xf32>
    %get3A_6 = vector.shape_cast %get3A_5 : vector<1x16x10240xf32> to vector<16x10240xf32>
    %get3A_7 = arith.constant 1 : index
    %get3A_8 = arith.constant 0 : index
    %get3A_9 = arith.constant 0 : index
    %get3A_10 = vector.load %arg0[%get3A_7, %get3A_8, %get3A_9] : memref<2x16x10240xf32, #tpu.memory_space<vmem>>, vector<1x16x10240xf32>
    %get3A_11 = vector.shape_cast %get3A_10 : vector<1x16x10240xf32> to vector<16x10240xf32>
    %add3A = arith.addf %get3A_6, %get3A_11 : vector<16x10240xf32>
    %mul3A = vector.broadcast %get3A_1 : vector<1x10240xf32> to vector<16x10240xf32>
    %mul3A_12 = arith.mulf %mul3A, %add3A : vector<16x10240xf32>
    %get3A_13 = arith.constant 0 : index
    %get3A_14 = arith.constant 0 : index
    %get3A_15 = vector.load %arg2[%get3A_13, %get3A_14] : memref<16x1xf32, #tpu.memory_space<vmem>>, vector<16x1xf32>
    %add3A_16 = vector.broadcast %get3A_15 : vector<16x1xf32> to vector<16x10240xf32>
    %add3A_17 = arith.addf %mul3A_12, %add3A_16 : vector<16x10240xf32>
    %ge3A = arith.constant 0.000000e+00 : f32
    %ge3A_18 = vector.broadcast %ge3A : f32 to vector<16x10240xf32>
    %ge3A_19 = arith.cmpf oge, %add3A_17, %ge3A_18 : vector<16x10240xf32>
    %get3A_20 = arith.constant 0 : index
    %get3A_21 = arith.constant 0 : index
    %get3A_22 = vector.load %arg3[%get3A_20, %get3A_21] : memref<1x1xf32, #tpu.memory_space<vmem>>, vector<1x1xf32>
    %get3A_23 = vector.extract %get3A_22[0, 0] : f32 from vector<1x1xf32>
    %mul3A_24 = vector.broadcast %get3A_23 : f32 to vector<16x10240xf32>
    %mul3A_25 = arith.mulf %mul3A_24, %add3A_17 : vector<16x10240xf32>
    %select_n3A = arith.select %ge3A_19, %add3A_17, %mul3A_25 : vector<16x10240xi1>, vector<16x10240xf32>
    %get3A_26 = arith.constant 0 : index
    %get3A_27 = arith.constant 0 : index
    %get3A_28 = vector.load %arg4[%get3A_26, %get3A_27] : memref<16x16xf32, #tpu.memory_space<vmem>>, vector<16x16xf32>
    %dot_general3A = arith.constant dense<0.000000e+00> : vector<16x10240xf32>
    %dot_general3A_29 = tpu.matmul %get3A_28, %select_n3A, %dot_general3A {dimension_numbers = #tpu.dot_dimension_numbers<[0], [0], [1], [1], [0, 1, 1, 1], [], []>, transpose_lhs_hint = false} : vector<16x16xf32>, vector<16x10240xf32>, vector<16x10240xf32> -> vector<16x10240xf32>
    %mul3A_30 = vector.broadcast %get3A_1 : vector<1x10240xf32> to vector<16x10240xf32>
    %mul3A_31 = arith.mulf %mul3A_30, %dot_general3A_29 : vector<16x10240xf32>
    %swap3A = arith.constant 0 : index
    %swap3A_32 = arith.constant 0 : index
    %swap3A_33 = vector.load %arg5[%swap3A, %swap3A_32] : memref<16x10240xf32, #tpu.memory_space<vmem>>, vector<16x10240xf32>
    tpu.vector_store %arg5[%swap3A, %swap3A_32], %mul3A_31 {strides = array<i32>} : memref<16x10240xf32, #tpu.memory_space<vmem>>, vector<16x10240xf32>,
    return
  }
}

module attributes {stable_mosaic.version = 14 : i64} {
  func.func @_trans3_body(%arg0: memref<2x16x10240xf32, #tpu.memory_space<vmem>>, %arg1: memref<1x10240xf32, #tpu.memory_space<vmem>>, %arg2: memref<16x1xf32, #tpu.memory_space<vmem>>, %arg3: memref<1x1xf32, #tpu.memory_space<vmem>>, %arg4: memref<16x2xf32, #tpu.memory_space<vmem>>, %arg5: memref<2x10240xf32, #tpu.memory_space<vmem>>) attributes {dimension_semantics = [], scalar_prefetch = 0 : i64, scratch_operands = 0 : i64, tpu.core_type = #tpu.core_type<tc>} {
    %get3A = arith.constant 0 : index
    %get3A_0 = arith.constant 0 : index
    %get3A_1 = vector.load %arg1[%get3A, %get3A_0] : memref<1x10240xf32, #tpu.memory_space<vmem>>, vector<1x10240xf32>
    %get3A_2 = arith.constant 0 : index
    %get3A_3 = arith.constant 0 : index
    %get3A_4 = arith.constant 0 : index
    %get3A_5 = vector.load %arg0[%get3A_2, %get3A_3, %get3A_4] : memref<2x16x10240xf32, #tpu.memory_space<vmem>>, vector<1x16x10240xf32>
    %get3A_6 = vector.shape_cast %get3A_5 : vector<1x16x10240xf32> to vector<16x10240xf32>
    %get3A_7 = arith.constant 1 : index
    %get3A_8 = arith.constant 0 : index
    %get3A_9 = arith.constant 0 : index
    %get3A_10 = vector.load %arg0[%get3A_7, %get3A_8, %get3A_9] : memref<2x16x10240xf32, #tpu.memory_space<vmem>>, vector<1x16x10240xf32>
    %get3A_11 = vector.shape_cast %get3A_10 : vector<1x16x10240xf32> to vector<16x10240xf32>
    %add3A = arith.addf %get3A_6, %get3A_11 : vector<16x10240xf32>
    %mul3A = vector.broadcast %get3A_1 : vector<1x10240xf32> to vector<16x10240xf32>
    %mul3A_12 = arith.mulf %mul3A, %add3A : vector<16x10240xf32>
    %get3A_13 = arith.constant 0 : index
    %get3A_14 = arith.constant 0 : index
    %get3A_15 = vector.load %arg2[%get3A_13, %get3A_14] : memref<16x1xf32, #tpu.memory_space<vmem>>, vector<16x1xf32>
    %add3A_16 = vector.broadcast %get3A_15 : vector<16x1xf32> to vector<16x10240xf32>
    %add3A_17 = arith.addf %mul3A_12, %add3A_16 : vector<16x10240xf32>
    %ge3A = arith.constant 0.000000e+00 : f32
    %ge3A_18 = vector.broadcast %ge3A : f32 to vector<16x10240xf32>
    %ge3A_19 = arith.cmpf oge, %add3A_17, %ge3A_18 : vector<16x10240xf32>
    %get3A_20 = arith.constant 0 : index
    %get3A_21 = arith.constant 0 : index
    %get3A_22 = vector.load %arg3[%get3A_20, %get3A_21] : memref<1x1xf32, #tpu.memory_space<vmem>>, vector<1x1xf32>
    %get3A_23 = vector.extract %get3A_22[0, 0] : f32 from vector<1x1xf32>
    %mul3A_24 = vector.broadcast %get3A_23 : f32 to vector<16x10240xf32>
    %mul3A_25 = arith.mulf %mul3A_24, %add3A_17 : vector<16x10240xf32>
    %select_n3A = arith.select %ge3A_19, %add3A_17, %mul3A_25 : vector<16x10240xi1>, vector<16x10240xf32>
    %get3A_26 = arith.constant 0 : index
    %get3A_27 = arith.constant 0 : index
    %get3A_28 = vector.load %arg4[%get3A_26, %get3A_27] : memref<16x2xf32, #tpu.memory_space<vmem>>, vector<16x2xf32>
    %dot_general3A = arith.constant dense<0.000000e+00> : vector<2x10240xf32>
    %dot_general3A_29 = tpu.matmul %get3A_28, %select_n3A, %dot_general3A {dimension_numbers = #tpu.dot_dimension_numbers<[0], [0], [1], [1], [0, 1, 1, 1], [], []>, transpose_lhs_hint = false} : vector<16x2xf32>, vector<16x10240xf32>, vector<2x10240xf32> -> vector<2x10240xf32>
    %mul3A_30 = vector.broadcast %get3A_1 : vector<1x10240xf32> to vector<2x10240xf32>
    %mul3A_31 = arith.mulf %mul3A_30, %dot_general3A_29 : vector<2x10240xf32>
    %swap3A = arith.constant 0 : index
    %swap3A_32 = arith.constant 0 : index
    %swap3A_33 = vector.load %arg5[%swap3A, %swap3A_32] : memref<2x10240xf32, #tpu.memory_space<vmem>>, vector<2x10240xf32>
    tpu.vector_store %arg5[%swap3A, %swap3A_32], %mul3A_31 {strides = array<i32>} : memref<2x10240xf32, #tpu.memory_space<vmem>>, vector<2x10240xf32>,
    return
  }
}

module attributes {stable_mosaic.version = 14 : i64} {
  func.func @_pool_body(%arg0: memref<2x8x2x10240xf32, #tpu.memory_space<vmem>>, %arg1: memref<1x10240xf32, #tpu.memory_space<vmem>>, %arg2: memref<1x10240xi32, #tpu.memory_space<vmem>>, %arg3: memref<1x2xf32, #tpu.memory_space<vmem>>, %arg4: memref<64x2xf32, #tpu.memory_space<vmem>>) attributes {dimension_semantics = [], scalar_prefetch = 0 : i64, scratch_operands = 0 : i64, tpu.core_type = #tpu.core_type<tc>} {
    %get3A = arith.constant 0 : index
    %get3A_0 = arith.constant 0 : index
    %get3A_1 = arith.constant 0 : index
    %get3A_2 = arith.constant 0 : index
    %get3A_3 = vector.load %arg0[%get3A, %get3A_0, %get3A_1, %get3A_2] : memref<2x8x2x10240xf32, #tpu.memory_space<vmem>>, vector<1x1x2x10240xf32>
    %get3A_4 = vector.shape_cast %get3A_3 : vector<1x1x2x10240xf32> to vector<2x10240xf32>
    %get3A_5 = arith.constant 0 : index
    %get3A_6 = arith.constant 1 : index
    %get3A_7 = arith.constant 0 : index
    %get3A_8 = arith.constant 0 : index
    %get3A_9 = vector.load %arg0[%get3A_5, %get3A_6, %get3A_7, %get3A_8] : memref<2x8x2x10240xf32, #tpu.memory_space<vmem>>, vector<1x1x2x10240xf32>
    %get3A_10 = vector.shape_cast %get3A_9 : vector<1x1x2x10240xf32> to vector<2x10240xf32>
    %add3A = arith.addf %get3A_4, %get3A_10 : vector<2x10240xf32>
    %get3A_11 = arith.constant 0 : index
    %get3A_12 = arith.constant 2 : index
    %get3A_13 = arith.constant 0 : index
    %get3A_14 = arith.constant 0 : index
    %get3A_15 = vector.load %arg0[%get3A_11, %get3A_12, %get3A_13, %get3A_14] : memref<2x8x2x10240xf32, #tpu.memory_space<vmem>>, vector<1x1x2x10240xf32>
    %get3A_16 = vector.shape_cast %get3A_15 : vector<1x1x2x10240xf32> to vector<2x10240xf32>
    %add3A_17 = arith.addf %add3A, %get3A_16 : vector<2x10240xf32>
    %get3A_18 = arith.constant 0 : index
    %get3A_19 = arith.constant 3 : index
    %get3A_20 = arith.constant 0 : index
    %get3A_21 = arith.constant 0 : index
    %get3A_22 = vector.load %arg0[%get3A_18, %get3A_19, %get3A_20, %get3A_21] : memref<2x8x2x10240xf32, #tpu.memory_space<vmem>>, vector<1x1x2x10240xf32>
    %get3A_23 = vector.shape_cast %get3A_22 : vector<1x1x2x10240xf32> to vector<2x10240xf32>
    %add3A_24 = arith.addf %add3A_17, %get3A_23 : vector<2x10240xf32>
    %get3A_25 = arith.constant 0 : index
    %get3A_26 = arith.constant 4 : index
    %get3A_27 = arith.constant 0 : index
    %get3A_28 = arith.constant 0 : index
    %get3A_29 = vector.load %arg0[%get3A_25, %get3A_26, %get3A_27, %get3A_28] : memref<2x8x2x10240xf32, #tpu.memory_space<vmem>>, vector<1x1x2x10240xf32>
    %get3A_30 = vector.shape_cast %get3A_29 : vector<1x1x2x10240xf32> to vector<2x10240xf32>
    %add3A_31 = arith.addf %add3A_24, %get3A_30 : vector<2x10240xf32>
    %get3A_32 = arith.constant 0 : index
    %get3A_33 = arith.constant 5 : index
    %get3A_34 = arith.constant 0 : index
    %get3A_35 = arith.constant 0 : index
    %get3A_36 = vector.load %arg0[%get3A_32, %get3A_33, %get3A_34, %get3A_35] : memref<2x8x2x10240xf32, #tpu.memory_space<vmem>>, vector<1x1x2x10240xf32>
    %get3A_37 = vector.shape_cast %get3A_36 : vector<1x1x2x10240xf32> to vector<2x10240xf32>
    %add3A_38 = arith.addf %add3A_31, %get3A_37 : vector<2x10240xf32>
    %get3A_39 = arith.constant 0 : index
    %get3A_40 = arith.constant 6 : index
    %get3A_41 = arith.constant 0 : index
    %get3A_42 = arith.constant 0 : index
    %get3A_43 = vector.load %arg0[%get3A_39, %get3A_40, %get3A_41, %get3A_42] : memref<2x8x2x10240xf32, #tpu.memory_space<vmem>>, vector<1x1x2x10240xf32>
    %get3A_44 = vector.shape_cast %get3A_43 : vector<1x1x2x10240xf32> to vector<2x10240xf32>
    %add3A_45 = arith.addf %add3A_38, %get3A_44 : vector<2x10240xf32>
    %get3A_46 = arith.constant 0 : index
    %get3A_47 = arith.constant 7 : index
    %get3A_48 = arith.constant 0 : index
    %get3A_49 = arith.constant 0 : index
    %get3A_50 = vector.load %arg0[%get3A_46, %get3A_47, %get3A_48, %get3A_49] : memref<2x8x2x10240xf32, #tpu.memory_space<vmem>>, vector<1x1x2x10240xf32>
    %get3A_51 = vector.shape_cast %get3A_50 : vector<1x1x2x10240xf32> to vector<2x10240xf32>
    %add3A_52 = arith.addf %add3A_45, %get3A_51 : vector<2x10240xf32>
    %get3A_53 = arith.constant 1 : index
    %get3A_54 = arith.constant 0 : index
    %get3A_55 = arith.constant 0 : index
    %get3A_56 = arith.constant 0 : index
    %get3A_57 = vector.load %arg0[%get3A_53, %get3A_54, %get3A_55, %get3A_56] : memref<2x8x2x10240xf32, #tpu.memory_space<vmem>>, vector<1x1x2x10240xf32>
    %get3A_58 = vector.shape_cast %get3A_57 : vector<1x1x2x10240xf32> to vector<2x10240xf32>
    %add3A_59 = arith.addf %add3A_52, %get3A_58 : vector<2x10240xf32>
    %get3A_60 = arith.constant 1 : index
    %get3A_61 = arith.constant 1 : index
    %get3A_62 = arith.constant 0 : index
    %get3A_63 = arith.constant 0 : index
    %get3A_64 = vector.load %arg0[%get3A_60, %get3A_61, %get3A_62, %get3A_63] : memref<2x8x2x10240xf32, #tpu.memory_space<vmem>>, vector<1x1x2x10240xf32>
    %get3A_65 = vector.shape_cast %get3A_64 : vector<1x1x2x10240xf32> to vector<2x10240xf32>
    %add3A_66 = arith.addf %add3A_59, %get3A_65 : vector<2x10240xf32>
    %get3A_67 = arith.constant 1 : index
    %get3A_68 = arith.constant 2 : index
    %get3A_69 = arith.constant 0 : index
    %get3A_70 = arith.constant 0 : index
    %get3A_71 = vector.load %arg0[%get3A_67, %get3A_68, %get3A_69, %get3A_70] : memref<2x8x2x10240xf32, #tpu.memory_space<vmem>>, vector<1x1x2x10240xf32>
    %get3A_72 = vector.shape_cast %get3A_71 : vector<1x1x2x10240xf32> to vector<2x10240xf32>
    %add3A_73 = arith.addf %add3A_66, %get3A_72 : vector<2x10240xf32>
    %get3A_74 = arith.constant 1 : index
    %get3A_75 = arith.constant 3 : index
    %get3A_76 = arith.constant 0 : index
    %get3A_77 = arith.constant 0 : index
    %get3A_78 = vector.load %arg0[%get3A_74, %get3A_75, %get3A_76, %get3A_77] : memref<2x8x2x10240xf32, #tpu.memory_space<vmem>>, vector<1x1x2x10240xf32>
    %get3A_79 = vector.shape_cast %get3A_78 : vector<1x1x2x10240xf32> to vector<2x10240xf32>
    %add3A_80 = arith.addf %add3A_73, %get3A_79 : vector<2x10240xf32>
    %get3A_81 = arith.constant 1 : index
    %get3A_82 = arith.constant 4 : index
    %get3A_83 = arith.constant 0 : index
    %get3A_84 = arith.constant 0 : index
    %get3A_85 = vector.load %arg0[%get3A_81, %get3A_82, %get3A_83, %get3A_84] : memref<2x8x2x10240xf32, #tpu.memory_space<vmem>>, vector<1x1x2x10240xf32>
    %get3A_86 = vector.shape_cast %get3A_85 : vector<1x1x2x10240xf32> to vector<2x10240xf32>
    %add3A_87 = arith.addf %add3A_80, %get3A_86 : vector<2x10240xf32>
    %get3A_88 = arith.constant 1 : index
    %get3A_89 = arith.constant 5 : index
    %get3A_90 = arith.constant 0 : index
    %get3A_91 = arith.constant 0 : index
    %get3A_92 = vector.load %arg0[%get3A_88, %get3A_89, %get3A_90, %get3A_91] : memref<2x8x2x10240xf32, #tpu.memory_space<vmem>>, vector<1x1x2x10240xf32>
    %get3A_93 = vector.shape_cast %get3A_92 : vector<1x1x2x10240xf32> to vector<2x10240xf32>
    %add3A_94 = arith.addf %add3A_87, %get3A_93 : vector<2x10240xf32>
    %get3A_95 = arith.constant 1 : index
    %get3A_96 = arith.constant 6 : index
    %get3A_97 = arith.constant 0 : index
    %get3A_98 = arith.constant 0 : index
    %get3A_99 = vector.load %arg0[%get3A_95, %get3A_96, %get3A_97, %get3A_98] : memref<2x8x2x10240xf32, #tpu.memory_space<vmem>>, vector<1x1x2x10240xf32>
    %get3A_100 = vector.shape_cast %get3A_99 : vector<1x1x2x10240xf32> to vector<2x10240xf32>
    %add3A_101 = arith.addf %add3A_94, %get3A_100 : vector<2x10240xf32>
    %get3A_102 = arith.constant 1 : index
    %get3A_103 = arith.constant 7 : index
    %get3A_104 = arith.constant 0 : index
    %get3A_105 = arith.constant 0 : index
    %get3A_106 = vector.load %arg0[%get3A_102, %get3A_103, %get3A_104, %get3A_105] : memref<2x8x2x10240xf32, #tpu.memory_space<vmem>>, vector<1x1x2x10240xf32>
    %get3A_107 = vector.shape_cast %get3A_106 : vector<1x1x2x10240xf32> to vector<2x10240xf32>
    %add3A_108 = arith.addf %add3A_101, %get3A_107 : vector<2x10240xf32>
    %get3A_109 = arith.constant 0 : index
    %get3A_110 = arith.constant 0 : index
    %get3A_111 = vector.load %arg1[%get3A_109, %get3A_110] : memref<1x10240xf32, #tpu.memory_space<vmem>>, vector<1x10240xf32>
    %mul3A = vector.broadcast %get3A_111 : vector<1x10240xf32> to vector<2x10240xf32>
    %mul3A_112 = arith.mulf %mul3A, %add3A_108 : vector<2x10240xf32>
    %iota3A = tpu.iota {dimensions = array<i32: 0>} : vector<64x1xi32>
    %get3A_113 = arith.constant 0 : index
    %get3A_114 = arith.constant 0 : index
    %get3A_115 = vector.load %arg2[%get3A_113, %get3A_114] : memref<1x10240xi32, #tpu.memory_space<vmem>>, vector<1x10240xi32>
    %eq3A = vector.broadcast %iota3A : vector<64x1xi32> to vector<64x10240xi32>
    %eq3A_116 = vector.broadcast %get3A_115 : vector<1x10240xi32> to vector<64x10240xi32>
    %eq3A_117 = arith.cmpi eq, %eq3A, %eq3A_116 : vector<64x10240xi32>
    %convert_element_type3A = arith.extui %eq3A_117 : vector<64x10240xi1> to vector<64x10240xi32>
    %convert_element_type3A_118 = arith.sitofp %convert_element_type3A : vector<64x10240xi32> to vector<64x10240xf32>
    %dot_general3A = arith.constant dense<0.000000e+00> : vector<64x2xf32>
    %dot_general3A_119 = tpu.matmul %convert_element_type3A_118, %mul3A_112, %dot_general3A {dimension_numbers = #tpu.dot_dimension_numbers<[1], [1], [0], [0], [0, 0, 1, 0], [], []>, transpose_lhs_hint = false} : vector<64x10240xf32>, vector<2x10240xf32>, vector<64x2xf32> -> vector<64x2xf32>
    %broadcast_in_dim3A = arith.constant 1.000000e+00 : f32
    %broadcast_in_dim3A_120 = vector.broadcast %broadcast_in_dim3A : f32 to vector<10240x1xf32>
    %dot_general3A_121 = arith.constant dense<0.000000e+00> : vector<64x1xf32>
    %dot_general3A_122 = tpu.matmul %convert_element_type3A_118, %broadcast_in_dim3A_120, %dot_general3A_121 {dimension_numbers = #tpu.dot_dimension_numbers<[1], [0], [0], [1], [0, 0, 1, 1], [], []>, transpose_lhs_hint = false} : vector<64x10240xf32>, vector<10240x1xf32>, vector<64x1xf32> -> vector<64x1xf32>
    %max3A = arith.constant 1.000000e+00 : f32
    %max3A_123 = vector.broadcast %max3A : f32 to vector<64x1xf32>
    %max3A_124 = arith.maximumf %dot_general3A_122, %max3A_123 : vector<64x1xf32>
    %div3A = vector.broadcast %max3A_124 : vector<64x1xf32> to vector<64x2xf32>
    %div3A_125 = arith.divf %dot_general3A_119, %div3A : vector<64x2xf32>
    %get3A_126 = arith.constant 0 : index
    %get3A_127 = arith.constant 0 : index
    %get3A_128 = vector.load %arg3[%get3A_126, %get3A_127] : memref<1x2xf32, #tpu.memory_space<vmem>>, vector<1x2xf32>
    %gt3A = arith.constant 0.000000e+00 : f32
    %gt3A_129 = vector.broadcast %gt3A : f32 to vector<64x1xf32>
    %gt3A_130 = arith.cmpf ogt, %dot_general3A_122, %gt3A_129 : vector<64x1xf32>
    %convert_element_type3A_131 = arith.extui %gt3A_130 : vector<64x1xi1> to vector<64x1xi32>
    %convert_element_type3A_132 = arith.sitofp %convert_element_type3A_131 : vector<64x1xi32> to vector<64x1xf32>
    %mul3A_133 = vector.broadcast %get3A_128 : vector<1x2xf32> to vector<64x2xf32>
    %mul3A_134 = vector.broadcast %convert_element_type3A_132 : vector<64x1xf32> to vector<64x2xf32>
    %mul3A_135 = arith.mulf %mul3A_133, %mul3A_134 : vector<64x2xf32>
    %add3A_136 = arith.addf %div3A_125, %mul3A_135 : vector<64x2xf32>
    %swap3A = arith.constant 0 : index
    %swap3A_137 = arith.constant 0 : index
    %swap3A_138 = vector.load %arg4[%swap3A, %swap3A_137] : memref<64x2xf32, #tpu.memory_space<vmem>>, vector<64x2xf32>
    tpu.vector_store %arg4[%swap3A, %swap3A_137], %add3A_136 {strides = array<i32>} : memref<64x2xf32, #tpu.memory_space<vmem>>, vector<64x2xf32>,
    return
  }
}

</mosaic_0001>

<sc_bundles>
// kernel: kernel.12.cloned.1.call-start
scs
__scs_entry_jumppad:
0x0: {  	(pc) =	sbr.rel $0x88, $3  }
0x1: {  	(tag) =	ssettag $0x0;
	lr =	simm.s32 $0x1  }
0x2: {  	[smem:$0x3F93] =	sst lr;
	_ =	strace $0xD0000000  }
0x3: {  	_ = 	snop  }
0x4: {  	_ = 	snop  }
0x5: {  	_ = 	snop  }
0x6: {  	_ = 	snop  }
0x7: {  	_ = 	snop  }
__scs_overlays_trampoline_lowered:
0x8: {  	[smem:$0x3FA2] =	sst s0  }
0x9: {  	[smem:$0x3FA3] =	sst s1  }
0xa: {  	[smem:$0x3FA4] =	sst s2  }
0xb: {  	[smem:$0x3FA5] =	sst s3  }
0xc: {  	[smem:$0x3FA6] =	sst s4  }
0xd: {  	[smem:$0x3FA7] =	sst s5  }
0xe: {  	[smem:$0x3FA8] =	sst s6  }
0xf: {  	[smem:$0x3FA9] =	sst s7  }
0x10: {  	[smem:$0x3FAA] =	sst s8  }
0x11: {  	[smem:$0x3FAB] =	sst s9;
	s0 =	simm.s32 @!p0 $0x0  }
0x12: {  	s1 =	sld [smem:$0x3F91];
	s0 =	simm.s32 @p0 $0x1  }
0x13: {  	[smem:$0x3FAC] =	sst s0;
	s0 =	simm.s32 @!p1 $0x0  }
0x14: {  	s2 =	sld [smem:$0x3F90];
	s0 =	simm.s32 @p1 $0x1  }
0x15: {  	[smem:$0x3FAD] =	sst s0;
	s0 =	simm.s32 @!p2 $0x0  }
0x16: {  	s3 =	sld [smem:$0x3FDB];
	s0 =	simm.s32 @p2 $0x1  }
0x17: {  	s4 =	simm.s32 $0x1BF5;
	[smem:$0x3FAF] =	sst s0  }
0x18: {  	s0 =	sld [smem:$0x3F92];
	_ =	swait.ge [sflag:s4], $0x0  }
0x19: {  	s7 =	sld [smem:$0x3F93]  }
0x1a: {  	s8 =	sadd.s32 $0xFFFFE003, lr  }
0x1b: {  	s9 =	sadd.s32 $0xFFFFFEF7, lr;
	s5 =	simm.s32 $0xFFFFFFFF;
	p2 =	slt.u32 s8, $0xFFFFF086  }
0x1c: {  	p1 =	slt.u32 s9, $0xF7A;
	s5 =	simm.s32 @!p2 $0x0  }
0x1d: {  	s5 =	simm.s32 @p1 $0x1;
	p0 =	seq.s32 s7, s2  }
0x1e: {  	s7 =	smul.u32 @!p0 $0xF7A, s2;
	p2 =	seq.s32 @!p0 s5, $0x0  }
0x1f: {  	s9 =	smul.u32 $0xF7A, s1;
	s8 =	simm.s32 @!p0 $0x1BF5;
	p2 =	por !p2, p0  }
0x20: {  	[sflag:s8] =	ssyncset.s32 @!p0 $0xFFFFF086;
	s6 =	sadd.s32 @!p0 s3, s7;
	s7 =	simm.s32 @!p0 $0x108  }
0x21: {  	s3 =	sadd.s32 s3, s9;
	s6 =	sadd.s32 @!p0 $0x88, s6;
	s7 =	simm.s32 @p2 $0x1082  }
0x22: {  	[simem:s7], [sflag:s8] =	dma.local @!p0 [hbm:s6], $0xF7A  }
0x23: {  	s9 =	sor.u32 $0xD0000000, s2;
	s6 =	simm.s32 $0x108;
	_ =	swait.ge @!p0 [sflag:s8], $0x0  }
0x24: {  	s3 =	sadd.s32 $0x88, s3;
	s6 =	simm.s32 @!p1 $0x1082;
	[sflag:s4] =	ssyncset.s32 $0xFFFFF086  }
0x25: {  	[simem:s6], [sflag:s4] =	dma.local [hbm:s3], $0xF7A  }
0x26: {  	[smem:$0x3F93] =	sst s1;
	(tag) =	ssettag s2;
	_ =	strace s9  }
0x27: {  	s1 =	sld [smem:$0x3FA3]  }
0x28: {  	s2 =	sld [smem:$0x3FA4]  }
0x29: {  	s4 =	sld [smem:$0x3FA6]  }
0x2a: {  	p0 =	seq.s32 s5, $0x0;
	s5 =	sld [smem:$0x3FA7]  }
0x2b: {  	s6 =	sld [smem:$0x3FA8]  }
0x2c: {  	s7 =	sld [smem:$0x3FA9]  }
0x2d: {  	s3 =	simm.s32 $0x108;
	s8 =	sld [smem:$0x3FAA]  }
0x2e: {  	s3 =	simm.s32 @!p0 $0x1082;
	s9 =	sld [smem:$0x3FAB]  }
0x2f: {  	lr =	sadd.s32 s0, s3;
	s0 =	sld [smem:$0x3FA2]  }
0x30: {  	s3 =	sld [smem:$0x3FA5]  }
0x31: {  	[smem:$0x3FAE] =	sst s10  }
0x32: {  	s10 =	sld [smem:$0x3FAC];
	_ =	sdelay $0x3  }
0x33: {  	p0 =	seq.s32 s10, $0x1;
	s10 =	sld [smem:$0x3FAE];
	_ =	sdelay $0x3  }
0x34: {  	[smem:$0x3FAE] =	sst s10  }
0x35: {  	s10 =	sld [smem:$0x3FAD];
	_ =	sdelay $0x3  }
0x36: {  	p1 =	seq.s32 s10, $0x1;
	s10 =	sld [smem:$0x3FAE];
	_ =	sdelay $0x3  }
0x37: {  	[smem:$0x3FAE] =	sst s10  }
0x38: {  	s10 =	sld [smem:$0x3FAF]  }
0x39: {  	_ = 	snop;
	(pc) =	sbr.ind lr, $3  }
0x3a: {  	_ = 	snop  }
0x3b: {  	_ = 	snop  }
0x3c: {  	p2 =	seq.s32 s10, $0x1;
	s10 =	sld [smem:$0x3FAE]  }
0x3d: {  	_ =	shalt  }
0x3e: {  	_ =	shalt  }
0x3f: {  	_ =	shalt  }
0x40: {  	_ =	shalt  }
0x41: {  	_ =	shalt  }
0x42: {  	_ =	shalt  }
0x43: {  	_ =	shalt  }
0x44: {  	_ =	shalt  }
0x45: {  	_ =	shalt  }
0x46: {  	_ =	shalt  }
0x47: {  	_ =	shalt  }
0x48: {  	_ =	shalt  }
0x49: {  	_ =	shalt  }
0x4a: {  	_ =	shalt  }
0x4b: {  	_ =	shalt  }
0x4c: {  	_ =	shalt  }
0x4d: {  	_ =	shalt  }
0x4e: {  	_ =	shalt  }
0x4f: {  	_ =	shalt  }
0x50: {  	_ =	shalt  }
0x51: {  	_ =	shalt  }
0x52: {  	_ =	shalt  }
0x53: {  	_ =	shalt  }
0x54: {  	_ =	shalt  }
0x55: {  	_ =	shalt  }
0x56: {  	_ =	shalt  }
0x57: {  	_ =	shalt  }
0x58: {  	_ =	shalt  }
0x59: {  	_ =	shalt  }
0x5a: {  	_ =	shalt  }
0x5b: {  	_ =	shalt  }
0x5c: {  	_ =	shalt  }
0x5d: {  	_ =	shalt  }
0x5e: {  	_ =	shalt  }
0x5f: {  	_ =	shalt  }
0x60: {  	_ =	shalt  }
0x61: {  	_ =	shalt  }
0x62: {  	_ =	shalt  }
0x63: {  	_ =	shalt  }
0x64: {  	_ =	shalt  }
0x65: {  	_ =	shalt  }
0x66: {  	_ =	shalt  }
0x67: {  	_ =	shalt  }
0x68: {  	_ =	shalt  }
0x69: {  	_ =	shalt  }
0x6a: {  	_ =	shalt  }
0x6b: {  	_ =	shalt  }
0x6c: {  	_ =	shalt  }
0x6d: {  	_ =	shalt  }
0x6e: {  	_ =	shalt  }
0x6f: {  	_ =	shalt  }
0x70: {  	_ =	shalt  }
0x71: {  	_ =	shalt  }
0x72: {  	_ =	shalt  }
0x73: {  	_ =	shalt  }
0x74: {  	_ =	shalt  }
0x75: {  	_ =	shalt  }
0x76: {  	_ =	shalt  }
0x77: {  	_ =	shalt  }
0x78: {  	_ =	shalt  }
0x79: {  	_ =	shalt  }
0x7a: {  	_ =	shalt  }
0x7b: {  	_ =	shalt  }
0x7c: {  	_ =	shalt  }
0x7d: {  	_ =	shalt  }
0x7e: {  	_ =	shalt  }
0x7f: {  	_ =	shalt  }
0x80: {  	_ =	shalt  }
0x81: {  	_ =	shalt  }
0x82: {  	_ =	shalt  }
0x83: {  	_ =	shalt  }
0x84: {  	_ =	shalt  }
0x85: {  	_ =	shalt  }
0x86: {  	_ =	shalt  }
0x87: {  	_ =	shalt  }
.Lfunc_end0:
.L_simem_size_0:
called_computation_lowered:
.L_overlay_start_0:
0x88: {  	s2 =	sld [smem:$0x3FD9]  }
0x89: {  	s3 =	sld [smem:$0x3FFE];
	_ =	sdelay $0x1  }
0x8a: {  	s1 =	srdreg.scid  }
0x8b: {  	s0 =	sand.u32 $0x1, s1  }
0x8c: {  	s16 =	sshll.u32 s0, $0xA;
	s2 =	sadd.s32 s3, s2  }
0x8d: {  	s2 =	sadd.s32 s2, s16  }
0x8e: {  	[smem:$0x3FBA] =	sst s2  }
0x8f: {  	_ = 	snop  }
0x90: {  	(tm) =	ssettm $0x1  }
0x91: {  	s17 =	sld [smem:$0x3FFB];
	_ =	sdelay $0x3  }
0x92: {  	_ =	strace s17  }
0x93: {  	s2 =	sld [smem:$0x3FFC];
	_ =	sdelay $0x3  }
0x94: {  	_ =	strace s2  }
0x95: {  	s2 =	sld [smem:$0x3FFD];
	_ =	sdelay $0x3  }
0x96: {  	_ =	strace s2  }
0x97: {  	_ =	strace $0x8FFFFFFF  }
0x98: {  	s18 =	sld [smem:$0x3FDB];
	_ =	sdelay $0x1  }
0x99: {  	s19 =	simm.s32 $_scs_section_size  }
0x9a: {  	s4 =	simm.s32 $_size__tile_overlayer_lowered;
	s5 =	simm.s32 $_tile_overlayer_lowered  }
0x9b: {  	s22 =	simm.s32 $0x1BFF;
	s21 =	sshll.u32 s5, $0x1;
	s2 =	sadd.s32 s19, s18  }
0x9c: {  	s6 =	simm.s32 $0x0;
	s20 =	sshll.u32 s4, $0x1;
	s4 =	sadd.s32 s21, s2  }
0x9d: {  	[timem:s6], [sflag:s22] =	dma.local [hbm:s4], s20  }
0x9e: {  	_ =	swait.ge [sflag:s22], s20  }
0x9f: {  	s3 =	ssub.s32 $0x0, s20;
	[sflag:s22] =	ssyncset.done $0x0  }
0xa0: {  	[sflag:s22] =	ssyncadd.s32 s3;
	_ =	sdelay $0x1  }
0xa1: {  	s23 =	simm.s32 $0x1B8B  }
0xa2: {  	_ =	swait.ge [sflag:s23], $0x1  }
0xa3: {  	[sflag:s23] =	ssyncset.done $0x0  }
0xa4: {  	s25 =	simm.s32 $0x1B8E;
	s24 =	sld [smem:$0x3FFE];
	[sflag:s23] =	ssyncadd.s32 $0xFFFFFFFF  }
0xa5: {  	s26 =	simm.s32 $execute0_lowered;
	[smem:$0x3FD2] =	sst s25  }
0xa6: {  	s4 =	sshll.u32 s26, $0x1;
	_ =	strace $0x80000046;
	[dreg:$0x1] =	wrdreg $0xFFFFFFFF  }
0xa7: {  	s28 =	simm.s32 $_size_execute0_lowered;
	s2 =	sadd.s32 s2, s4;
	[dreg:$0x0] =	wrdreg $0x0  }
0xa8: {  	s4 =	sshll.u32 s28, $0x1;
	[dreg:$0x2] =	wrdreg s2  }
0xa9: {  	[dreg:$0x3] =	wrdreg s4  }
0xaa: {  	[dreg:$0x4] =	wrdreg $0xC0  }
0xab: {  	_ =	task [dreg:s6], $0x5FFFF  }
0xac: {  	[dreg:$0x1] =	wrdreg $0xFFFFFFFF  }
0xad: {  	[dreg:$0x0] =	wrdreg $0x60  }
0xae: {  	[dreg:$0x2] =	wrdreg s24  }
0xaf: {  	[dreg:$0x3] =	wrdreg $0x9  }
0xb0: {  	_ =	task.clear_ibuf [dreg:s6], $0x4FFFF;
	_ =	strace $0x90000046  }
0xb1: {  	s29 =	simm.s32 $0x9;
	_ =	strace $0x80000048  }
0xb2: {  	_ =	swait.ge [sflag:s29], $0x1  }
0xb3: {  	[sflag:s29] =	ssyncadd.s32 $0xFFFFFFFF  }
0xb4: {  	_ =	strace $0x90000048  }
0xb5: {  	_ =	sfence  }
0xb6: {  	s30 =	sld [smem:$0x0];
	_ =	sdelay $0x2  }
0xb7: {  	s31 =	sshll.u32 s1, $0xD;
	s1 =	sshrl.u32 s1, $0x2  }
0xb8: {  	s3 =	sand.u32 $0x4000, s31;
	s1 =	sadd.s32 s1, s30  }
0xb9: {  	s0 =	sor.u32 s3, s0;
	s1 =	sshll.u32 s1, $0x11  }
0xba: {  	s0 =	sor.u32 s1, s0  }
0xbb: {  	s0 =	sadd.s32 $0x8F2B, s0  }
0xbc: {  	[sflag:s0] =	ssyncadd.remote.s32 $0x1  }
0xbd: {  	_ =	sfence.sel $0xFFFF  }
0xbe: {  	[dreg:$0x0] =	wrdreg $0xFFFFFFFF;
	(pc) =	sbr.abs _section_cstart, $3  }
0xbf: {  	[dreg:$0x1] =	wrdreg $0xFFFFFFFF  }
0xc0: {  	_ =	task.clear_ibuf [dreg:s6], $0x2FFFF;
	_ =	strace $0x9FFFFFFF  }
0xc1: {  	(tm) =	ssettm $0x7FFFFFFF  }
tec
execute0_lowered:
.L_overlay_start_1:
0x0: {  	(tag) =	ssettag $0x1  }
0x1: {  	s5 =	rddreg [dreg:$0x0]  }
0x2: {  	s0 =	srdreg.scid;
	s1 =	rddreg [dreg:$0x1]  }
0x3: {  	s2 =	simm.s32 $0x0;
	s8 =	simm.s32 $0x2;
	s3 =	sand.u32 $0x1, s0  }
0x4: {  	s9 =	simm.s32 $0x0;
	s0 =	stileid.u32;
	s4 =	smul.u32 $0x28000, s3  }
0x5: {  	[smem:$0x7FF] =	sst s2;
	s6 =	smul.u32 $0x2800, s0;
	s7 =	sshll.u32 s3, $0x4  }
0x6: {  	s3 =	ssub.s32 $0x2, s3;
	_ =	strace $0x80000047;
	s29 =	sor.u32 s0, s7  }
0x7: {  	s30 =	sshrl.u32 s3, $0x1;
	s4 =	sadd.s32 s6, s4;
	s6 =	smul.u32 $0x500, s29  }
0x8: {  	s7 =	simm.s32 $0x2800;
	s31 =	ssub.s32 s3, s30;
	s4 =	sshrl.u32 s4, $0x3  }
0x9: {  	s4 =	sadd.s32 s4, s5;
	s5 =	sadd.s32 s6, s5;
	s6 =	simm.s32 $0x1  }
0xa: {  	v0 =	vimm.f32 $0.0e+00;
	v1 =	vimm.f32 $1.000000000e+00;
	s3 =	sadd.s32 $0x1E00, s4;
	s4 =	sadd.s32 $0x15E00, s5;
	s5 =	smax.u32 s31, $0x1  }
.LBB2_1:
0xb: {  	[tilespmem:s2], [sflag:$0x1] =	stream.linear.gather [hbm4b:s3+s2], $0x2800, $0x38;
	[tilespmem:$0x5000] =	vst v63  }
0xc: {  	s10 =	simm.s32 $0x40;
	s11 =	simm.s32 $0x0  }
.LBB2_2:
0xd: {  	p0 =	sne.s32 s10, $0x9FC0;
	[tilespmem:s11+$0x2800] =	vst v0;
	s11 =	smov.u32 s10;
	s10 =	sadd.s32 $0x40, s10  }
.Ltmp0:
0xe: {  	(pc) =	sbr.rel @p0 .LBB2_2-.Ltmp0, $2  }
0xf: {  	_ =	sdelay $0x2  }
0x10: {  	s11 =	sshra.s32 s11, $0x2  }
0x11: {  	[tilespmem:s11+$0x2800] =	vst v0  }
0x12: {  	_ =	swait.ge [sflag:s6], $0x2800  }
0x13: {  	[sflag:s6] =	ssyncset.done $0x0  }
0x14: {  	s10 =	simm.s32 $0x0;
	[sflag:s6] =	ssyncadd.s32 $0xFFFFD800  }
.LBB2_4:
0x15: {  	s11 =	sshra.s32 s10, $0x2  }
0x16: {  	v2 =	vld [tilespmem:s11+$0x0];
	_ =	sdelay $0x7  }
0x17: {  	[tilespmem:v2+s7+$0x0] =	vst.idx.add.f32.msk $0xffff, v1  }
0x18: {  	v2 =	vld [tilespmem:s11+$0x10];
	_ =	sdelay $0x7  }
0x19: {  	[tilespmem:v2+s7+$0x0] =	vst.idx.add.f32.msk $0xffff, v1  }
0x1a: {  	v2 =	vld [tilespmem:s11+$0x20];
	_ =	sdelay $0x7  }
0x1b: {  	[tilespmem:v2+s7+$0x0] =	vst.idx.add.f32.msk $0xffff, v1  }
0x1c: {  	v2 =	vld [tilespmem:s11+$0x30];
	_ =	sdelay $0x7  }
0x1d: {  	[tilespmem:v2+s7+$0x0] =	vst.idx.add.f32.msk $0xffff, v1  }
0x1e: {  	v2 =	vld [tilespmem:s11+$0x40];
	_ =	sdelay $0x7  }
0x1f: {  	[tilespmem:v2+s7+$0x0] =	vst.idx.add.f32.msk $0xffff, v1  }
0x20: {  	v2 =	vld [tilespmem:s11+$0x50];
	_ =	sdelay $0x7  }
0x21: {  	[tilespmem:v2+s7+$0x0] =	vst.idx.add.f32.msk $0xffff, v1  }
0x22: {  	v2 =	vld [tilespmem:s11+$0x60];
	_ =	sdelay $0x7  }
0x23: {  	[tilespmem:v2+s7+$0x0] =	vst.idx.add.f32.msk $0xffff, v1  }
0x24: {  	v2 =	vld [tilespmem:s11+$0x70];
	_ =	sdelay $0x2  }
0x25: {  	p0 =	sne.s32 s10, $0x9E00  }
.Ltmp1:
0x26: {  	_ = 	snop;
	(pc) =	sbr.rel @p0 .LBB2_4-.Ltmp1, $2  }
0x27: {  	_ =	sdelay $0x2  }
0x28: {  	s10 =	sadd.s32 $0x200, s10;
	[tilespmem:v2+s7+$0x0] =	vst.idx.add.f32.msk $0xffff, v1  }
0x29: {  	s9 =	sadd.s32 $0x1, s9  }
0x2a: {  	p0 =	sne.s32 s9, s5  }
.Ltmp2:
0x2b: {  	_ = 	snop;
	(pc) =	sbr.rel @p0 .LBB2_1-.Ltmp2, $4  }
0x2c: {  	[hbm4b:s4+s2] =	stream.linear.scatter [tilespmem:s7], [sflag:$0x2], $0x2800, $0x38;
	[tilespmem:$0x5000] =	vst v63  }
0x2d: {  	_ =	swait.ge [sflag:s8], $0x2800  }
0x2e: {  	[sflag:s8] =	ssyncset.done $0x0  }
0x2f: {  	[sflag:s8] =	ssyncadd.s32 $0xFFFFD800  }
0x30: {  	_ =	sfence.sel $0x180000  }
0x31: {  	[bflag:$0x0] =	sbarrier.arrive $0xFFFF  }
0x32: {  	p0 =	sne.s32 s0, $0x0;
	_ =	strace $0x90000047  }
0x33: {  	s0 =	sadd.s32 @!p0 $0x100000, s1;
	[bflag:$0x2] =	sbarrier.arrive $0xFFFF  }
0x34: {  	[sflag:s0] =	ssyncadd.tile.s32 @!p0 $0x1;
	_ =	shalt  }
.Lfunc_end2:
_tile_overlayer_lowered:
.L_overlay_start_2:
0x35: {  	(tag) =	ssettag $0x2  }
0x36: {  	s0 =	rddreg [dreg:$0x0];
	s2 =	stileid.u32  }
0x37: {  	s1 =	rddreg [dreg:$0x1];
	p0 =	sne.s32 s2, $0x0  }
0x38: {  	s3 =	rddreg [dreg:$0x2];
	[bflag:$0x3] =	sbarrier.arrive $0xFFFF;
	s2 =	simm.s32 @!p0 $0x1C02  }
0x39: {  	[timem:s3], [sflag:s2] =	dma.local @!p0 [hbm:s0], s1  }
0x3a: {  	s0 =	simm.s32 @!p0 $0x2  }
0x3b: {  	_ =	swait.ge @!p0 [sflag:s0], s1  }
0x3c: {  	s1 =	ssub.s32 @!p0 $0x0, s1;
	[sflag:s0] =	ssyncset.done @!p0 $0x0  }
0x3d: {  	[sflag:s0] =	ssyncadd.s32 @!p0 s1  }
0x3e: {  	[bflag:$0x3] =	sbarrier.arrive $0xFFFF  }
0x3f: {  	_ =	shalt  }

// kernel: kernel.15.cloned.1.call-start
scs
__scs_entry_jumppad:
0x0: {  	(pc) =	sbr.rel $0x88, $3  }
0x1: {  	(tag) =	ssettag $0x0;
	lr =	simm.s32 $0x1  }
0x2: {  	[smem:$0x3F93] =	sst lr;
	_ =	strace $0xD0000000  }
0x3: {  	_ = 	snop  }
0x4: {  	_ = 	snop  }
0x5: {  	_ = 	snop  }
0x6: {  	_ = 	snop  }
0x7: {  	_ = 	snop  }
__scs_overlays_trampoline_lowered:
0x8: {  	[smem:$0x3FA2] =	sst s0  }
0x9: {  	[smem:$0x3FA3] =	sst s1  }
0xa: {  	[smem:$0x3FA4] =	sst s2  }
0xb: {  	[smem:$0x3FA5] =	sst s3  }
0xc: {  	[smem:$0x3FA6] =	sst s4  }
0xd: {  	[smem:$0x3FA7] =	sst s5  }
0xe: {  	[smem:$0x3FA8] =	sst s6  }
0xf: {  	[smem:$0x3FA9] =	sst s7  }
0x10: {  	[smem:$0x3FAA] =	sst s8  }
0x11: {  	[smem:$0x3FAB] =	sst s9;
	s0 =	simm.s32 @!p0 $0x0  }
0x12: {  	s1 =	sld [smem:$0x3F91];
	s0 =	simm.s32 @p0 $0x1  }
0x13: {  	[smem:$0x3FAC] =	sst s0;
	s0 =	simm.s32 @!p1 $0x0  }
0x14: {  	s2 =	sld [smem:$0x3F90];
	s0 =	simm.s32 @p1 $0x1  }
0x15: {  	[smem:$0x3FAD] =	sst s0;
	s0 =	simm.s32 @!p2 $0x0  }
0x16: {  	s3 =	sld [smem:$0x3FDB];
	s0 =	simm.s32 @p2 $0x1  }
0x17: {  	s4 =	simm.s32 $0x1BF5;
	[smem:$0x3FAF] =	sst s0  }
0x18: {  	s0 =	sld [smem:$0x3F92];
	_ =	swait.ge [sflag:s4], $0x0  }
0x19: {  	s7 =	sld [smem:$0x3F93]  }
0x1a: {  	s8 =	sadd.s32 $0xFFFFE003, lr  }
0x1b: {  	s9 =	sadd.s32 $0xFFFFFEF7, lr;
	s5 =	simm.s32 $0xFFFFFFFF;
	p2 =	slt.u32 s8, $0xFFFFF086  }
0x1c: {  	p1 =	slt.u32 s9, $0xF7A;
	s5 =	simm.s32 @!p2 $0x0  }
0x1d: {  	s5 =	simm.s32 @p1 $0x1;
	p0 =	seq.s32 s7, s2  }
0x1e: {  	s7 =	smul.u32 @!p0 $0xF7A, s2;
	p2 =	seq.s32 @!p0 s5, $0x0  }
0x1f: {  	s9 =	smul.u32 $0xF7A, s1;
	s8 =	simm.s32 @!p0 $0x1BF5;
	p2 =	por !p2, p0  }
0x20: {  	[sflag:s8] =	ssyncset.s32 @!p0 $0xFFFFF086;
	s6 =	sadd.s32 @!p0 s3, s7;
	s7 =	simm.s32 @!p0 $0x108  }
0x21: {  	s3 =	sadd.s32 s3, s9;
	s6 =	sadd.s32 @!p0 $0x88, s6;
	s7 =	simm.s32 @p2 $0x1082  }
0x22: {  	[simem:s7], [sflag:s8] =	dma.local @!p0 [hbm:s6], $0xF7A  }
0x23: {  	s9 =	sor.u32 $0xD0000000, s2;
	s6 =	simm.s32 $0x108;
	_ =	swait.ge @!p0 [sflag:s8], $0x0  }
0x24: {  	s3 =	sadd.s32 $0x88, s3;
	s6 =	simm.s32 @!p1 $0x1082;
	[sflag:s4] =	ssyncset.s32 $0xFFFFF086  }
0x25: {  	[simem:s6], [sflag:s4] =	dma.local [hbm:s3], $0xF7A  }
0x26: {  	[smem:$0x3F93] =	sst s1;
	(tag) =	ssettag s2;
	_ =	strace s9  }
0x27: {  	s1 =	sld [smem:$0x3FA3]  }
0x28: {  	s2 =	sld [smem:$0x3FA4]  }
0x29: {  	s4 =	sld [smem:$0x3FA6]  }
0x2a: {  	p0 =	seq.s32 s5, $0x0;
	s5 =	sld [smem:$0x3FA7]  }
0x2b: {  	s6 =	sld [smem:$0x3FA8]  }
0x2c: {  	s7 =	sld [smem:$0x3FA9]  }
0x2d: {  	s3 =	simm.s32 $0x108;
	s8 =	sld [smem:$0x3FAA]  }
0x2e: {  	s3 =	simm.s32 @!p0 $0x1082;
	s9 =	sld [smem:$0x3FAB]  }
0x2f: {  	lr =	sadd.s32 s0, s3;
	s0 =	sld [smem:$0x3FA2]  }
0x30: {  	s3 =	sld [smem:$0x3FA5]  }
0x31: {  	[smem:$0x3FAE] =	sst s10  }
0x32: {  	s10 =	sld [smem:$0x3FAC];
	_ =	sdelay $0x3  }
0x33: {  	p0 =	seq.s32 s10, $0x1;
	s10 =	sld [smem:$0x3FAE];
	_ =	sdelay $0x3  }
0x34: {  	[smem:$0x3FAE] =	sst s10  }
0x35: {  	s10 =	sld [smem:$0x3FAD];
	_ =	sdelay $0x3  }
0x36: {  	p1 =	seq.s32 s10, $0x1;
	s10 =	sld [smem:$0x3FAE];
	_ =	sdelay $0x3  }
0x37: {  	[smem:$0x3FAE] =	sst s10  }
0x38: {  	s10 =	sld [smem:$0x3FAF]  }
0x39: {  	_ = 	snop;
	(pc) =	sbr.ind lr, $3  }
0x3a: {  	_ = 	snop  }
0x3b: {  	_ = 	snop  }
0x3c: {  	p2 =	seq.s32 s10, $0x1;
	s10 =	sld [smem:$0x3FAE]  }
0x3d: {  	_ =	shalt  }
0x3e: {  	_ =	shalt  }
0x3f: {  	_ =	shalt  }
0x40: {  	_ =	shalt  }
0x41: {  	_ =	shalt  }
0x42: {  	_ =	shalt  }
0x43: {  	_ =	shalt  }
0x44: {  	_ =	shalt  }
0x45: {  	_ =	shalt  }
0x46: {  	_ =	shalt  }
0x47: {  	_ =	shalt  }
0x48: {  	_ =	shalt  }
0x49: {  	_ =	shalt  }
0x4a: {  	_ =	shalt  }
0x4b: {  	_ =	shalt  }
0x4c: {  	_ =	shalt  }
0x4d: {  	_ =	shalt  }
0x4e: {  	_ =	shalt  }
0x4f: {  	_ =	shalt  }
0x50: {  	_ =	shalt  }
0x51: {  	_ =	shalt  }
0x52: {  	_ =	shalt  }
0x53: {  	_ =	shalt  }
0x54: {  	_ =	shalt  }
0x55: {  	_ =	shalt  }
0x56: {  	_ =	shalt  }
0x57: {  	_ =	shalt  }
0x58: {  	_ =	shalt  }
0x59: {  	_ =	shalt  }
0x5a: {  	_ =	shalt  }
0x5b: {  	_ =	shalt  }
0x5c: {  	_ =	shalt  }
0x5d: {  	_ =	shalt  }
0x5e: {  	_ =	shalt  }
0x5f: {  	_ =	shalt  }
0x60: {  	_ =	shalt  }
0x61: {  	_ =	shalt  }
0x62: {  	_ =	shalt  }
0x63: {  	_ =	shalt  }
0x64: {  	_ =	shalt  }
0x65: {  	_ =	shalt  }
0x66: {  	_ =	shalt  }
0x67: {  	_ =	shalt  }
0x68: {  	_ =	shalt  }
0x69: {  	_ =	shalt  }
0x6a: {  	_ =	shalt  }
0x6b: {  	_ =	shalt  }
0x6c: {  	_ =	shalt  }
0x6d: {  	_ =	shalt  }
0x6e: {  	_ =	shalt  }
0x6f: {  	_ =	shalt  }
0x70: {  	_ =	shalt  }
0x71: {  	_ =	shalt  }
0x72: {  	_ =	shalt  }
0x73: {  	_ =	shalt  }
0x74: {  	_ =	shalt  }
0x75: {  	_ =	shalt  }
0x76: {  	_ =	shalt  }
0x77: {  	_ =	shalt  }
0x78: {  	_ =	shalt  }
0x79: {  	_ =	shalt  }
0x7a: {  	_ =	shalt  }
0x7b: {  	_ =	shalt  }
0x7c: {  	_ =	shalt  }
0x7d: {  	_ =	shalt  }
0x7e: {  	_ =	shalt  }
0x7f: {  	_ =	shalt  }
0x80: {  	_ =	shalt  }
0x81: {  	_ =	shalt  }
0x82: {  	_ =	shalt  }
0x83: {  	_ =	shalt  }
0x84: {  	_ =	shalt  }
0x85: {  	_ =	shalt  }
0x86: {  	_ =	shalt  }
0x87: {  	_ =	shalt  }
.Lfunc_end0:
.L_simem_size_0:
called_computation.1_lowered:
.L_overlay_start_0:
0x88: {  	s2 =	sld [smem:$0x3FD9]  }
0x89: {  	s3 =	sld [smem:$0x3FFE];
	_ =	sdelay $0x1  }
0x8a: {  	s1 =	srdreg.scid  }
0x8b: {  	s0 =	sand.u32 $0x1, s1  }
0x8c: {  	s16 =	sshll.u32 s0, $0xA;
	s2 =	sadd.s32 s3, s2  }
0x8d: {  	s2 =	sadd.s32 s2, s16  }
0x8e: {  	[smem:$0x3FBA] =	sst s2  }
0x8f: {  	_ = 	snop  }
0x90: {  	(tm) =	ssettm $0x1  }
0x91: {  	s17 =	sld [smem:$0x3FFB];
	_ =	sdelay $0x3  }
0x92: {  	_ =	strace s17  }
0x93: {  	s2 =	sld [smem:$0x3FFC];
	_ =	sdelay $0x3  }
0x94: {  	_ =	strace s2  }
0x95: {  	s2 =	sld [smem:$0x3FFD];
	_ =	sdelay $0x3  }
0x96: {  	_ =	strace s2  }
0x97: {  	_ =	strace $0x8FFFFFFF  }
0x98: {  	s18 =	sld [smem:$0x3FDB];
	_ =	sdelay $0x1  }
0x99: {  	s19 =	simm.s32 $_scs_section_size  }
0x9a: {  	s4 =	simm.s32 $_size__tile_overlayer_lowered;
	s5 =	simm.s32 $_tile_overlayer_lowered  }
0x9b: {  	s22 =	simm.s32 $0x1BFF;
	s21 =	sshll.u32 s5, $0x1;
	s2 =	sadd.s32 s19, s18  }
0x9c: {  	s6 =	simm.s32 $0x0;
	s20 =	sshll.u32 s4, $0x1;
	s4 =	sadd.s32 s21, s2  }
0x9d: {  	[timem:s6], [sflag:s22] =	dma.local [hbm:s4], s20  }
0x9e: {  	_ =	swait.ge [sflag:s22], s20  }
0x9f: {  	s3 =	ssub.s32 $0x0, s20;
	[sflag:s22] =	ssyncset.done $0x0  }
0xa0: {  	[sflag:s22] =	ssyncadd.s32 s3;
	_ =	sdelay $0x1  }
0xa1: {  	s23 =	simm.s32 $0x1B8B  }
0xa2: {  	_ =	swait.ge [sflag:s23], $0x1  }
0xa3: {  	[sflag:s23] =	ssyncset.done $0x0  }
0xa4: {  	s25 =	simm.s32 $0x1B8E;
	s24 =	sld [smem:$0x3FFE];
	[sflag:s23] =	ssyncadd.s32 $0xFFFFFFFF  }
0xa5: {  	s26 =	simm.s32 $execute0_lowered;
	[smem:$0x3FD2] =	sst s25  }
0xa6: {  	s4 =	sshll.u32 s26, $0x1;
	_ =	strace $0x80000049;
	[dreg:$0x1] =	wrdreg $0xFFFFFFFF  }
0xa7: {  	s28 =	simm.s32 $_size_execute0_lowered;
	s2 =	sadd.s32 s2, s4;
	[dreg:$0x0] =	wrdreg $0x0  }
0xa8: {  	s4 =	sshll.u32 s28, $0x1;
	[dreg:$0x2] =	wrdreg s2  }
0xa9: {  	[dreg:$0x3] =	wrdreg s4  }
0xaa: {  	[dreg:$0x4] =	wrdreg $0xC0  }
0xab: {  	_ =	task [dreg:s6], $0x5FFFF  }
0xac: {  	[dreg:$0x1] =	wrdreg $0xFFFFFFFF  }
0xad: {  	[dreg:$0x0] =	wrdreg $0x60  }
0xae: {  	[dreg:$0x2] =	wrdreg s24  }
0xaf: {  	[dreg:$0x3] =	wrdreg $0x9  }
0xb0: {  	_ =	task.clear_ibuf [dreg:s6], $0x4FFFF;
	_ =	strace $0x90000049  }
0xb1: {  	s29 =	simm.s32 $0x9;
	_ =	strace $0x8000004B  }
0xb2: {  	_ =	swait.ge [sflag:s29], $0x1  }
0xb3: {  	[sflag:s29] =	ssyncadd.s32 $0xFFFFFFFF  }
0xb4: {  	_ =	strace $0x9000004B  }
0xb5: {  	_ =	sfence  }
0xb6: {  	s30 =	sld [smem:$0x0];
	_ =	sdelay $0x2  }
0xb7: {  	s31 =	sshll.u32 s1, $0xD;
	s1 =	sshrl.u32 s1, $0x2  }
0xb8: {  	s3 =	sand.u32 $0x4000, s31;
	s1 =	sadd.s32 s1, s30  }
0xb9: {  	s0 =	sor.u32 s3, s0;
	s1 =	sshll.u32 s1, $0x11  }
0xba: {  	s0 =	sor.u32 s1, s0  }
0xbb: {  	s0 =	sadd.s32 $0x8F2B, s0  }
0xbc: {  	[sflag:s0] =	ssyncadd.remote.s32 $0x1  }
0xbd: {  	_ =	sfence.sel $0xFFFF  }
0xbe: {  	[dreg:$0x0] =	wrdreg $0xFFFFFFFF;
	(pc) =	sbr.abs _section_cstart, $3  }
0xbf: {  	[dreg:$0x1] =	wrdreg $0xFFFFFFFF  }
0xc0: {  	_ =	task.clear_ibuf [dreg:s6], $0x2FFFF;
	_ =	strace $0x9FFFFFFF  }
0xc1: {  	(tm) =	ssettm $0x7FFFFFFF  }
tec
execute0_lowered:
.L_overlay_start_1:
0x0: {  	(tag) =	ssettag $0x1  }
0x1: {  	s5 =	rddreg [dreg:$0x0];
	s2 =	srdreg.scid  }
0x2: {  	s0 =	rddreg [dreg:$0x1];
	s1 =	stileid.u32  }
0x3: {  	s13 =	simm.s32 $0x2;
	s14 =	simm.s32 $0x2000;
	s15 =	simm.s32 $0x4000  }
0x4: {  	s16 =	simm.s32 $0x6000;
	s17 =	simm.s32 $0x1;
	s18 =	simm.s32 $0xA800  }
0x5: {  	s19 =	simm.s32 $0x0;
	s6 =	sand.u32 $0x1, s2;
	s2 =	simm.s32 $0x0  }
0x6: {  	s3 =	smul.u32 $0x500, s1;
	s4 =	sshll.u32 s6, $0x4;
	[smem:$0x7FF] =	sst s2  }
0x7: {  	s9 =	ssub.s32 $0x2, s6;
	s10 =	smul.u32 $0x28000, s6;
	p0 =	seq.s32 s6, $0x1  }
0x8: {  	s4 =	sor.u32 s1, s4;
	_ =	strace $0x8000004A;
	s7 =	sadd.s32 s3, s5  }
0x9: {  	s3 =	sadd.s32 $0xBE00, s5;
	s30 =	sshrl.u32 s9, $0x1;
	s8 =	smul.u32 $0x500, s4  }
0xa: {  	s4 =	sadd.s32 $0x1E00, s5;
	s12 =	ssub.s32 s9, s30;
	s31 =	sshrl.u32 s10, $0x3  }
0xb: {  	s9 =	sor.u32 $0x4000, s10;
	s6 =	sadd.s32 s3, s31;
	s11 =	sadd.s32 s8, s5  }
0xc: {  	s5 =	sadd.s32 $0x15E00, s7;
	s7 =	sadd.s32 s4, s31;
	s8 =	sor.u32 $0x2000, s10  }
0xd: {  	v0 =	vimm.f32 $0.0e+00;
	s10 =	sadd.s32 $0x1AE00, s11;
	s11 =	smax.u32 s12, $0x1;
	s12 =	simm.s32 $0x8000  }
.LBB2_1:
.Ltmp0:
0xe: {  	(pc) =	sbr.rel @!p0 .LBB2_2-.Ltmp0, $4  }
0xf: {  	[tilespmem:s12], [sflag:$0x2] =	stream.linear.gather [hbm4b:s5+s2], $0x2800, $0x38;
	[tilespmem:$0xD000] =	vst v63  }
0x10: {  	_ =	swait.ge [sflag:s13], $0x2800  }
0x11: {  	[sflag:s13] =	ssyncset.done $0x0  }
0x12: {  	[sflag:s13] =	ssyncadd.s32 $0xFFFFD800  }
0x13: {  	s20 =	simm.s32 $0x40;
	s21 =	simm.s32 $0x0  }
.LBB2_4:
0x14: {  	p1 =	sne.s32 s20, $0x9FC0;
	[tilespmem:s21+$0xA800] =	vst v0;
	s21 =	smov.u32 s20;
	s20 =	sadd.s32 $0x40, s20  }
.Ltmp1:
0x15: {  	(pc) =	sbr.rel @p1 .LBB2_4-.Ltmp1, $2  }
0x16: {  	_ =	sdelay $0x2  }
0x17: {  	s21 =	sshra.s32 s21, $0x2  }
.Ltmp2:
0x18: {  	(pc) =	sbr.rel .LBB2_6-.Ltmp2, $2  }
0x19: {  	_ =	sdelay $0x2  }
0x1a: {  	[tilespmem:s21+$0xA800] =	vst v0  }
.LBB2_2:
0x1b: {  	[tilespmem:s18], [sflag:$0x2] =	stream.linear.gather [hbm4b:s5+s2], $0x2800, $0x38;
	[tilespmem:$0xD000] =	vst v63  }
0x1c: {  	_ =	swait.ge [sflag:s13], $0x2800  }
0x1d: {  	[sflag:s13] =	ssyncset.done $0x0  }
0x1e: {  	[sflag:s13] =	ssyncadd.s32 $0xFFFFD800  }
.LBB2_6:
0x1f: {  	s20 =	simm.s32 $0x0  }
0x20: {  	[tilespmem:s20], [sflag:$0x1] =	stream.linear.gather [hbm4b:s6+s20], $0x2000, $0x38;
	[tilespmem:$0xD000] =	vst v63  }
0x21: {  	s21 =	simm.s32 $0x0  }
0x22: {  	[tilespmem:s14], [sflag:$0x1] =	stream.linear.gather [hbm4b:s7+s20], $0x2000, $0x38;
	[tilespmem:$0xD000] =	vst v63  }
.LBB2_7:
0x23: {  	s22 =	sshll.u32 s21, $0xE  }
0x24: {  	s23 =	sadd.s32 s22, s8  }
0x25: {  	s23 =	sshrl.u32 s23, $0x3  }
0x26: {  	s24 =	sadd.s32 s3, s23  }
0x27: {  	[tilespmem:s15], [sflag:$0x1] =	stream.linear.gather [hbm4b:s24+s20], $0x2000, $0x38;
	[tilespmem:$0xD000] =	vst v63  }
0x28: {  	s23 =	sadd.s32 s4, s23  }
0x29: {  	[tilespmem:s16], [sflag:$0x1] =	stream.linear.gather [hbm4b:s23+s20], $0x2000, $0x38;
	[tilespmem:$0xD000] =	vst v63  }
0x2a: {  	_ =	swait.ge [sflag:s17], $0x2000  }
0x2b: {  	[sflag:s17] =	ssyncset.done $0x0  }
0x2c: {  	[sflag:s17] =	ssyncadd.s32 $0xFFFFE000  }
0x2d: {  	_ =	swait.ge [sflag:s17], $0x2000  }
0x2e: {  	[sflag:s17] =	ssyncset.done $0x0  }
0x2f: {  	s23 =	simm.s32 $0x0;
	[sflag:s17] =	ssyncadd.s32 $0xFFFFE000  }
.LBB2_8:
0x30: {  	s24 =	sshra.s32 s23, $0x2  }
0x31: {  	v1 =	vld [tilespmem:s24+$0x0];
	_ =	sdelay $0x4  }
0x32: {  	v2 =	vld [tilespmem:s24+$0x2000];
	_ =	sdelay $0x2  }
0x33: {  	v1 =	vld.idx.msk [tilespmem:v1+s12+$0x0], $0xffff;
	_ =	sdelay $0x4  }
0x34: {  	[tilespmem:v2+s18+$0x0] =	vst.idx.add.f32.msk $0xffff, v1  }
0x35: {  	v1 =	vld [tilespmem:s24+$0x10];
	_ =	sdelay $0x4  }
0x36: {  	v2 =	vld [tilespmem:s24+$0x2010];
	_ =	sdelay $0x2  }
0x37: {  	v1 =	vld.idx.msk [tilespmem:v1+s12+$0x0], $0xffff;
	_ =	sdelay $0x4  }
0x38: {  	[tilespmem:v2+s18+$0x0] =	vst.idx.add.f32.msk $0xffff, v1  }
0x39: {  	v1 =	vld [tilespmem:s24+$0x20];
	_ =	sdelay $0x4  }
0x3a: {  	v2 =	vld [tilespmem:s24+$0x2020];
	_ =	sdelay $0x2  }
0x3b: {  	v1 =	vld.idx.msk [tilespmem:v1+s12+$0x0], $0xffff;
	_ =	sdelay $0x4  }
0x3c: {  	[tilespmem:v2+s18+$0x0] =	vst.idx.add.f32.msk $0xffff, v1  }
0x3d: {  	v1 =	vld [tilespmem:s24+$0x30];
	_ =	sdelay $0x4  }
0x3e: {  	v2 =	vld [tilespmem:s24+$0x2030];
	_ =	sdelay $0x2  }
0x3f: {  	v1 =	vld.idx.msk [tilespmem:v1+s12+$0x0], $0xffff;
	_ =	sdelay $0x4  }
0x40: {  	[tilespmem:v2+s18+$0x0] =	vst.idx.add.f32.msk $0xffff, v1  }
0x41: {  	v1 =	vld [tilespmem:s24+$0x40];
	_ =	sdelay $0x4  }
0x42: {  	v2 =	vld [tilespmem:s24+$0x2040];
	_ =	sdelay $0x2  }
0x43: {  	v1 =	vld.idx.msk [tilespmem:v1+s12+$0x0], $0xffff;
	_ =	sdelay $0x4  }
0x44: {  	[tilespmem:v2+s18+$0x0] =	vst.idx.add.f32.msk $0xffff, v1  }
0x45: {  	v1 =	vld [tilespmem:s24+$0x50];
	_ =	sdelay $0x4  }
0x46: {  	v2 =	vld [tilespmem:s24+$0x2050];
	_ =	sdelay $0x2  }
0x47: {  	v1 =	vld.idx.msk [tilespmem:v1+s12+$0x0], $0xffff;
	_ =	sdelay $0x4  }
0x48: {  	[tilespmem:v2+s18+$0x0] =	vst.idx.add.f32.msk $0xffff, v1  }
0x49: {  	v1 =	vld [tilespmem:s24+$0x60];
	_ =	sdelay $0x4  }
0x4a: {  	v2 =	vld [tilespmem:s24+$0x2060];
	_ =	sdelay $0x2  }
0x4b: {  	v1 =	vld.idx.msk [tilespmem:v1+s12+$0x0], $0xffff;
	_ =	sdelay $0x4  }
0x4c: {  	[tilespmem:v2+s18+$0x0] =	vst.idx.add.f32.msk $0xffff, v1  }
0x4d: {  	v1 =	vld [tilespmem:s24+$0x70];
	_ =	sdelay $0x4  }
0x4e: {  	v2 =	vld [tilespmem:s24+$0x2070];
	_ =	sdelay $0x2  }
0x4f: {  	p1 =	sne.s32 s23, $0x7E00;
	v1 =	vld.idx.msk [tilespmem:v1+s12+$0x0], $0xffff  }
.Ltmp3:
0x50: {  	_ = 	snop;
	(pc) =	sbr.rel @p1 .LBB2_8-.Ltmp3, $2  }
0x51: {  	_ =	sdelay $0x2  }
0x52: {  	s23 =	sadd.s32 $0x200, s23;
	[tilespmem:v2+s18+$0x0] =	vst.idx.add.f32.msk $0xffff, v1  }
0x53: {  	p1 =	seq.s32 s21, $0x9  }
0x54: {  	s22 =	sadd.s32 @!p1 s22, s9  }
0x55: {  	s22 =	sshrl.u32 @!p1 s22, $0x3  }
0x56: {  	s24 =	simm.s32 @!p1 $0x0;
	s23 =	sadd.s32 @!p1 s3, s22  }
0x57: {  	[tilespmem:s24], [sflag:$0x1] =	stream.linear.gather @!p1 [hbm4b:s23+s24], $0x2000, $0x38;
	[tilespmem:$0xD000] =	vst v63  }
0x58: {  	s22 =	sadd.s32 @!p1 s4, s22;
	s23 =	simm.s32 @!p1 $0x2000  }
0x59: {  	[tilespmem:s23], [sflag:$0x1] =	stream.linear.gather @!p1 [hbm4b:s22+s24], $0x2000, $0x38;
	[tilespmem:$0xD000] =	vst v63  }
0x5a: {  	_ =	swait.ge [sflag:s17], $0x2000  }
0x5b: {  	[sflag:s17] =	ssyncset.done $0x0  }
0x5c: {  	[sflag:s17] =	ssyncadd.s32 $0xFFFFE000  }
0x5d: {  	_ =	swait.ge [sflag:s17], $0x2000  }
0x5e: {  	[sflag:s17] =	ssyncset.done $0x0  }
0x5f: {  	s22 =	simm.s32 $0x0;
	[sflag:s17] =	ssyncadd.s32 $0xFFFFE000  }
.LBB2_10:
0x60: {  	s23 =	sshra.s32 s22, $0x2  }
0x61: {  	v1 =	vld [tilespmem:s23+$0x4000];
	_ =	sdelay $0x4  }
0x62: {  	v2 =	vld [tilespmem:s23+$0x6000];
	_ =	sdelay $0x2  }
0x63: {  	v1 =	vld.idx.msk [tilespmem:v1+s12+$0x0], $0xffff;
	_ =	sdelay $0x4  }
0x64: {  	[tilespmem:v2+s18+$0x0] =	vst.idx.add.f32.msk $0xffff, v1  }
0x65: {  	v1 =	vld [tilespmem:s23+$0x4010];
	_ =	sdelay $0x4  }
0x66: {  	v2 =	vld [tilespmem:s23+$0x6010];
	_ =	sdelay $0x2  }
0x67: {  	v1 =	vld.idx.msk [tilespmem:v1+s12+$0x0], $0xffff;
	_ =	sdelay $0x4  }
0x68: {  	[tilespmem:v2+s18+$0x0] =	vst.idx.add.f32.msk $0xffff, v1  }
0x69: {  	v1 =	vld [tilespmem:s23+$0x4020];
	_ =	sdelay $0x4  }
0x6a: {  	v2 =	vld [tilespmem:s23+$0x6020];
	_ =	sdelay $0x2  }
0x6b: {  	v1 =	vld.idx.msk [tilespmem:v1+s12+$0x0], $0xffff;
	_ =	sdelay $0x4  }
0x6c: {  	[tilespmem:v2+s18+$0x0] =	vst.idx.add.f32.msk $0xffff, v1  }
0x6d: {  	v1 =	vld [tilespmem:s23+$0x4030];
	_ =	sdelay $0x4  }
0x6e: {  	v2 =	vld [tilespmem:s23+$0x6030];
	_ =	sdelay $0x2  }
0x6f: {  	v1 =	vld.idx.msk [tilespmem:v1+s12+$0x0], $0xffff;
	_ =	sdelay $0x4  }
0x70: {  	[tilespmem:v2+s18+$0x0] =	vst.idx.add.f32.msk $0xffff, v1  }
0x71: {  	v1 =	vld [tilespmem:s23+$0x4040];
	_ =	sdelay $0x4  }
0x72: {  	v2 =	vld [tilespmem:s23+$0x6040];
	_ =	sdelay $0x2  }
0x73: {  	v1 =	vld.idx.msk [tilespmem:v1+s12+$0x0], $0xffff;
	_ =	sdelay $0x4  }
0x74: {  	[tilespmem:v2+s18+$0x0] =	vst.idx.add.f32.msk $0xffff, v1  }
0x75: {  	v1 =	vld [tilespmem:s23+$0x4050];
	_ =	sdelay $0x4  }
0x76: {  	v2 =	vld [tilespmem:s23+$0x6050];
	_ =	sdelay $0x2  }
0x77: {  	v1 =	vld.idx.msk [tilespmem:v1+s12+$0x0], $0xffff;
	_ =	sdelay $0x4  }
0x78: {  	[tilespmem:v2+s18+$0x0] =	vst.idx.add.f32.msk $0xffff, v1  }
0x79: {  	v1 =	vld [tilespmem:s23+$0x4060];
	_ =	sdelay $0x4  }
0x7a: {  	v2 =	vld [tilespmem:s23+$0x6060];
	_ =	sdelay $0x2  }
0x7b: {  	v1 =	vld.idx.msk [tilespmem:v1+s12+$0x0], $0xffff;
	_ =	sdelay $0x4  }
0x7c: {  	[tilespmem:v2+s18+$0x0] =	vst.idx.add.f32.msk $0xffff, v1  }
0x7d: {  	v1 =	vld [tilespmem:s23+$0x4070];
	_ =	sdelay $0x4  }
0x7e: {  	v2 =	vld [tilespmem:s23+$0x6070];
	_ =	sdelay $0x2  }
0x7f: {  	p1 =	sne.s32 s22, $0x7E00;
	v1 =	vld.idx.msk [tilespmem:v1+s12+$0x0], $0xffff  }
.Ltmp4:
0x80: {  	_ = 	snop;
	(pc) =	sbr.rel @p1 .LBB2_10-.Ltmp4, $2  }
0x81: {  	_ =	sdelay $0x2  }
0x82: {  	s22 =	sadd.s32 $0x200, s22;
	[tilespmem:v2+s18+$0x0] =	vst.idx.add.f32.msk $0xffff, v1  }
0x83: {  	s21 =	sadd.s32 $0x1, s21  }
0x84: {  	p1 =	sne.s32 s21, $0xA  }
.Ltmp5:
0x85: {  	_ = 	snop;
	(pc) =	sbr.rel @p1 .LBB2_7-.Ltmp5, $1  }
0x86: {  	_ =	sdelay $0x3  }
0x87: {  	s19 =	sadd.s32 $0x1, s19  }
0x88: {  	p1 =	sne.s32 s19, s11  }
.Ltmp6:
0x89: {  	_ = 	snop;
	(pc) =	sbr.rel @p1 .LBB2_1-.Ltmp6, $4  }
0x8a: {  	[hbm4b:s10+s2] =	stream.linear.scatter [tilespmem:s18], [sflag:$0x2], $0x2800, $0x38;
	[tilespmem:$0xD000] =	vst v63  }
0x8b: {  	_ =	swait.ge [sflag:s13], $0x2800  }
0x8c: {  	[sflag:s13] =	ssyncset.done $0x0  }
0x8d: {  	[sflag:s13] =	ssyncadd.s32 $0xFFFFD800  }
0x8e: {  	_ =	sfence.sel $0x180000  }
0x8f: {  	[bflag:$0x0] =	sbarrier.arrive $0xFFFF  }
0x90: {  	p0 =	sne.s32 s1, $0x0;
	_ =	strace $0x9000004A  }
0x91: {  	s0 =	sadd.s32 @!p0 $0x100000, s0;
	[bflag:$0x2] =	sbarrier.arrive $0xFFFF  }
0x92: {  	[sflag:s0] =	ssyncadd.tile.s32 @!p0 $0x1;
	_ =	shalt  }
.Lfunc_end2:
_tile_overlayer_lowered:
.L_overlay_start_2:
0x93: {  	(tag) =	ssettag $0x2  }
0x94: {  	s0 =	rddreg [dreg:$0x0];
	s2 =	stileid.u32  }
0x95: {  	s1 =	rddreg [dreg:$0x1];
	p0 =	sne.s32 s2, $0x0  }
0x96: {  	s3 =	rddreg [dreg:$0x2];
	[bflag:$0x3] =	sbarrier.arrive $0xFFFF;
	s2 =	simm.s32 @!p0 $0x1C02  }
0x97: {  	[timem:s3], [sflag:s2] =	dma.local @!p0 [hbm:s0], s1  }
0x98: {  	s0 =	simm.s32 @!p0 $0x2  }
0x99: {  	_ =	swait.ge @!p0 [sflag:s0], s1  }
0x9a: {  	s1 =	ssub.s32 @!p0 $0x0, s1;
	[sflag:s0] =	ssyncset.done @!p0 $0x0  }
0x9b: {  	[sflag:s0] =	ssyncadd.s32 @!p0 s1  }
0x9c: {  	[bflag:$0x3] =	sbarrier.arrive $0xFFFF  }
0x9d: {  	_ =	shalt  }

// kernel: kernel.18.cloned.1.call-start
scs
__scs_entry_jumppad:
0x0: {  	(pc) =	sbr.rel $0x88, $3  }
0x1: {  	(tag) =	ssettag $0x0;
	lr =	simm.s32 $0x1  }
0x2: {  	[smem:$0x3F93] =	sst lr;
	_ =	strace $0xD0000000  }
0x3: {  	_ = 	snop  }
0x4: {  	_ = 	snop  }
0x5: {  	_ = 	snop  }
0x6: {  	_ = 	snop  }
0x7: {  	_ = 	snop  }
__scs_overlays_trampoline_lowered:
0x8: {  	[smem:$0x3FA2] =	sst s0  }
0x9: {  	[smem:$0x3FA3] =	sst s1  }
0xa: {  	[smem:$0x3FA4] =	sst s2  }
0xb: {  	[smem:$0x3FA5] =	sst s3  }
0xc: {  	[smem:$0x3FA6] =	sst s4  }
0xd: {  	[smem:$0x3FA7] =	sst s5  }
0xe: {  	[smem:$0x3FA8] =	sst s6  }
0xf: {  	[smem:$0x3FA9] =	sst s7  }
0x10: {  	[smem:$0x3FAA] =	sst s8  }
0x11: {  	[smem:$0x3FAB] =	sst s9;
	s0 =	simm.s32 @!p0 $0x0  }
0x12: {  	s1 =	sld [smem:$0x3F91];
	s0 =	simm.s32 @p0 $0x1  }
0x13: {  	[smem:$0x3FAC] =	sst s0;
	s0 =	simm.s32 @!p1 $0x0  }
0x14: {  	s2 =	sld [smem:$0x3F90];
	s0 =	simm.s32 @p1 $0x1  }
0x15: {  	[smem:$0x3FAD] =	sst s0;
	s0 =	simm.s32 @!p2 $0x0  }
0x16: {  	s3 =	sld [smem:$0x3FDB];
	s0 =	simm.s32 @p2 $0x1  }
0x17: {  	s4 =	simm.s32 $0x1BF5;
	[smem:$0x3FAF] =	sst s0  }
0x18: {  	s0 =	sld [smem:$0x3F92];
	_ =	swait.ge [sflag:s4], $0x0  }
0x19: {  	s7 =	sld [smem:$0x3F93]  }
0x1a: {  	s8 =	sadd.s32 $0xFFFFE003, lr  }
0x1b: {  	s9 =	sadd.s32 $0xFFFFFEF7, lr;
	s5 =	simm.s32 $0xFFFFFFFF;
	p2 =	slt.u32 s8, $0xFFFFF086  }
0x1c: {  	p1 =	slt.u32 s9, $0xF7A;
	s5 =	simm.s32 @!p2 $0x0  }
0x1d: {  	s5 =	simm.s32 @p1 $0x1;
	p0 =	seq.s32 s7, s2  }
0x1e: {  	s7 =	smul.u32 @!p0 $0xF7A, s2;
	p2 =	seq.s32 @!p0 s5, $0x0  }
0x1f: {  	s9 =	smul.u32 $0xF7A, s1;
	s8 =	simm.s32 @!p0 $0x1BF5;
	p2 =	por !p2, p0  }
0x20: {  	[sflag:s8] =	ssyncset.s32 @!p0 $0xFFFFF086;
	s6 =	sadd.s32 @!p0 s3, s7;
	s7 =	simm.s32 @!p0 $0x108  }
0x21: {  	s3 =	sadd.s32 s3, s9;
	s6 =	sadd.s32 @!p0 $0x88, s6;
	s7 =	simm.s32 @p2 $0x1082  }
0x22: {  	[simem:s7], [sflag:s8] =	dma.local @!p0 [hbm:s6], $0xF7A  }
0x23: {  	s9 =	sor.u32 $0xD0000000, s2;
	s6 =	simm.s32 $0x108;
	_ =	swait.ge @!p0 [sflag:s8], $0x0  }
0x24: {  	s3 =	sadd.s32 $0x88, s3;
	s6 =	simm.s32 @!p1 $0x1082;
	[sflag:s4] =	ssyncset.s32 $0xFFFFF086  }
0x25: {  	[simem:s6], [sflag:s4] =	dma.local [hbm:s3], $0xF7A  }
0x26: {  	[smem:$0x3F93] =	sst s1;
	(tag) =	ssettag s2;
	_ =	strace s9  }
0x27: {  	s1 =	sld [smem:$0x3FA3]  }
0x28: {  	s2 =	sld [smem:$0x3FA4]  }
0x29: {  	s4 =	sld [smem:$0x3FA6]  }
0x2a: {  	p0 =	seq.s32 s5, $0x0;
	s5 =	sld [smem:$0x3FA7]  }
0x2b: {  	s6 =	sld [smem:$0x3FA8]  }
0x2c: {  	s7 =	sld [smem:$0x3FA9]  }
0x2d: {  	s3 =	simm.s32 $0x108;
	s8 =	sld [smem:$0x3FAA]  }
0x2e: {  	s3 =	simm.s32 @!p0 $0x1082;
	s9 =	sld [smem:$0x3FAB]  }
0x2f: {  	lr =	sadd.s32 s0, s3;
	s0 =	sld [smem:$0x3FA2]  }
0x30: {  	s3 =	sld [smem:$0x3FA5]  }
0x31: {  	[smem:$0x3FAE] =	sst s10  }
0x32: {  	s10 =	sld [smem:$0x3FAC];
	_ =	sdelay $0x3  }
0x33: {  	p0 =	seq.s32 s10, $0x1;
	s10 =	sld [smem:$0x3FAE];
	_ =	sdelay $0x3  }
0x34: {  	[smem:$0x3FAE] =	sst s10  }
0x35: {  	s10 =	sld [smem:$0x3FAD];
	_ =	sdelay $0x3  }
0x36: {  	p1 =	seq.s32 s10, $0x1;
	s10 =	sld [smem:$0x3FAE];
	_ =	sdelay $0x3  }
0x37: {  	[smem:$0x3FAE] =	sst s10  }
0x38: {  	s10 =	sld [smem:$0x3FAF]  }
0x39: {  	_ = 	snop;
	(pc) =	sbr.ind lr, $3  }
0x3a: {  	_ = 	snop  }
0x3b: {  	_ = 	snop  }
0x3c: {  	p2 =	seq.s32 s10, $0x1;
	s10 =	sld [smem:$0x3FAE]  }
0x3d: {  	_ =	shalt  }
0x3e: {  	_ =	shalt  }
0x3f: {  	_ =	shalt  }
0x40: {  	_ =	shalt  }
0x41: {  	_ =	shalt  }
0x42: {  	_ =	shalt  }
0x43: {  	_ =	shalt  }
0x44: {  	_ =	shalt  }
0x45: {  	_ =	shalt  }
0x46: {  	_ =	shalt  }
0x47: {  	_ =	shalt  }
0x48: {  	_ =	shalt  }
0x49: {  	_ =	shalt  }
0x4a: {  	_ =	shalt  }
0x4b: {  	_ =	shalt  }
0x4c: {  	_ =	shalt  }
0x4d: {  	_ =	shalt  }
0x4e: {  	_ =	shalt  }
0x4f: {  	_ =	shalt  }
0x50: {  	_ =	shalt  }
0x51: {  	_ =	shalt  }
0x52: {  	_ =	shalt  }
0x53: {  	_ =	shalt  }
0x54: {  	_ =	shalt  }
0x55: {  	_ =	shalt  }
0x56: {  	_ =	shalt  }
0x57: {  	_ =	shalt  }
0x58: {  	_ =	shalt  }
0x59: {  	_ =	shalt  }
0x5a: {  	_ =	shalt  }
0x5b: {  	_ =	shalt  }
0x5c: {  	_ =	shalt  }
0x5d: {  	_ =	shalt  }
0x5e: {  	_ =	shalt  }
0x5f: {  	_ =	shalt  }
0x60: {  	_ =	shalt  }
0x61: {  	_ =	shalt  }
0x62: {  	_ =	shalt  }
0x63: {  	_ =	shalt  }
0x64: {  	_ =	shalt  }
0x65: {  	_ =	shalt  }
0x66: {  	_ =	shalt  }
0x67: {  	_ =	shalt  }
0x68: {  	_ =	shalt  }
0x69: {  	_ =	shalt  }
0x6a: {  	_ =	shalt  }
0x6b: {  	_ =	shalt  }
0x6c: {  	_ =	shalt  }
0x6d: {  	_ =	shalt  }
0x6e: {  	_ =	shalt  }
0x6f: {  	_ =	shalt  }
0x70: {  	_ =	shalt  }
0x71: {  	_ =	shalt  }
0x72: {  	_ =	shalt  }
0x73: {  	_ =	shalt  }
0x74: {  	_ =	shalt  }
0x75: {  	_ =	shalt  }
0x76: {  	_ =	shalt  }
0x77: {  	_ =	shalt  }
0x78: {  	_ =	shalt  }
0x79: {  	_ =	shalt  }
0x7a: {  	_ =	shalt  }
0x7b: {  	_ =	shalt  }
0x7c: {  	_ =	shalt  }
0x7d: {  	_ =	shalt  }
0x7e: {  	_ =	shalt  }
0x7f: {  	_ =	shalt  }
0x80: {  	_ =	shalt  }
0x81: {  	_ =	shalt  }
0x82: {  	_ =	shalt  }
0x83: {  	_ =	shalt  }
0x84: {  	_ =	shalt  }
0x85: {  	_ =	shalt  }
0x86: {  	_ =	shalt  }
0x87: {  	_ =	shalt  }
.Lfunc_end0:
.L_simem_size_0:
called_computation.2_lowered:
.L_overlay_start_0:
0x88: {  	s2 =	sld [smem:$0x3FD9]  }
0x89: {  	s3 =	sld [smem:$0x3FFE];
	_ =	sdelay $0x1  }
0x8a: {  	s1 =	srdreg.scid  }
0x8b: {  	s0 =	sand.u32 $0x1, s1  }
0x8c: {  	s16 =	sshll.u32 s0, $0xA;
	s2 =	sadd.s32 s3, s2  }
0x8d: {  	s2 =	sadd.s32 s2, s16  }
0x8e: {  	[smem:$0x3FBA] =	sst s2  }
0x8f: {  	_ = 	snop  }
0x90: {  	(tm) =	ssettm $0x1  }
0x91: {  	s17 =	sld [smem:$0x3FFB];
	_ =	sdelay $0x3  }
0x92: {  	_ =	strace s17  }
0x93: {  	s2 =	sld [smem:$0x3FFC];
	_ =	sdelay $0x3  }
0x94: {  	_ =	strace s2  }
0x95: {  	s2 =	sld [smem:$0x3FFD];
	_ =	sdelay $0x3  }
0x96: {  	_ =	strace s2  }
0x97: {  	_ =	strace $0x8FFFFFFF  }
0x98: {  	s18 =	sld [smem:$0x3FDB];
	_ =	sdelay $0x1  }
0x99: {  	s19 =	simm.s32 $_scs_section_size  }
0x9a: {  	s4 =	simm.s32 $_size__tile_overlayer_lowered;
	s5 =	simm.s32 $_tile_overlayer_lowered  }
0x9b: {  	s22 =	simm.s32 $0x1BFF;
	s21 =	sshll.u32 s5, $0x1;
	s2 =	sadd.s32 s19, s18  }
0x9c: {  	s6 =	simm.s32 $0x0;
	s20 =	sshll.u32 s4, $0x1;
	s4 =	sadd.s32 s21, s2  }
0x9d: {  	[timem:s6], [sflag:s22] =	dma.local [hbm:s4], s20  }
0x9e: {  	_ =	swait.ge [sflag:s22], s20  }
0x9f: {  	s3 =	ssub.s32 $0x0, s20;
	[sflag:s22] =	ssyncset.done $0x0  }
0xa0: {  	[sflag:s22] =	ssyncadd.s32 s3;
	_ =	sdelay $0x1  }
0xa1: {  	s23 =	simm.s32 $0x1B8B  }
0xa2: {  	_ =	swait.ge [sflag:s23], $0x1  }
0xa3: {  	[sflag:s23] =	ssyncset.done $0x0  }
0xa4: {  	s25 =	simm.s32 $0x1B8E;
	s24 =	sld [smem:$0x3FFE];
	[sflag:s23] =	ssyncadd.s32 $0xFFFFFFFF  }
0xa5: {  	s26 =	simm.s32 $execute0_lowered;
	[smem:$0x3FD2] =	sst s25  }
0xa6: {  	s4 =	sshll.u32 s26, $0x1;
	_ =	strace $0x8000004C;
	[dreg:$0x1] =	wrdreg $0xFFFFFFFF  }
0xa7: {  	s28 =	simm.s32 $_size_execute0_lowered;
	s2 =	sadd.s32 s2, s4;
	[dreg:$0x0] =	wrdreg $0x0  }
0xa8: {  	s4 =	sshll.u32 s28, $0x1;
	[dreg:$0x2] =	wrdreg s2  }
0xa9: {  	[dreg:$0x3] =	wrdreg s4  }
0xaa: {  	[dreg:$0x4] =	wrdreg $0xC0  }
0xab: {  	_ =	task [dreg:s6], $0x5FFFF  }
0xac: {  	[dreg:$0x1] =	wrdreg $0xFFFFFFFF  }
0xad: {  	[dreg:$0x0] =	wrdreg $0x60  }
0xae: {  	[dreg:$0x2] =	wrdreg s24  }
0xaf: {  	[dreg:$0x3] =	wrdreg $0x9  }
0xb0: {  	_ =	task.clear_ibuf [dreg:s6], $0x4FFFF;
	_ =	strace $0x9000004C  }
0xb1: {  	s29 =	simm.s32 $0x9;
	_ =	strace $0x8000004E  }
0xb2: {  	_ =	swait.ge [sflag:s29], $0x1  }
0xb3: {  	[sflag:s29] =	ssyncadd.s32 $0xFFFFFFFF  }
0xb4: {  	_ =	strace $0x9000004E  }
0xb5: {  	_ =	sfence  }
0xb6: {  	s30 =	sld [smem:$0x0];
	_ =	sdelay $0x2  }
0xb7: {  	s31 =	sshll.u32 s1, $0xD;
	s1 =	sshrl.u32 s1, $0x2  }
0xb8: {  	s3 =	sand.u32 $0x4000, s31;
	s1 =	sadd.s32 s1, s30  }
0xb9: {  	s0 =	sor.u32 s3, s0;
	s1 =	sshll.u32 s1, $0x11  }
0xba: {  	s0 =	sor.u32 s1, s0  }
0xbb: {  	s0 =	sadd.s32 $0x8F2B, s0  }
0xbc: {  	[sflag:s0] =	ssyncadd.remote.s32 $0x1  }
0xbd: {  	_ =	sfence.sel $0xFFFF  }
0xbe: {  	[dreg:$0x0] =	wrdreg $0xFFFFFFFF;
	(pc) =	sbr.abs _section_cstart, $3  }
0xbf: {  	[dreg:$0x1] =	wrdreg $0xFFFFFFFF  }
0xc0: {  	_ =	task.clear_ibuf [dreg:s6], $0x2FFFF;
	_ =	strace $0x9FFFFFFF  }
0xc1: {  	(tm) =	ssettm $0x7FFFFFFF  }
tec
execute0_lowered:
.L_overlay_start_1:
0x0: {  	(tag) =	ssettag $0x1  }
0x1: {  	s5 =	rddreg [dreg:$0x0];
	s2 =	srdreg.scid  }
0x2: {  	s0 =	rddreg [dreg:$0x1];
	s1 =	stileid.u32  }
0x3: {  	s13 =	simm.s32 $0x2;
	s14 =	simm.s32 $0x2000;
	s15 =	simm.s32 $0x4000  }
0x4: {  	s16 =	simm.s32 $0x6000;
	s17 =	simm.s32 $0x1;
	s18 =	simm.s32 $0xA800  }
0x5: {  	s19 =	simm.s32 $0x0;
	s6 =	sand.u32 $0x1, s2;
	s2 =	simm.s32 $0x0  }
0x6: {  	s3 =	smul.u32 $0x500, s1;
	s4 =	sshll.u32 s6, $0x4;
	[smem:$0x7FF] =	sst s2  }
0x7: {  	s9 =	ssub.s32 $0x2, s6;
	s10 =	smul.u32 $0x28000, s6;
	p0 =	seq.s32 s6, $0x1  }
0x8: {  	s4 =	sor.u32 s1, s4;
	_ =	strace $0x8000004D;
	s7 =	sadd.s32 s3, s5  }
0x9: {  	s3 =	sadd.s32 $0xBE00, s5;
	s30 =	sshrl.u32 s9, $0x1;
	s8 =	smul.u32 $0x500, s4  }
0xa: {  	s4 =	sadd.s32 $0x1E00, s5;
	s12 =	ssub.s32 s9, s30;
	s31 =	sshrl.u32 s10, $0x3  }
0xb: {  	s9 =	sor.u32 $0x4000, s10;
	s6 =	sadd.s32 s3, s31;
	s11 =	sadd.s32 s8, s5  }
0xc: {  	s5 =	sadd.s32 $0x15E00, s7;
	s7 =	sadd.s32 s4, s31;
	s8 =	sor.u32 $0x2000, s10  }
0xd: {  	v0 =	vimm.f32 $0.0e+00;
	s10 =	sadd.s32 $0x1AE00, s11;
	s11 =	smax.u32 s12, $0x1;
	s12 =	simm.s32 $0x8000  }
.LBB2_1:
.Ltmp0:
0xe: {  	(pc) =	sbr.rel @!p0 .LBB2_2-.Ltmp0, $4  }
0xf: {  	[tilespmem:s12], [sflag:$0x2] =	stream.linear.gather [hbm4b:s5+s2], $0x2800, $0x38;
	[tilespmem:$0xD000] =	vst v63  }
0x10: {  	_ =	swait.ge [sflag:s13], $0x2800  }
0x11: {  	[sflag:s13] =	ssyncset.done $0x0  }
0x12: {  	[sflag:s13] =	ssyncadd.s32 $0xFFFFD800  }
0x13: {  	s20 =	simm.s32 $0x40;
	s21 =	simm.s32 $0x0  }
.LBB2_4:
0x14: {  	p1 =	sne.s32 s20, $0x9FC0;
	[tilespmem:s21+$0xA800] =	vst v0;
	s21 =	smov.u32 s20;
	s20 =	sadd.s32 $0x40, s20  }
.Ltmp1:
0x15: {  	(pc) =	sbr.rel @p1 .LBB2_4-.Ltmp1, $2  }
0x16: {  	_ =	sdelay $0x2  }
0x17: {  	s21 =	sshra.s32 s21, $0x2  }
.Ltmp2:
0x18: {  	(pc) =	sbr.rel .LBB2_6-.Ltmp2, $2  }
0x19: {  	_ =	sdelay $0x2  }
0x1a: {  	[tilespmem:s21+$0xA800] =	vst v0  }
.LBB2_2:
0x1b: {  	[tilespmem:s18], [sflag:$0x2] =	stream.linear.gather [hbm4b:s5+s2], $0x2800, $0x38;
	[tilespmem:$0xD000] =	vst v63  }
0x1c: {  	_ =	swait.ge [sflag:s13], $0x2800  }
0x1d: {  	[sflag:s13] =	ssyncset.done $0x0  }
0x1e: {  	[sflag:s13] =	ssyncadd.s32 $0xFFFFD800  }
.LBB2_6:
0x1f: {  	s20 =	simm.s32 $0x0  }
0x20: {  	[tilespmem:s20], [sflag:$0x1] =	stream.linear.gather [hbm4b:s6+s20], $0x2000, $0x38;
	[tilespmem:$0xD000] =	vst v63  }
0x21: {  	s21 =	simm.s32 $0x0  }
0x22: {  	[tilespmem:s14], [sflag:$0x1] =	stream.linear.gather [hbm4b:s7+s20], $0x2000, $0x38;
	[tilespmem:$0xD000] =	vst v63  }
.LBB2_7:
0x23: {  	s22 =	sshll.u32 s21, $0xE  }
0x24: {  	s23 =	sadd.s32 s22, s8  }
0x25: {  	s23 =	sshrl.u32 s23, $0x3  }
0x26: {  	s24 =	sadd.s32 s3, s23  }
0x27: {  	[tilespmem:s15], [sflag:$0x1] =	stream.linear.gather [hbm4b:s24+s20], $0x2000, $0x38;
	[tilespmem:$0xD000] =	vst v63  }
0x28: {  	s23 =	sadd.s32 s4, s23  }
0x29: {  	[tilespmem:s16], [sflag:$0x1] =	stream.linear.gather [hbm4b:s23+s20], $0x2000, $0x38;
	[tilespmem:$0xD000] =	vst v63  }
0x2a: {  	_ =	swait.ge [sflag:s17], $0x2000  }
0x2b: {  	[sflag:s17] =	ssyncset.done $0x0  }
0x2c: {  	[sflag:s17] =	ssyncadd.s32 $0xFFFFE000  }
0x2d: {  	_ =	swait.ge [sflag:s17], $0x2000  }
0x2e: {  	[sflag:s17] =	ssyncset.done $0x0  }
0x2f: {  	s23 =	simm.s32 $0x0;
	[sflag:s17] =	ssyncadd.s32 $0xFFFFE000  }
.LBB2_8:
0x30: {  	s24 =	sshra.s32 s23, $0x2  }
0x31: {  	v1 =	vld [tilespmem:s24+$0x0];
	_ =	sdelay $0x4  }
0x32: {  	v2 =	vld [tilespmem:s24+$0x2000];
	_ =	sdelay $0x2  }
0x33: {  	v1 =	vld.idx.msk [tilespmem:v1+s12+$0x0], $0xffff;
	_ =	sdelay $0x4  }
0x34: {  	[tilespmem:v2+s18+$0x0] =	vst.idx.add.f32.msk $0xffff, v1  }
0x35: {  	v1 =	vld [tilespmem:s24+$0x10];
	_ =	sdelay $0x4  }
0x36: {  	v2 =	vld [tilespmem:s24+$0x2010];
	_ =	sdelay $0x2  }
0x37: {  	v1 =	vld.idx.msk [tilespmem:v1+s12+$0x0], $0xffff;
	_ =	sdelay $0x4  }
0x38: {  	[tilespmem:v2+s18+$0x0] =	vst.idx.add.f32.msk $0xffff, v1  }
0x39: {  	v1 =	vld [tilespmem:s24+$0x20];
	_ =	sdelay $0x4  }
0x3a: {  	v2 =	vld [tilespmem:s24+$0x2020];
	_ =	sdelay $0x2  }
0x3b: {  	v1 =	vld.idx.msk [tilespmem:v1+s12+$0x0], $0xffff;
	_ =	sdelay $0x4  }
0x3c: {  	[tilespmem:v2+s18+$0x0] =	vst.idx.add.f32.msk $0xffff, v1  }
0x3d: {  	v1 =	vld [tilespmem:s24+$0x30];
	_ =	sdelay $0x4  }
0x3e: {  	v2 =	vld [tilespmem:s24+$0x2030];
	_ =	sdelay $0x2  }
0x3f: {  	v1 =	vld.idx.msk [tilespmem:v1+s12+$0x0], $0xffff;
	_ =	sdelay $0x4  }
0x40: {  	[tilespmem:v2+s18+$0x0] =	vst.idx.add.f32.msk $0xffff, v1  }
0x41: {  	v1 =	vld [tilespmem:s24+$0x40];
	_ =	sdelay $0x4  }
0x42: {  	v2 =	vld [tilespmem:s24+$0x2040];
	_ =	sdelay $0x2  }
0x43: {  	v1 =	vld.idx.msk [tilespmem:v1+s12+$0x0], $0xffff;
	_ =	sdelay $0x4  }
0x44: {  	[tilespmem:v2+s18+$0x0] =	vst.idx.add.f32.msk $0xffff, v1  }
0x45: {  	v1 =	vld [tilespmem:s24+$0x50];
	_ =	sdelay $0x4  }
0x46: {  	v2 =	vld [tilespmem:s24+$0x2050];
	_ =	sdelay $0x2  }
0x47: {  	v1 =	vld.idx.msk [tilespmem:v1+s12+$0x0], $0xffff;
	_ =	sdelay $0x4  }
0x48: {  	[tilespmem:v2+s18+$0x0] =	vst.idx.add.f32.msk $0xffff, v1  }
0x49: {  	v1 =	vld [tilespmem:s24+$0x60];
	_ =	sdelay $0x4  }
0x4a: {  	v2 =	vld [tilespmem:s24+$0x2060];
	_ =	sdelay $0x2  }
0x4b: {  	v1 =	vld.idx.msk [tilespmem:v1+s12+$0x0], $0xffff;
	_ =	sdelay $0x4  }
0x4c: {  	[tilespmem:v2+s18+$0x0] =	vst.idx.add.f32.msk $0xffff, v1  }
0x4d: {  	v1 =	vld [tilespmem:s24+$0x70];
	_ =	sdelay $0x4  }
0x4e: {  	v2 =	vld [tilespmem:s24+$0x2070];
	_ =	sdelay $0x2  }
0x4f: {  	p1 =	sne.s32 s23, $0x7E00;
	v1 =	vld.idx.msk [tilespmem:v1+s12+$0x0], $0xffff  }
.Ltmp3:
0x50: {  	_ = 	snop;
	(pc) =	sbr.rel @p1 .LBB2_8-.Ltmp3, $2  }
0x51: {  	_ =	sdelay $0x2  }
0x52: {  	s23 =	sadd.s32 $0x200, s23;
	[tilespmem:v2+s18+$0x0] =	vst.idx.add.f32.msk $0xffff, v1  }
0x53: {  	p1 =	seq.s32 s21, $0x9  }
0x54: {  	s22 =	sadd.s32 @!p1 s22, s9  }
0x55: {  	s22 =	sshrl.u32 @!p1 s22, $0x3  }
0x56: {  	s24 =	simm.s32 @!p1 $0x0;
	s23 =	sadd.s32 @!p1 s3, s22  }
0x57: {  	[tilespmem:s24], [sflag:$0x1] =	stream.linear.gather @!p1 [hbm4b:s23+s24], $0x2000, $0x38;
	[tilespmem:$0xD000] =	vst v63  }
0x58: {  	s22 =	sadd.s32 @!p1 s4, s22;
	s23 =	simm.s32 @!p1 $0x2000  }
0x59: {  	[tilespmem:s23], [sflag:$0x1] =	stream.linear.gather @!p1 [hbm4b:s22+s24], $0x2000, $0x38;
	[tilespmem:$0xD000] =	vst v63  }
0x5a: {  	_ =	swait.ge [sflag:s17], $0x2000  }
0x5b: {  	[sflag:s17] =	ssyncset.done $0x0  }
0x5c: {  	[sflag:s17] =	ssyncadd.s32 $0xFFFFE000  }
0x5d: {  	_ =	swait.ge [sflag:s17], $0x2000  }
0x5e: {  	[sflag:s17] =	ssyncset.done $0x0  }
0x5f: {  	s22 =	simm.s32 $0x0;
	[sflag:s17] =	ssyncadd.s32 $0xFFFFE000  }
.LBB2_10:
0x60: {  	s23 =	sshra.s32 s22, $0x2  }
0x61: {  	v1 =	vld [tilespmem:s23+$0x4000];
	_ =	sdelay $0x4  }
0x62: {  	v2 =	vld [tilespmem:s23+$0x6000];
	_ =	sdelay $0x2  }
0x63: {  	v1 =	vld.idx.msk [tilespmem:v1+s12+$0x0], $0xffff;
	_ =	sdelay $0x4  }
0x64: {  	[tilespmem:v2+s18+$0x0] =	vst.idx.add.f32.msk $0xffff, v1  }
0x65: {  	v1 =	vld [tilespmem:s23+$0x4010];
	_ =	sdelay $0x4  }
0x66: {  	v2 =	vld [tilespmem:s23+$0x6010];
	_ =	sdelay $0x2  }
0x67: {  	v1 =	vld.idx.msk [tilespmem:v1+s12+$0x0], $0xffff;
	_ =	sdelay $0x4  }
0x68: {  	[tilespmem:v2+s18+$0x0] =	vst.idx.add.f32.msk $0xffff, v1  }
0x69: {  	v1 =	vld [tilespmem:s23+$0x4020];
	_ =	sdelay $0x4  }
0x6a: {  	v2 =	vld [tilespmem:s23+$0x6020];
	_ =	sdelay $0x2  }
0x6b: {  	v1 =	vld.idx.msk [tilespmem:v1+s12+$0x0], $0xffff;
	_ =	sdelay $0x4  }
0x6c: {  	[tilespmem:v2+s18+$0x0] =	vst.idx.add.f32.msk $0xffff, v1  }
0x6d: {  	v1 =	vld [tilespmem:s23+$0x4030];
	_ =	sdelay $0x4  }
0x6e: {  	v2 =	vld [tilespmem:s23+$0x6030];
	_ =	sdelay $0x2  }
0x6f: {  	v1 =	vld.idx.msk [tilespmem:v1+s12+$0x0], $0xffff;
	_ =	sdelay $0x4  }
0x70: {  	[tilespmem:v2+s18+$0x0] =	vst.idx.add.f32.msk $0xffff, v1  }
0x71: {  	v1 =	vld [tilespmem:s23+$0x4040];
	_ =	sdelay $0x4  }
0x72: {  	v2 =	vld [tilespmem:s23+$0x6040];
	_ =	sdelay $0x2  }
0x73: {  	v1 =	vld.idx.msk [tilespmem:v1+s12+$0x0], $0xffff;
	_ =	sdelay $0x4  }
0x74: {  	[tilespmem:v2+s18+$0x0] =	vst.idx.add.f32.msk $0xffff, v1  }
0x75: {  	v1 =	vld [tilespmem:s23+$0x4050];
	_ =	sdelay $0x4  }
0x76: {  	v2 =	vld [tilespmem:s23+$0x6050];
	_ =	sdelay $0x2  }
0x77: {  	v1 =	vld.idx.msk [tilespmem:v1+s12+$0x0], $0xffff;
	_ =	sdelay $0x4  }
0x78: {  	[tilespmem:v2+s18+$0x0] =	vst.idx.add.f32.msk $0xffff, v1  }
0x79: {  	v1 =	vld [tilespmem:s23+$0x4060];
	_ =	sdelay $0x4  }
0x7a: {  	v2 =	vld [tilespmem:s23+$0x6060];
	_ =	sdelay $0x2  }
0x7b: {  	v1 =	vld.idx.msk [tilespmem:v1+s12+$0x0], $0xffff;
	_ =	sdelay $0x4  }
0x7c: {  	[tilespmem:v2+s18+$0x0] =	vst.idx.add.f32.msk $0xffff, v1  }
0x7d: {  	v1 =	vld [tilespmem:s23+$0x4070];
	_ =	sdelay $0x4  }
0x7e: {  	v2 =	vld [tilespmem:s23+$0x6070];
	_ =	sdelay $0x2  }
0x7f: {  	p1 =	sne.s32 s22, $0x7E00;
	v1 =	vld.idx.msk [tilespmem:v1+s12+$0x0], $0xffff  }
.Ltmp4:
0x80: {  	_ = 	snop;
	(pc) =	sbr.rel @p1 .LBB2_10-.Ltmp4, $2  }
0x81: {  	_ =	sdelay $0x2  }
0x82: {  	s22 =	sadd.s32 $0x200, s22;
	[tilespmem:v2+s18+$0x0] =	vst.idx.add.f32.msk $0xffff, v1  }
0x83: {  	s21 =	sadd.s32 $0x1, s21  }
0x84: {  	p1 =	sne.s32 s21, $0xA  }
.Ltmp5:
0x85: {  	_ = 	snop;
	(pc) =	sbr.rel @p1 .LBB2_7-.Ltmp5, $1  }
0x86: {  	_ =	sdelay $0x3  }
0x87: {  	s19 =	sadd.s32 $0x1, s19  }
0x88: {  	p1 =	sne.s32 s19, s11  }
.Ltmp6:
0x89: {  	_ = 	snop;
	(pc) =	sbr.rel @p1 .LBB2_1-.Ltmp6, $4  }
0x8a: {  	[hbm4b:s10+s2] =	stream.linear.scatter [tilespmem:s18], [sflag:$0x2], $0x2800, $0x38;
	[tilespmem:$0xD000] =	vst v63  }
0x8b: {  	_ =	swait.ge [sflag:s13], $0x2800  }
0x8c: {  	[sflag:s13] =	ssyncset.done $0x0  }
0x8d: {  	[sflag:s13] =	ssyncadd.s32 $0xFFFFD800  }
0x8e: {  	_ =	sfence.sel $0x180000  }
0x8f: {  	[bflag:$0x0] =	sbarrier.arrive $0xFFFF  }
0x90: {  	p0 =	sne.s32 s1, $0x0;
	_ =	strace $0x9000004D  }
0x91: {  	s0 =	sadd.s32 @!p0 $0x100000, s0;
	[bflag:$0x2] =	sbarrier.arrive $0xFFFF  }
0x92: {  	[sflag:s0] =	ssyncadd.tile.s32 @!p0 $0x1;
	_ =	shalt  }
.Lfunc_end2:
_tile_overlayer_lowered:
.L_overlay_start_2:
0x93: {  	(tag) =	ssettag $0x2  }
0x94: {  	s0 =	rddreg [dreg:$0x0];
	s2 =	stileid.u32  }
0x95: {  	s1 =	rddreg [dreg:$0x1];
	p0 =	sne.s32 s2, $0x0  }
0x96: {  	s3 =	rddreg [dreg:$0x2];
	[bflag:$0x3] =	sbarrier.arrive $0xFFFF;
	s2 =	simm.s32 @!p0 $0x1C02  }
0x97: {  	[timem:s3], [sflag:s2] =	dma.local @!p0 [hbm:s0], s1  }
0x98: {  	s0 =	simm.s32 @!p0 $0x2  }
0x99: {  	_ =	swait.ge @!p0 [sflag:s0], s1  }
0x9a: {  	s1 =	ssub.s32 @!p0 $0x0, s1;
	[sflag:s0] =	ssyncset.done @!p0 $0x0  }
0x9b: {  	[sflag:s0] =	ssyncadd.s32 @!p0 s1  }
0x9c: {  	[bflag:$0x3] =	sbarrier.arrive $0xFFFF  }
0x9d: {  	_ =	shalt  }

// kernel: kernel.21.cloned.1.call-start
scs
__scs_entry_jumppad:
0x0: {  	(pc) =	sbr.rel $0x88, $3  }
0x1: {  	(tag) =	ssettag $0x0;
	lr =	simm.s32 $0x1  }
0x2: {  	[smem:$0x3F93] =	sst lr;
	_ =	strace $0xD0000000  }
0x3: {  	_ = 	snop  }
0x4: {  	_ = 	snop  }
0x5: {  	_ = 	snop  }
0x6: {  	_ = 	snop  }
0x7: {  	_ = 	snop  }
__scs_overlays_trampoline_lowered:
0x8: {  	[smem:$0x3FA2] =	sst s0  }
0x9: {  	[smem:$0x3FA3] =	sst s1  }
0xa: {  	[smem:$0x3FA4] =	sst s2  }
0xb: {  	[smem:$0x3FA5] =	sst s3  }
0xc: {  	[smem:$0x3FA6] =	sst s4  }
0xd: {  	[smem:$0x3FA7] =	sst s5  }
0xe: {  	[smem:$0x3FA8] =	sst s6  }
0xf: {  	[smem:$0x3FA9] =	sst s7  }
0x10: {  	[smem:$0x3FAA] =	sst s8  }
0x11: {  	[smem:$0x3FAB] =	sst s9;
	s0 =	simm.s32 @!p0 $0x0  }
0x12: {  	s1 =	sld [smem:$0x3F91];
	s0 =	simm.s32 @p0 $0x1  }
0x13: {  	[smem:$0x3FAC] =	sst s0;
	s0 =	simm.s32 @!p1 $0x0  }
0x14: {  	s2 =	sld [smem:$0x3F90];
	s0 =	simm.s32 @p1 $0x1  }
0x15: {  	[smem:$0x3FAD] =	sst s0;
	s0 =	simm.s32 @!p2 $0x0  }
0x16: {  	s3 =	sld [smem:$0x3FDB];
	s0 =	simm.s32 @p2 $0x1  }
0x17: {  	s4 =	simm.s32 $0x1BF5;
	[smem:$0x3FAF] =	sst s0  }
0x18: {  	s0 =	sld [smem:$0x3F92];
	_ =	swait.ge [sflag:s4], $0x0  }
0x19: {  	s7 =	sld [smem:$0x3F93]  }
0x1a: {  	s8 =	sadd.s32 $0xFFFFE003, lr  }
0x1b: {  	s9 =	sadd.s32 $0xFFFFFEF7, lr;
	s5 =	simm.s32 $0xFFFFFFFF;
	p2 =	slt.u32 s8, $0xFFFFF086  }
0x1c: {  	p1 =	slt.u32 s9, $0xF7A;
	s5 =	simm.s32 @!p2 $0x0  }
0x1d: {  	s5 =	simm.s32 @p1 $0x1;
	p0 =	seq.s32 s7, s2  }
0x1e: {  	s7 =	smul.u32 @!p0 $0xF7A, s2;
	p2 =	seq.s32 @!p0 s5, $0x0  }
0x1f: {  	s9 =	smul.u32 $0xF7A, s1;
	s8 =	simm.s32 @!p0 $0x1BF5;
	p2 =	por !p2, p0  }
0x20: {  	[sflag:s8] =	ssyncset.s32 @!p0 $0xFFFFF086;
	s6 =	sadd.s32 @!p0 s3, s7;
	s7 =	simm.s32 @!p0 $0x108  }
0x21: {  	s3 =	sadd.s32 s3, s9;
	s6 =	sadd.s32 @!p0 $0x88, s6;
	s7 =	simm.s32 @p2 $0x1082  }
0x22: {  	[simem:s7], [sflag:s8] =	dma.local @!p0 [hbm:s6], $0xF7A  }
0x23: {  	s9 =	sor.u32 $0xD0000000, s2;
	s6 =	simm.s32 $0x108;
	_ =	swait.ge @!p0 [sflag:s8], $0x0  }
0x24: {  	s3 =	sadd.s32 $0x88, s3;
	s6 =	simm.s32 @!p1 $0x1082;
	[sflag:s4] =	ssyncset.s32 $0xFFFFF086  }
0x25: {  	[simem:s6], [sflag:s4] =	dma.local [hbm:s3], $0xF7A  }
0x26: {  	[smem:$0x3F93] =	sst s1;
	(tag) =	ssettag s2;
	_ =	strace s9  }
0x27: {  	s1 =	sld [smem:$0x3FA3]  }
0x28: {  	s2 =	sld [smem:$0x3FA4]  }
0x29: {  	s4 =	sld [smem:$0x3FA6]  }
0x2a: {  	p0 =	seq.s32 s5, $0x0;
	s5 =	sld [smem:$0x3FA7]  }
0x2b: {  	s6 =	sld [smem:$0x3FA8]  }
0x2c: {  	s7 =	sld [smem:$0x3FA9]  }
0x2d: {  	s3 =	simm.s32 $0x108;
	s8 =	sld [smem:$0x3FAA]  }
0x2e: {  	s3 =	simm.s32 @!p0 $0x1082;
	s9 =	sld [smem:$0x3FAB]  }
0x2f: {  	lr =	sadd.s32 s0, s3;
	s0 =	sld [smem:$0x3FA2]  }
0x30: {  	s3 =	sld [smem:$0x3FA5]  }
0x31: {  	[smem:$0x3FAE] =	sst s10  }
0x32: {  	s10 =	sld [smem:$0x3FAC];
	_ =	sdelay $0x3  }
0x33: {  	p0 =	seq.s32 s10, $0x1;
	s10 =	sld [smem:$0x3FAE];
	_ =	sdelay $0x3  }
0x34: {  	[smem:$0x3FAE] =	sst s10  }
0x35: {  	s10 =	sld [smem:$0x3FAD];
	_ =	sdelay $0x3  }
0x36: {  	p1 =	seq.s32 s10, $0x1;
	s10 =	sld [smem:$0x3FAE];
	_ =	sdelay $0x3  }
0x37: {  	[smem:$0x3FAE] =	sst s10  }
0x38: {  	s10 =	sld [smem:$0x3FAF]  }
0x39: {  	_ = 	snop;
	(pc) =	sbr.ind lr, $3  }
0x3a: {  	_ = 	snop  }
0x3b: {  	_ = 	snop  }
0x3c: {  	p2 =	seq.s32 s10, $0x1;
	s10 =	sld [smem:$0x3FAE]  }
0x3d: {  	_ =	shalt  }
0x3e: {  	_ =	shalt  }
0x3f: {  	_ =	shalt  }
0x40: {  	_ =	shalt  }
0x41: {  	_ =	shalt  }
0x42: {  	_ =	shalt  }
0x43: {  	_ =	shalt  }
0x44: {  	_ =	shalt  }
0x45: {  	_ =	shalt  }
0x46: {  	_ =	shalt  }
0x47: {  	_ =	shalt  }
0x48: {  	_ =	shalt  }
0x49: {  	_ =	shalt  }
0x4a: {  	_ =	shalt  }
0x4b: {  	_ =	shalt  }
0x4c: {  	_ =	shalt  }
0x4d: {  	_ =	shalt  }
0x4e: {  	_ =	shalt  }
0x4f: {  	_ =	shalt  }
0x50: {  	_ =	shalt  }
0x51: {  	_ =	shalt  }
0x52: {  	_ =	shalt  }
0x53: {  	_ =	shalt  }
0x54: {  	_ =	shalt  }
0x55: {  	_ =	shalt  }
0x56: {  	_ =	shalt  }
0x57: {  	_ =	shalt  }
0x58: {  	_ =	shalt  }
0x59: {  	_ =	shalt  }
0x5a: {  	_ =	shalt  }
0x5b: {  	_ =	shalt  }
0x5c: {  	_ =	shalt  }
0x5d: {  	_ =	shalt  }
0x5e: {  	_ =	shalt  }
0x5f: {  	_ =	shalt  }
0x60: {  	_ =	shalt  }
0x61: {  	_ =	shalt  }
0x62: {  	_ =	shalt  }
0x63: {  	_ =	shalt  }
0x64: {  	_ =	shalt  }
0x65: {  	_ =	shalt  }
0x66: {  	_ =	shalt  }
0x67: {  	_ =	shalt  }
0x68: {  	_ =	shalt  }
0x69: {  	_ =	shalt  }
0x6a: {  	_ =	shalt  }
0x6b: {  	_ =	shalt  }
0x6c: {  	_ =	shalt  }
0x6d: {  	_ =	shalt  }
0x6e: {  	_ =	shalt  }
0x6f: {  	_ =	shalt  }
0x70: {  	_ =	shalt  }
0x71: {  	_ =	shalt  }
0x72: {  	_ =	shalt  }
0x73: {  	_ =	shalt  }
0x74: {  	_ =	shalt  }
0x75: {  	_ =	shalt  }
0x76: {  	_ =	shalt  }
0x77: {  	_ =	shalt  }
0x78: {  	_ =	shalt  }
0x79: {  	_ =	shalt  }
0x7a: {  	_ =	shalt  }
0x7b: {  	_ =	shalt  }
0x7c: {  	_ =	shalt  }
0x7d: {  	_ =	shalt  }
0x7e: {  	_ =	shalt  }
0x7f: {  	_ =	shalt  }
0x80: {  	_ =	shalt  }
0x81: {  	_ =	shalt  }
0x82: {  	_ =	shalt  }
0x83: {  	_ =	shalt  }
0x84: {  	_ =	shalt  }
0x85: {  	_ =	shalt  }
0x86: {  	_ =	shalt  }
0x87: {  	_ =	shalt  }
.Lfunc_end0:
.L_simem_size_0:
called_computation.3_lowered:
.L_overlay_start_0:
0x88: {  	s2 =	sld [smem:$0x3FD9]  }
0x89: {  	s3 =	sld [smem:$0x3FFE];
	_ =	sdelay $0x1  }
0x8a: {  	s1 =	srdreg.scid  }
0x8b: {  	s0 =	sand.u32 $0x1, s1  }
0x8c: {  	s16 =	sshll.u32 s0, $0xA;
	s2 =	sadd.s32 s3, s2  }
0x8d: {  	s2 =	sadd.s32 s2, s16  }
0x8e: {  	[smem:$0x3FBA] =	sst s2  }
0x8f: {  	_ = 	snop  }
0x90: {  	(tm) =	ssettm $0x1  }
0x91: {  	s17 =	sld [smem:$0x3FFB];
	_ =	sdelay $0x3  }
0x92: {  	_ =	strace s17  }
0x93: {  	s2 =	sld [smem:$0x3FFC];
	_ =	sdelay $0x3  }
0x94: {  	_ =	strace s2  }
0x95: {  	s2 =	sld [smem:$0x3FFD];
	_ =	sdelay $0x3  }
0x96: {  	_ =	strace s2  }
0x97: {  	_ =	strace $0x8FFFFFFF  }
0x98: {  	s18 =	sld [smem:$0x3FDB];
	_ =	sdelay $0x1  }
0x99: {  	s19 =	simm.s32 $_scs_section_size  }
0x9a: {  	s4 =	simm.s32 $_size__tile_overlayer_lowered;
	s5 =	simm.s32 $_tile_overlayer_lowered  }
0x9b: {  	s22 =	simm.s32 $0x1BFF;
	s21 =	sshll.u32 s5, $0x1;
	s2 =	sadd.s32 s19, s18  }
0x9c: {  	s6 =	simm.s32 $0x0;
	s20 =	sshll.u32 s4, $0x1;
	s4 =	sadd.s32 s21, s2  }
0x9d: {  	[timem:s6], [sflag:s22] =	dma.local [hbm:s4], s20  }
0x9e: {  	_ =	swait.ge [sflag:s22], s20  }
0x9f: {  	s3 =	ssub.s32 $0x0, s20;
	[sflag:s22] =	ssyncset.done $0x0  }
0xa0: {  	[sflag:s22] =	ssyncadd.s32 s3;
	_ =	sdelay $0x1  }
0xa1: {  	s23 =	simm.s32 $0x1B8B  }
0xa2: {  	_ =	swait.ge [sflag:s23], $0x1  }
0xa3: {  	[sflag:s23] =	ssyncset.done $0x0  }
0xa4: {  	s25 =	simm.s32 $0x1B8E;
	s24 =	sld [smem:$0x3FFE];
	[sflag:s23] =	ssyncadd.s32 $0xFFFFFFFF  }
0xa5: {  	s26 =	simm.s32 $execute0_lowered;
	[smem:$0x3FD2] =	sst s25  }
0xa6: {  	s4 =	sshll.u32 s26, $0x1;
	_ =	strace $0x8000004F;
	[dreg:$0x1] =	wrdreg $0xFFFFFFFF  }
0xa7: {  	s28 =	simm.s32 $_size_execute0_lowered;
	s2 =	sadd.s32 s2, s4;
	[dreg:$0x0] =	wrdreg $0x0  }
0xa8: {  	s4 =	sshll.u32 s28, $0x1;
	[dreg:$0x2] =	wrdreg s2  }
0xa9: {  	[dreg:$0x3] =	wrdreg s4  }
0xaa: {  	[dreg:$0x4] =	wrdreg $0xC0  }
0xab: {  	_ =	task [dreg:s6], $0x5FFFF  }
0xac: {  	[dreg:$0x1] =	wrdreg $0xFFFFFFFF  }
0xad: {  	[dreg:$0x0] =	wrdreg $0x60  }
0xae: {  	[dreg:$0x2] =	wrdreg s24  }
0xaf: {  	[dreg:$0x3] =	wrdreg $0x9  }
0xb0: {  	_ =	task.clear_ibuf [dreg:s6], $0x4FFFF;
	_ =	strace $0x9000004F  }
0xb1: {  	s29 =	simm.s32 $0x9;
	_ =	strace $0x80000051  }
0xb2: {  	_ =	swait.ge [sflag:s29], $0x1  }
0xb3: {  	[sflag:s29] =	ssyncadd.s32 $0xFFFFFFFF  }
0xb4: {  	_ =	strace $0x90000051  }
0xb5: {  	_ =	sfence  }
0xb6: {  	s30 =	sld [smem:$0x0];
	_ =	sdelay $0x2  }
0xb7: {  	s31 =	sshll.u32 s1, $0xD;
	s1 =	sshrl.u32 s1, $0x2  }
0xb8: {  	s3 =	sand.u32 $0x4000, s31;
	s1 =	sadd.s32 s1, s30  }
0xb9: {  	s0 =	sor.u32 s3, s0;
	s1 =	sshll.u32 s1, $0x11  }
0xba: {  	s0 =	sor.u32 s1, s0  }
0xbb: {  	s0 =	sadd.s32 $0x8F2B, s0  }
0xbc: {  	[sflag:s0] =	ssyncadd.remote.s32 $0x1  }
0xbd: {  	_ =	sfence.sel $0xFFFF  }
0xbe: {  	[dreg:$0x0] =	wrdreg $0xFFFFFFFF;
	(pc) =	sbr.abs _section_cstart, $3  }
0xbf: {  	[dreg:$0x1] =	wrdreg $0xFFFFFFFF  }
0xc0: {  	_ =	task.clear_ibuf [dreg:s6], $0x2FFFF;
	_ =	strace $0x9FFFFFFF  }
0xc1: {  	(tm) =	ssettm $0x7FFFFFFF  }
tec
execute0_lowered:
.L_overlay_start_1:
0x0: {  	(tag) =	ssettag $0x1  }
0x1: {  	s5 =	rddreg [dreg:$0x0];
	s2 =	srdreg.scid  }
0x2: {  	s0 =	rddreg [dreg:$0x1];
	s1 =	stileid.u32  }
0x3: {  	s13 =	simm.s32 $0x2;
	s14 =	simm.s32 $0x2000;
	s15 =	simm.s32 $0x4000  }
0x4: {  	s16 =	simm.s32 $0x6000;
	s17 =	simm.s32 $0x1;
	s18 =	simm.s32 $0xA800  }
0x5: {  	s19 =	simm.s32 $0x0;
	s6 =	sand.u32 $0x1, s2;
	s2 =	simm.s32 $0x0  }
0x6: {  	s3 =	smul.u32 $0x500, s1;
	s4 =	sshll.u32 s6, $0x4;
	[smem:$0x7FF] =	sst s2  }
0x7: {  	s9 =	ssub.s32 $0x2, s6;
	s10 =	smul.u32 $0x28000, s6;
	p0 =	seq.s32 s6, $0x1  }
0x8: {  	s4 =	sor.u32 s1, s4;
	_ =	strace $0x80000050;
	s7 =	sadd.s32 s3, s5  }
0x9: {  	s3 =	sadd.s32 $0xBE00, s5;
	s30 =	sshrl.u32 s9, $0x1;
	s8 =	smul.u32 $0x500, s4  }
0xa: {  	s4 =	sadd.s32 $0x1E00, s5;
	s12 =	ssub.s32 s9, s30;
	s31 =	sshrl.u32 s10, $0x3  }
0xb: {  	s9 =	sor.u32 $0x4000, s10;
	s6 =	sadd.s32 s3, s31;
	s11 =	sadd.s32 s8, s5  }
0xc: {  	s5 =	sadd.s32 $0x15E00, s7;
	s7 =	sadd.s32 s4, s31;
	s8 =	sor.u32 $0x2000, s10  }
0xd: {  	v0 =	vimm.f32 $0.0e+00;
	s10 =	sadd.s32 $0x1AE00, s11;
	s11 =	smax.u32 s12, $0x1;
	s12 =	simm.s32 $0x8000  }
.LBB2_1:
.Ltmp0:
0xe: {  	(pc) =	sbr.rel @!p0 .LBB2_2-.Ltmp0, $4  }
0xf: {  	[tilespmem:s12], [sflag:$0x2] =	stream.linear.gather [hbm4b:s5+s2], $0x2800, $0x38;
	[tilespmem:$0xD000] =	vst v63  }
0x10: {  	_ =	swait.ge [sflag:s13], $0x2800  }
0x11: {  	[sflag:s13] =	ssyncset.done $0x0  }
0x12: {  	[sflag:s13] =	ssyncadd.s32 $0xFFFFD800  }
0x13: {  	s20 =	simm.s32 $0x40;
	s21 =	simm.s32 $0x0  }
.LBB2_4:
0x14: {  	p1 =	sne.s32 s20, $0x9FC0;
	[tilespmem:s21+$0xA800] =	vst v0;
	s21 =	smov.u32 s20;
	s20 =	sadd.s32 $0x40, s20  }
.Ltmp1:
0x15: {  	(pc) =	sbr.rel @p1 .LBB2_4-.Ltmp1, $2  }
0x16: {  	_ =	sdelay $0x2  }
0x17: {  	s21 =	sshra.s32 s21, $0x2  }
.Ltmp2:
0x18: {  	(pc) =	sbr.rel .LBB2_6-.Ltmp2, $2  }
0x19: {  	_ =	sdelay $0x2  }
0x1a: {  	[tilespmem:s21+$0xA800] =	vst v0  }
.LBB2_2:
0x1b: {  	[tilespmem:s18], [sflag:$0x2] =	stream.linear.gather [hbm4b:s5+s2], $0x2800, $0x38;
	[tilespmem:$0xD000] =	vst v63  }
0x1c: {  	_ =	swait.ge [sflag:s13], $0x2800  }
0x1d: {  	[sflag:s13] =	ssyncset.done $0x0  }
0x1e: {  	[sflag:s13] =	ssyncadd.s32 $0xFFFFD800  }
.LBB2_6:
0x1f: {  	s20 =	simm.s32 $0x0  }
0x20: {  	[tilespmem:s20], [sflag:$0x1] =	stream.linear.gather [hbm4b:s6+s20], $0x2000, $0x38;
	[tilespmem:$0xD000] =	vst v63  }
0x21: {  	s21 =	simm.s32 $0x0  }
0x22: {  	[tilespmem:s14], [sflag:$0x1] =	stream.linear.gather [hbm4b:s7+s20], $0x2000, $0x38;
	[tilespmem:$0xD000] =	vst v63  }
.LBB2_7:
0x23: {  	s22 =	sshll.u32 s21, $0xE  }
0x24: {  	s23 =	sadd.s32 s22, s8  }
0x25: {  	s23 =	sshrl.u32 s23, $0x3  }
0x26: {  	s24 =	sadd.s32 s3, s23  }
0x27: {  	[tilespmem:s15], [sflag:$0x1] =	stream.linear.gather [hbm4b:s24+s20], $0x2000, $0x38;
	[tilespmem:$0xD000] =	vst v63  }
0x28: {  	s23 =	sadd.s32 s4, s23  }
0x29: {  	[tilespmem:s16], [sflag:$0x1] =	stream.linear.gather [hbm4b:s23+s20], $0x2000, $0x38;
	[tilespmem:$0xD000] =	vst v63  }
0x2a: {  	_ =	swait.ge [sflag:s17], $0x2000  }
0x2b: {  	[sflag:s17] =	ssyncset.done $0x0  }
0x2c: {  	[sflag:s17] =	ssyncadd.s32 $0xFFFFE000  }
0x2d: {  	_ =	swait.ge [sflag:s17], $0x2000  }
0x2e: {  	[sflag:s17] =	ssyncset.done $0x0  }
0x2f: {  	s23 =	simm.s32 $0x0;
	[sflag:s17] =	ssyncadd.s32 $0xFFFFE000  }
.LBB2_8:
0x30: {  	s24 =	sshra.s32 s23, $0x2  }
0x31: {  	v1 =	vld [tilespmem:s24+$0x0];
	_ =	sdelay $0x4  }
0x32: {  	v2 =	vld [tilespmem:s24+$0x2000];
	_ =	sdelay $0x2  }
0x33: {  	v1 =	vld.idx.msk [tilespmem:v1+s12+$0x0], $0xffff;
	_ =	sdelay $0x4  }
0x34: {  	[tilespmem:v2+s18+$0x0] =	vst.idx.add.f32.msk $0xffff, v1  }
0x35: {  	v1 =	vld [tilespmem:s24+$0x10];
	_ =	sdelay $0x4  }
0x36: {  	v2 =	vld [tilespmem:s24+$0x2010];
	_ =	sdelay $0x2  }
0x37: {  	v1 =	vld.idx.msk [tilespmem:v1+s12+$0x0], $0xffff;
	_ =	sdelay $0x4  }
0x38: {  	[tilespmem:v2+s18+$0x0] =	vst.idx.add.f32.msk $0xffff, v1  }
0x39: {  	v1 =	vld [tilespmem:s24+$0x20];
	_ =	sdelay $0x4  }
0x3a: {  	v2 =	vld [tilespmem:s24+$0x2020];
	_ =	sdelay $0x2  }
0x3b: {  	v1 =	vld.idx.msk [tilespmem:v1+s12+$0x0], $0xffff;
	_ =	sdelay $0x4  }
0x3c: {  	[tilespmem:v2+s18+$0x0] =	vst.idx.add.f32.msk $0xffff, v1  }
0x3d: {  	v1 =	vld [tilespmem:s24+$0x30];
	_ =	sdelay $0x4  }
0x3e: {  	v2 =	vld [tilespmem:s24+$0x2030];
	_ =	sdelay $0x2  }
0x3f: {  	v1 =	vld.idx.msk [tilespmem:v1+s12+$0x0], $0xffff;
	_ =	sdelay $0x4  }
0x40: {  	[tilespmem:v2+s18+$0x0] =	vst.idx.add.f32.msk $0xffff, v1  }
0x41: {  	v1 =	vld [tilespmem:s24+$0x40];
	_ =	sdelay $0x4  }
0x42: {  	v2 =	vld [tilespmem:s24+$0x2040];
	_ =	sdelay $0x2  }
0x43: {  	v1 =	vld.idx.msk [tilespmem:v1+s12+$0x0], $0xffff;
	_ =	sdelay $0x4  }
0x44: {  	[tilespmem:v2+s18+$0x0] =	vst.idx.add.f32.msk $0xffff, v1  }
0x45: {  	v1 =	vld [tilespmem:s24+$0x50];
	_ =	sdelay $0x4  }
0x46: {  	v2 =	vld [tilespmem:s24+$0x2050];
	_ =	sdelay $0x2  }
0x47: {  	v1 =	vld.idx.msk [tilespmem:v1+s12+$0x0], $0xffff;
	_ =	sdelay $0x4  }
0x48: {  	[tilespmem:v2+s18+$0x0] =	vst.idx.add.f32.msk $0xffff, v1  }
0x49: {  	v1 =	vld [tilespmem:s24+$0x60];
	_ =	sdelay $0x4  }
0x4a: {  	v2 =	vld [tilespmem:s24+$0x2060];
	_ =	sdelay $0x2  }
0x4b: {  	v1 =	vld.idx.msk [tilespmem:v1+s12+$0x0], $0xffff;
	_ =	sdelay $0x4  }
0x4c: {  	[tilespmem:v2+s18+$0x0] =	vst.idx.add.f32.msk $0xffff, v1  }
0x4d: {  	v1 =	vld [tilespmem:s24+$0x70];
	_ =	sdelay $0x4  }
0x4e: {  	v2 =	vld [tilespmem:s24+$0x2070];
	_ =	sdelay $0x2  }
0x4f: {  	p1 =	sne.s32 s23, $0x7E00;
	v1 =	vld.idx.msk [tilespmem:v1+s12+$0x0], $0xffff  }
.Ltmp3:
0x50: {  	_ = 	snop;
	(pc) =	sbr.rel @p1 .LBB2_8-.Ltmp3, $2  }
0x51: {  	_ =	sdelay $0x2  }
0x52: {  	s23 =	sadd.s32 $0x200, s23;
	[tilespmem:v2+s18+$0x0] =	vst.idx.add.f32.msk $0xffff, v1  }
0x53: {  	p1 =	seq.s32 s21, $0x9  }
0x54: {  	s22 =	sadd.s32 @!p1 s22, s9  }
0x55: {  	s22 =	sshrl.u32 @!p1 s22, $0x3  }
0x56: {  	s24 =	simm.s32 @!p1 $0x0;
	s23 =	sadd.s32 @!p1 s3, s22  }
0x57: {  	[tilespmem:s24], [sflag:$0x1] =	stream.linear.gather @!p1 [hbm4b:s23+s24], $0x2000, $0x38;
	[tilespmem:$0xD000] =	vst v63  }
0x58: {  	s22 =	sadd.s32 @!p1 s4, s22;
	s23 =	simm.s32 @!p1 $0x2000  }
0x59: {  	[tilespmem:s23], [sflag:$0x1] =	stream.linear.gather @!p1 [hbm4b:s22+s24], $0x2000, $0x38;
	[tilespmem:$0xD000] =	vst v63  }
0x5a: {  	_ =	swait.ge [sflag:s17], $0x2000  }
0x5b: {  	[sflag:s17] =	ssyncset.done $0x0  }
0x5c: {  	[sflag:s17] =	ssyncadd.s32 $0xFFFFE000  }
0x5d: {  	_ =	swait.ge [sflag:s17], $0x2000  }
0x5e: {  	[sflag:s17] =	ssyncset.done $0x0  }
0x5f: {  	s22 =	simm.s32 $0x0;
	[sflag:s17] =	ssyncadd.s32 $0xFFFFE000  }
.LBB2_10:
0x60: {  	s23 =	sshra.s32 s22, $0x2  }
0x61: {  	v1 =	vld [tilespmem:s23+$0x4000];
	_ =	sdelay $0x4  }
0x62: {  	v2 =	vld [tilespmem:s23+$0x6000];
	_ =	sdelay $0x2  }
0x63: {  	v1 =	vld.idx.msk [tilespmem:v1+s12+$0x0], $0xffff;
	_ =	sdelay $0x4  }
0x64: {  	[tilespmem:v2+s18+$0x0] =	vst.idx.add.f32.msk $0xffff, v1  }
0x65: {  	v1 =	vld [tilespmem:s23+$0x4010];
	_ =	sdelay $0x4  }
0x66: {  	v2 =	vld [tilespmem:s23+$0x6010];
	_ =	sdelay $0x2  }
0x67: {  	v1 =	vld.idx.msk [tilespmem:v1+s12+$0x0], $0xffff;
	_ =	sdelay $0x4  }
0x68: {  	[tilespmem:v2+s18+$0x0] =	vst.idx.add.f32.msk $0xffff, v1  }
0x69: {  	v1 =	vld [tilespmem:s23+$0x4020];
	_ =	sdelay $0x4  }
0x6a: {  	v2 =	vld [tilespmem:s23+$0x6020];
	_ =	sdelay $0x2  }
0x6b: {  	v1 =	vld.idx.msk [tilespmem:v1+s12+$0x0], $0xffff;
	_ =	sdelay $0x4  }
0x6c: {  	[tilespmem:v2+s18+$0x0] =	vst.idx.add.f32.msk $0xffff, v1  }
0x6d: {  	v1 =	vld [tilespmem:s23+$0x4030];
	_ =	sdelay $0x4  }
0x6e: {  	v2 =	vld [tilespmem:s23+$0x6030];
	_ =	sdelay $0x2  }
0x6f: {  	v1 =	vld.idx.msk [tilespmem:v1+s12+$0x0], $0xffff;
	_ =	sdelay $0x4  }
0x70: {  	[tilespmem:v2+s18+$0x0] =	vst.idx.add.f32.msk $0xffff, v1  }
0x71: {  	v1 =	vld [tilespmem:s23+$0x4040];
	_ =	sdelay $0x4  }
0x72: {  	v2 =	vld [tilespmem:s23+$0x6040];
	_ =	sdelay $0x2  }
0x73: {  	v1 =	vld.idx.msk [tilespmem:v1+s12+$0x0], $0xffff;
	_ =	sdelay $0x4  }
0x74: {  	[tilespmem:v2+s18+$0x0] =	vst.idx.add.f32.msk $0xffff, v1  }
0x75: {  	v1 =	vld [tilespmem:s23+$0x4050];
	_ =	sdelay $0x4  }
0x76: {  	v2 =	vld [tilespmem:s23+$0x6050];
	_ =	sdelay $0x2  }
0x77: {  	v1 =	vld.idx.msk [tilespmem:v1+s12+$0x0], $0xffff;
	_ =	sdelay $0x4  }
0x78: {  	[tilespmem:v2+s18+$0x0] =	vst.idx.add.f32.msk $0xffff, v1  }
0x79: {  	v1 =	vld [tilespmem:s23+$0x4060];
	_ =	sdelay $0x4  }
0x7a: {  	v2 =	vld [tilespmem:s23+$0x6060];
	_ =	sdelay $0x2  }
0x7b: {  	v1 =	vld.idx.msk [tilespmem:v1+s12+$0x0], $0xffff;
	_ =	sdelay $0x4  }
0x7c: {  	[tilespmem:v2+s18+$0x0] =	vst.idx.add.f32.msk $0xffff, v1  }
0x7d: {  	v1 =	vld [tilespmem:s23+$0x4070];
	_ =	sdelay $0x4  }
0x7e: {  	v2 =	vld [tilespmem:s23+$0x6070];
	_ =	sdelay $0x2  }
0x7f: {  	p1 =	sne.s32 s22, $0x7E00;
	v1 =	vld.idx.msk [tilespmem:v1+s12+$0x0], $0xffff  }
.Ltmp4:
0x80: {  	_ = 	snop;
	(pc) =	sbr.rel @p1 .LBB2_10-.Ltmp4, $2  }
0x81: {  	_ =	sdelay $0x2  }
0x82: {  	s22 =	sadd.s32 $0x200, s22;
	[tilespmem:v2+s18+$0x0] =	vst.idx.add.f32.msk $0xffff, v1  }
0x83: {  	s21 =	sadd.s32 $0x1, s21  }
0x84: {  	p1 =	sne.s32 s21, $0xA  }
.Ltmp5:
0x85: {  	_ = 	snop;
	(pc) =	sbr.rel @p1 .LBB2_7-.Ltmp5, $1  }
0x86: {  	_ =	sdelay $0x3  }
0x87: {  	s19 =	sadd.s32 $0x1, s19  }
0x88: {  	p1 =	sne.s32 s19, s11  }
.Ltmp6:
0x89: {  	_ = 	snop;
	(pc) =	sbr.rel @p1 .LBB2_1-.Ltmp6, $4  }
0x8a: {  	[hbm4b:s10+s2] =	stream.linear.scatter [tilespmem:s18], [sflag:$0x2], $0x2800, $0x38;
	[tilespmem:$0xD000] =	vst v63  }
0x8b: {  	_ =	swait.ge [sflag:s13], $0x2800  }
0x8c: {  	[sflag:s13] =	ssyncset.done $0x0  }
0x8d: {  	[sflag:s13] =	ssyncadd.s32 $0xFFFFD800  }
0x8e: {  	_ =	sfence.sel $0x180000  }
0x8f: {  	[bflag:$0x0] =	sbarrier.arrive $0xFFFF  }
0x90: {  	p0 =	sne.s32 s1, $0x0;
	_ =	strace $0x90000050  }
0x91: {  	s0 =	sadd.s32 @!p0 $0x100000, s0;
	[bflag:$0x2] =	sbarrier.arrive $0xFFFF  }
0x92: {  	[sflag:s0] =	ssyncadd.tile.s32 @!p0 $0x1;
	_ =	shalt  }
.Lfunc_end2:
_tile_overlayer_lowered:
.L_overlay_start_2:
0x93: {  	(tag) =	ssettag $0x2  }
0x94: {  	s0 =	rddreg [dreg:$0x0];
	s2 =	stileid.u32  }
0x95: {  	s1 =	rddreg [dreg:$0x1];
	p0 =	sne.s32 s2, $0x0  }
0x96: {  	s3 =	rddreg [dreg:$0x2];
	[bflag:$0x3] =	sbarrier.arrive $0xFFFF;
	s2 =	simm.s32 @!p0 $0x1C02  }
0x97: {  	[timem:s3], [sflag:s2] =	dma.local @!p0 [hbm:s0], s1  }
0x98: {  	s0 =	simm.s32 @!p0 $0x2  }
0x99: {  	_ =	swait.ge @!p0 [sflag:s0], s1  }
0x9a: {  	s1 =	ssub.s32 @!p0 $0x0, s1;
	[sflag:s0] =	ssyncset.done @!p0 $0x0  }
0x9b: {  	[sflag:s0] =	ssyncadd.s32 @!p0 s1  }
0x9c: {  	[bflag:$0x3] =	sbarrier.arrive $0xFFFF  }
0x9d: {  	_ =	shalt  }

// kernel: kernel.24.cloned.1.call-start
scs
__scs_entry_jumppad:
0x0: {  	(pc) =	sbr.rel $0x88, $3  }
0x1: {  	(tag) =	ssettag $0x0;
	lr =	simm.s32 $0x1  }
0x2: {  	[smem:$0x3F93] =	sst lr;
	_ =	strace $0xD0000000  }
0x3: {  	_ = 	snop  }
0x4: {  	_ = 	snop  }
0x5: {  	_ = 	snop  }
0x6: {  	_ = 	snop  }
0x7: {  	_ = 	snop  }
__scs_overlays_trampoline_lowered:
0x8: {  	[smem:$0x3FA2] =	sst s0  }
0x9: {  	[smem:$0x3FA3] =	sst s1  }
0xa: {  	[smem:$0x3FA4] =	sst s2  }
0xb: {  	[smem:$0x3FA5] =	sst s3  }
0xc: {  	[smem:$0x3FA6] =	sst s4  }
0xd: {  	[smem:$0x3FA7] =	sst s5  }
0xe: {  	[smem:$0x3FA8] =	sst s6  }
0xf: {  	[smem:$0x3FA9] =	sst s7  }
0x10: {  	[smem:$0x3FAA] =	sst s8  }
0x11: {  	[smem:$0x3FAB] =	sst s9;
	s0 =	simm.s32 @!p0 $0x0  }
0x12: {  	s1 =	sld [smem:$0x3F91];
	s0 =	simm.s32 @p0 $0x1  }
0x13: {  	[smem:$0x3FAC] =	sst s0;
	s0 =	simm.s32 @!p1 $0x0  }
0x14: {  	s2 =	sld [smem:$0x3F90];
	s0 =	simm.s32 @p1 $0x1  }
0x15: {  	[smem:$0x3FAD] =	sst s0;
	s0 =	simm.s32 @!p2 $0x0  }
0x16: {  	s3 =	sld [smem:$0x3FDB];
	s0 =	simm.s32 @p2 $0x1  }
0x17: {  	s4 =	simm.s32 $0x1BF5;
	[smem:$0x3FAF] =	sst s0  }
0x18: {  	s0 =	sld [smem:$0x3F92];
	_ =	swait.ge [sflag:s4], $0x0  }
0x19: {  	s7 =	sld [smem:$0x3F93]  }
0x1a: {  	s8 =	sadd.s32 $0xFFFFE003, lr  }
0x1b: {  	s9 =	sadd.s32 $0xFFFFFEF7, lr;
	s5 =	simm.s32 $0xFFFFFFFF;
	p2 =	slt.u32 s8, $0xFFFFF086  }
0x1c: {  	p1 =	slt.u32 s9, $0xF7A;
	s5 =	simm.s32 @!p2 $0x0  }
0x1d: {  	s5 =	simm.s32 @p1 $0x1;
	p0 =	seq.s32 s7, s2  }
0x1e: {  	s7 =	smul.u32 @!p0 $0xF7A, s2;
	p2 =	seq.s32 @!p0 s5, $0x0  }
0x1f: {  	s9 =	smul.u32 $0xF7A, s1;
	s8 =	simm.s32 @!p0 $0x1BF5;
	p2 =	por !p2, p0  }
0x20: {  	[sflag:s8] =	ssyncset.s32 @!p0 $0xFFFFF086;
	s6 =	sadd.s32 @!p0 s3, s7;
	s7 =	simm.s32 @!p0 $0x108  }
0x21: {  	s3 =	sadd.s32 s3, s9;
	s6 =	sadd.s32 @!p0 $0x88, s6;
	s7 =	simm.s32 @p2 $0x1082  }
0x22: {  	[simem:s7], [sflag:s8] =	dma.local @!p0 [hbm:s6], $0xF7A  }
0x23: {  	s9 =	sor.u32 $0xD0000000, s2;
	s6 =	simm.s32 $0x108;
	_ =	swait.ge @!p0 [sflag:s8], $0x0  }
0x24: {  	s3 =	sadd.s32 $0x88, s3;
	s6 =	simm.s32 @!p1 $0x1082;
	[sflag:s4] =	ssyncset.s32 $0xFFFFF086  }
0x25: {  	[simem:s6], [sflag:s4] =	dma.local [hbm:s3], $0xF7A  }
0x26: {  	[smem:$0x3F93] =	sst s1;
	(tag) =	ssettag s2;
	_ =	strace s9  }
0x27: {  	s1 =	sld [smem:$0x3FA3]  }
0x28: {  	s2 =	sld [smem:$0x3FA4]  }
0x29: {  	s4 =	sld [smem:$0x3FA6]  }
0x2a: {  	p0 =	seq.s32 s5, $0x0;
	s5 =	sld [smem:$0x3FA7]  }
0x2b: {  	s6 =	sld [smem:$0x3FA8]  }
0x2c: {  	s7 =	sld [smem:$0x3FA9]  }
0x2d: {  	s3 =	simm.s32 $0x108;
	s8 =	sld [smem:$0x3FAA]  }
0x2e: {  	s3 =	simm.s32 @!p0 $0x1082;
	s9 =	sld [smem:$0x3FAB]  }
0x2f: {  	lr =	sadd.s32 s0, s3;
	s0 =	sld [smem:$0x3FA2]  }
0x30: {  	s3 =	sld [smem:$0x3FA5]  }
0x31: {  	[smem:$0x3FAE] =	sst s10  }
0x32: {  	s10 =	sld [smem:$0x3FAC];
	_ =	sdelay $0x3  }
0x33: {  	p0 =	seq.s32 s10, $0x1;
	s10 =	sld [smem:$0x3FAE];
	_ =	sdelay $0x3  }
0x34: {  	[smem:$0x3FAE] =	sst s10  }
0x35: {  	s10 =	sld [smem:$0x3FAD];
	_ =	sdelay $0x3  }
0x36: {  	p1 =	seq.s32 s10, $0x1;
	s10 =	sld [smem:$0x3FAE];
	_ =	sdelay $0x3  }
0x37: {  	[smem:$0x3FAE] =	sst s10  }
0x38: {  	s10 =	sld [smem:$0x3FAF]  }
0x39: {  	_ = 	snop;
	(pc) =	sbr.ind lr, $3  }
0x3a: {  	_ = 	snop  }
0x3b: {  	_ = 	snop  }
0x3c: {  	p2 =	seq.s32 s10, $0x1;
	s10 =	sld [smem:$0x3FAE]  }
0x3d: {  	_ =	shalt  }
0x3e: {  	_ =	shalt  }
0x3f: {  	_ =	shalt  }
0x40: {  	_ =	shalt  }
0x41: {  	_ =	shalt  }
0x42: {  	_ =	shalt  }
0x43: {  	_ =	shalt  }
0x44: {  	_ =	shalt  }
0x45: {  	_ =	shalt  }
0x46: {  	_ =	shalt  }
0x47: {  	_ =	shalt  }
0x48: {  	_ =	shalt  }
0x49: {  	_ =	shalt  }
0x4a: {  	_ =	shalt  }
0x4b: {  	_ =	shalt  }
0x4c: {  	_ =	shalt  }
0x4d: {  	_ =	shalt  }
0x4e: {  	_ =	shalt  }
0x4f: {  	_ =	shalt  }
0x50: {  	_ =	shalt  }
0x51: {  	_ =	shalt  }
0x52: {  	_ =	shalt  }
0x53: {  	_ =	shalt  }
0x54: {  	_ =	shalt  }
0x55: {  	_ =	shalt  }
0x56: {  	_ =	shalt  }
0x57: {  	_ =	shalt  }
0x58: {  	_ =	shalt  }
0x59: {  	_ =	shalt  }
0x5a: {  	_ =	shalt  }
0x5b: {  	_ =	shalt  }
0x5c: {  	_ =	shalt  }
0x5d: {  	_ =	shalt  }
0x5e: {  	_ =	shalt  }
0x5f: {  	_ =	shalt  }
0x60: {  	_ =	shalt  }
0x61: {  	_ =	shalt  }
0x62: {  	_ =	shalt  }
0x63: {  	_ =	shalt  }
0x64: {  	_ =	shalt  }
0x65: {  	_ =	shalt  }
0x66: {  	_ =	shalt  }
0x67: {  	_ =	shalt  }
0x68: {  	_ =	shalt  }
0x69: {  	_ =	shalt  }
0x6a: {  	_ =	shalt  }
0x6b: {  	_ =	shalt  }
0x6c: {  	_ =	shalt  }
0x6d: {  	_ =	shalt  }
0x6e: {  	_ =	shalt  }
0x6f: {  	_ =	shalt  }
0x70: {  	_ =	shalt  }
0x71: {  	_ =	shalt  }
0x72: {  	_ =	shalt  }
0x73: {  	_ =	shalt  }
0x74: {  	_ =	shalt  }
0x75: {  	_ =	shalt  }
0x76: {  	_ =	shalt  }
0x77: {  	_ =	shalt  }
0x78: {  	_ =	shalt  }
0x79: {  	_ =	shalt  }
0x7a: {  	_ =	shalt  }
0x7b: {  	_ =	shalt  }
0x7c: {  	_ =	shalt  }
0x7d: {  	_ =	shalt  }
0x7e: {  	_ =	shalt  }
0x7f: {  	_ =	shalt  }
0x80: {  	_ =	shalt  }
0x81: {  	_ =	shalt  }
0x82: {  	_ =	shalt  }
0x83: {  	_ =	shalt  }
0x84: {  	_ =	shalt  }
0x85: {  	_ =	shalt  }
0x86: {  	_ =	shalt  }
0x87: {  	_ =	shalt  }
.Lfunc_end0:
.L_simem_size_0:
called_computation.4_lowered:
.L_overlay_start_0:
0x88: {  	s2 =	sld [smem:$0x3FD9]  }
0x89: {  	s3 =	sld [smem:$0x3FFE];
	_ =	sdelay $0x1  }
0x8a: {  	s1 =	srdreg.scid  }
0x8b: {  	s0 =	sand.u32 $0x1, s1  }
0x8c: {  	s16 =	sshll.u32 s0, $0xA;
	s2 =	sadd.s32 s3, s2  }
0x8d: {  	s2 =	sadd.s32 s2, s16  }
0x8e: {  	[smem:$0x3FBA] =	sst s2  }
0x8f: {  	_ = 	snop  }
0x90: {  	(tm) =	ssettm $0x1  }
0x91: {  	s17 =	sld [smem:$0x3FFB];
	_ =	sdelay $0x3  }
0x92: {  	_ =	strace s17  }
0x93: {  	s2 =	sld [smem:$0x3FFC];
	_ =	sdelay $0x3  }
0x94: {  	_ =	strace s2  }
0x95: {  	s2 =	sld [smem:$0x3FFD];
	_ =	sdelay $0x3  }
0x96: {  	_ =	strace s2  }
0x97: {  	_ =	strace $0x8FFFFFFF  }
0x98: {  	s18 =	sld [smem:$0x3FDB];
	_ =	sdelay $0x1  }
0x99: {  	s19 =	simm.s32 $_scs_section_size  }
0x9a: {  	s4 =	simm.s32 $_size__tile_overlayer_lowered;
	s5 =	simm.s32 $_tile_overlayer_lowered  }
0x9b: {  	s22 =	simm.s32 $0x1BFF;
	s21 =	sshll.u32 s5, $0x1;
	s2 =	sadd.s32 s19, s18  }
0x9c: {  	s6 =	simm.s32 $0x0;
	s20 =	sshll.u32 s4, $0x1;
	s4 =	sadd.s32 s21, s2  }
0x9d: {  	[timem:s6], [sflag:s22] =	dma.local [hbm:s4], s20  }
0x9e: {  	_ =	swait.ge [sflag:s22], s20  }
0x9f: {  	s3 =	ssub.s32 $0x0, s20;
	[sflag:s22] =	ssyncset.done $0x0  }
0xa0: {  	[sflag:s22] =	ssyncadd.s32 s3;
	_ =	sdelay $0x1  }
0xa1: {  	s23 =	simm.s32 $0x1B8B  }
0xa2: {  	_ =	swait.ge [sflag:s23], $0x1  }
0xa3: {  	[sflag:s23] =	ssyncset.done $0x0  }
0xa4: {  	s25 =	simm.s32 $0x1B8E;
	s24 =	sld [smem:$0x3FFE];
	[sflag:s23] =	ssyncadd.s32 $0xFFFFFFFF  }
0xa5: {  	s26 =	simm.s32 $execute0_lowered;
	[smem:$0x3FD2] =	sst s25  }
0xa6: {  	s4 =	sshll.u32 s26, $0x1;
	_ =	strace $0x80000052;
	[dreg:$0x1] =	wrdreg $0xFFFFFFFF  }
0xa7: {  	s28 =	simm.s32 $_size_execute0_lowered;
	s2 =	sadd.s32 s2, s4;
	[dreg:$0x0] =	wrdreg $0x0  }
0xa8: {  	s4 =	sshll.u32 s28, $0x1;
	[dreg:$0x2] =	wrdreg s2  }
0xa9: {  	[dreg:$0x3] =	wrdreg s4  }
0xaa: {  	[dreg:$0x4] =	wrdreg $0xC0  }
0xab: {  	_ =	task [dreg:s6], $0x5FFFF  }
0xac: {  	[dreg:$0x1] =	wrdreg $0xFFFFFFFF  }
0xad: {  	[dreg:$0x0] =	wrdreg $0x60  }
0xae: {  	[dreg:$0x2] =	wrdreg s24  }
0xaf: {  	[dreg:$0x3] =	wrdreg $0x9  }
0xb0: {  	_ =	task.clear_ibuf [dreg:s6], $0x4FFFF;
	_ =	strace $0x90000052  }
0xb1: {  	s29 =	simm.s32 $0x9;
	_ =	strace $0x80000054  }
0xb2: {  	_ =	swait.ge [sflag:s29], $0x1  }
0xb3: {  	[sflag:s29] =	ssyncadd.s32 $0xFFFFFFFF  }
0xb4: {  	_ =	strace $0x90000054  }
0xb5: {  	_ =	sfence  }
0xb6: {  	s30 =	sld [smem:$0x0];
	_ =	sdelay $0x2  }
0xb7: {  	s31 =	sshll.u32 s1, $0xD;
	s1 =	sshrl.u32 s1, $0x2  }
0xb8: {  	s3 =	sand.u32 $0x4000, s31;
	s1 =	sadd.s32 s1, s30  }
0xb9: {  	s0 =	sor.u32 s3, s0;
	s1 =	sshll.u32 s1, $0x11  }
0xba: {  	s0 =	sor.u32 s1, s0  }
0xbb: {  	s0 =	sadd.s32 $0x8F2B, s0  }
0xbc: {  	[sflag:s0] =	ssyncadd.remote.s32 $0x1  }
0xbd: {  	_ =	sfence.sel $0xFFFF  }
0xbe: {  	[dreg:$0x0] =	wrdreg $0xFFFFFFFF;
	(pc) =	sbr.abs _section_cstart, $3  }
0xbf: {  	[dreg:$0x1] =	wrdreg $0xFFFFFFFF  }
0xc0: {  	_ =	task.clear_ibuf [dreg:s6], $0x2FFFF;
	_ =	strace $0x9FFFFFFF  }
0xc1: {  	(tm) =	ssettm $0x7FFFFFFF  }
tec
execute0_lowered:
.L_overlay_start_1:
0x0: {  	(tag) =	ssettag $0x1  }
0x1: {  	s5 =	rddreg [dreg:$0x0];
	s1 =	srdreg.scid  }
0x2: {  	s0 =	rddreg [dreg:$0x1];
	s2 =	simm.s32 $0x0;
	s15 =	simm.s32 $0x800  }
0x3: {  	s16 =	simm.s32 $0x1000;
	s17 =	simm.s32 $0x1800;
	s18 =	simm.s32 $0x1  }
0x4: {  	s19 =	simm.s32 $0x0;
	s6 =	sand.u32 $0x1, s1;
	[smem:$0x7FF] =	sst s2  }
0x5: {  	s1 =	stileid.u32;
	s3 =	sshll.u32 s6, $0x4;
	_ =	strace $0x80000053  }
0x6: {  	s4 =	sand.u32 $0x1, s1;
	s8 =	sshrl.u32 s1, $0x1;
	s9 =	smul.u32 $0x28000, s6  }
0x7: {  	s11 =	ssub.s32 $0x2, s6;
	s3 =	sor.u32 s1, s3;
	p0 =	seq.s32 s4, $0x1  }
0x8: {  	s4 =	simm.s32 $0x500;
	s12 =	smul.u32 $0x5000, s8;
	s13 =	sshrl.u32 s11, $0x1  }
0x9: {  	s30 =	sor.u32 s6, s8;
	s7 =	smul.u32 $0x500, s3;
	s4 =	simm.s32 @!p0 $0x0  }
0xa: {  	s3 =	sadd.s32 $0xBE00, s5;
	s11 =	ssub.s32 s11, s13;
	p0 =	sne.s32 s30, $0x0  }
0xb: {  	s13 =	simm.s32 $0x2;
	s10 =	sadd.s32 s4, s5;
	s4 =	sadd.s32 $0x1E00, s5  }
0xc: {  	s9 =	sadd.s32 s9, s12;
	s11 =	smax.u32 s11, $0x1;
	s12 =	simm.s32 $0x2000  }
0xd: {  	s14 =	sadd.s32 s7, s5;
	s5 =	sadd.s32 $0x15E00, s10;
	s31 =	sshrl.u32 s9, $0x3  }
0xe: {  	s8 =	sor.u32 $0x800, s9;
	s9 =	sadd.s32 $0x1000, s9;
	s6 =	sadd.s32 s3, s31  }
0xf: {  	v0 =	vimm.f32 $0.0e+00;
	s7 =	sadd.s32 s4, s31;
	s10 =	sadd.s32 $0x16800, s14;
	s14 =	simm.s32 $0x4800  }
.LBB2_1:
.Ltmp0:
0x10: {  	(pc) =	sbr.rel @!p0 .LBB2_2-.Ltmp0, $4  }
0x11: {  	[tilespmem:s12], [sflag:$0x2] =	stream.linear.gather [hbm4b:s5+s2], $0x2800, $0x38;
	[tilespmem:$0x7000] =	vst v63  }
0x12: {  	_ =	swait.ge [sflag:s13], $0x2800  }
0x13: {  	[sflag:s13] =	ssyncset.done $0x0  }
0x14: {  	[sflag:s13] =	ssyncadd.s32 $0xFFFFD800  }
0x15: {  	s20 =	simm.s32 $0x40;
	s21 =	simm.s32 $0x0  }
.LBB2_4:
0x16: {  	p1 =	sne.s32 s20, $0x9FC0;
	[tilespmem:s21+$0x4800] =	vst v0;
	s21 =	smov.u32 s20;
	s20 =	sadd.s32 $0x40, s20  }
.Ltmp1:
0x17: {  	(pc) =	sbr.rel @p1 .LBB2_4-.Ltmp1, $2  }
0x18: {  	_ =	sdelay $0x2  }
0x19: {  	s21 =	sshra.s32 s21, $0x2  }
.Ltmp2:
0x1a: {  	(pc) =	sbr.rel .LBB2_6-.Ltmp2, $2  }
0x1b: {  	_ =	sdelay $0x2  }
0x1c: {  	[tilespmem:s21+$0x4800] =	vst v0  }
.LBB2_2:
0x1d: {  	[tilespmem:s14], [sflag:$0x2] =	stream.linear.gather [hbm4b:s5+s2], $0x2800, $0x38;
	[tilespmem:$0x7000] =	vst v63  }
0x1e: {  	_ =	swait.ge [sflag:s13], $0x2800  }
0x1f: {  	[sflag:s13] =	ssyncset.done $0x0  }
0x20: {  	[sflag:s13] =	ssyncadd.s32 $0xFFFFD800  }
.LBB2_6:
0x21: {  	s20 =	simm.s32 $0x0  }
0x22: {  	[tilespmem:s20], [sflag:$0x1] =	stream.linear.gather [hbm4b:s6+s20], $0x800, $0x38;
	[tilespmem:$0x7000] =	vst v63  }
0x23: {  	s21 =	simm.s32 $0x0  }
0x24: {  	[tilespmem:s15], [sflag:$0x1] =	stream.linear.gather [hbm4b:s7+s20], $0x800, $0x38;
	[tilespmem:$0x7000] =	vst v63  }
.LBB2_7:
0x25: {  	s22 =	sshll.u32 s21, $0xC  }
0x26: {  	s23 =	sadd.s32 s22, s8  }
0x27: {  	s23 =	sshrl.u32 s23, $0x3  }
0x28: {  	s24 =	sadd.s32 s3, s23  }
0x29: {  	[tilespmem:s16], [sflag:$0x1] =	stream.linear.gather [hbm4b:s24+s20], $0x800, $0x38;
	[tilespmem:$0x7000] =	vst v63  }
0x2a: {  	s23 =	sadd.s32 s4, s23  }
0x2b: {  	[tilespmem:s17], [sflag:$0x1] =	stream.linear.gather [hbm4b:s23+s20], $0x800, $0x38;
	[tilespmem:$0x7000] =	vst v63  }
0x2c: {  	_ =	swait.ge [sflag:s18], $0x800  }
0x2d: {  	[sflag:s18] =	ssyncset.done $0x0  }
0x2e: {  	[sflag:s18] =	ssyncadd.s32 $0xFFFFF800  }
0x2f: {  	_ =	swait.ge [sflag:s18], $0x800  }
0x30: {  	[sflag:s18] =	ssyncset.done $0x0  }
0x31: {  	s23 =	simm.s32 $0x0;
	[sflag:s18] =	ssyncadd.s32 $0xFFFFF800  }
.LBB2_8:
0x32: {  	s24 =	sshra.s32 s23, $0x2  }
0x33: {  	v1 =	vld [tilespmem:s24+$0x0];
	_ =	sdelay $0x4  }
0x34: {  	v2 =	vld [tilespmem:s24+$0x800];
	_ =	sdelay $0x2  }
0x35: {  	v1 =	vld.idx.msk [tilespmem:v1+s12+$0x0], $0xffff;
	_ =	sdelay $0x4  }
0x36: {  	[tilespmem:v2+s14+$0x0] =	vst.idx.add.f32.msk $0xffff, v1  }
0x37: {  	v1 =	vld [tilespmem:s24+$0x10];
	_ =	sdelay $0x4  }
0x38: {  	v2 =	vld [tilespmem:s24+$0x810];
	_ =	sdelay $0x2  }
0x39: {  	v1 =	vld.idx.msk [tilespmem:v1+s12+$0x0], $0xffff;
	_ =	sdelay $0x4  }
0x3a: {  	[tilespmem:v2+s14+$0x0] =	vst.idx.add.f32.msk $0xffff, v1  }
0x3b: {  	v1 =	vld [tilespmem:s24+$0x20];
	_ =	sdelay $0x4  }
0x3c: {  	v2 =	vld [tilespmem:s24+$0x820];
	_ =	sdelay $0x2  }
0x3d: {  	v1 =	vld.idx.msk [tilespmem:v1+s12+$0x0], $0xffff;
	_ =	sdelay $0x4  }
0x3e: {  	[tilespmem:v2+s14+$0x0] =	vst.idx.add.f32.msk $0xffff, v1  }
0x3f: {  	v1 =	vld [tilespmem:s24+$0x30];
	_ =	sdelay $0x4  }
0x40: {  	v2 =	vld [tilespmem:s24+$0x830];
	_ =	sdelay $0x2  }
0x41: {  	v1 =	vld.idx.msk [tilespmem:v1+s12+$0x0], $0xffff;
	_ =	sdelay $0x4  }
0x42: {  	[tilespmem:v2+s14+$0x0] =	vst.idx.add.f32.msk $0xffff, v1  }
0x43: {  	v1 =	vld [tilespmem:s24+$0x40];
	_ =	sdelay $0x4  }
0x44: {  	v2 =	vld [tilespmem:s24+$0x840];
	_ =	sdelay $0x2  }
0x45: {  	v1 =	vld.idx.msk [tilespmem:v1+s12+$0x0], $0xffff;
	_ =	sdelay $0x4  }
0x46: {  	[tilespmem:v2+s14+$0x0] =	vst.idx.add.f32.msk $0xffff, v1  }
0x47: {  	v1 =	vld [tilespmem:s24+$0x50];
	_ =	sdelay $0x4  }
0x48: {  	v2 =	vld [tilespmem:s24+$0x850];
	_ =	sdelay $0x2  }
0x49: {  	v1 =	vld.idx.msk [tilespmem:v1+s12+$0x0], $0xffff;
	_ =	sdelay $0x4  }
0x4a: {  	[tilespmem:v2+s14+$0x0] =	vst.idx.add.f32.msk $0xffff, v1  }
0x4b: {  	v1 =	vld [tilespmem:s24+$0x60];
	_ =	sdelay $0x4  }
0x4c: {  	v2 =	vld [tilespmem:s24+$0x860];
	_ =	sdelay $0x2  }
0x4d: {  	v1 =	vld.idx.msk [tilespmem:v1+s12+$0x0], $0xffff;
	_ =	sdelay $0x4  }
0x4e: {  	[tilespmem:v2+s14+$0x0] =	vst.idx.add.f32.msk $0xffff, v1  }
0x4f: {  	v1 =	vld [tilespmem:s24+$0x70];
	_ =	sdelay $0x4  }
0x50: {  	v2 =	vld [tilespmem:s24+$0x870];
	_ =	sdelay $0x2  }
0x51: {  	p1 =	sne.s32 s23, $0x1E00;
	v1 =	vld.idx.msk [tilespmem:v1+s12+$0x0], $0xffff  }
.Ltmp3:
0x52: {  	_ = 	snop;
	(pc) =	sbr.rel @p1 .LBB2_8-.Ltmp3, $2  }
0x53: {  	_ =	sdelay $0x2  }
0x54: {  	s23 =	sadd.s32 $0x200, s23;
	[tilespmem:v2+s14+$0x0] =	vst.idx.add.f32.msk $0xffff, v1  }
0x55: {  	p1 =	seq.s32 s21, $0x4  }
0x56: {  	s22 =	sadd.s32 @!p1 s22, s9  }
0x57: {  	s22 =	sshrl.u32 @!p1 s22, $0x3  }
0x58: {  	s24 =	simm.s32 @!p1 $0x0;
	s23 =	sadd.s32 @!p1 s3, s22  }
0x59: {  	[tilespmem:s24], [sflag:$0x1] =	stream.linear.gather @!p1 [hbm4b:s23+s24], $0x800, $0x38;
	[tilespmem:$0x7000] =	vst v63  }
0x5a: {  	s22 =	sadd.s32 @!p1 s4, s22;
	s23 =	simm.s32 @!p1 $0x800  }
0x5b: {  	[tilespmem:s23], [sflag:$0x1] =	stream.linear.gather @!p1 [hbm4b:s22+s24], $0x800, $0x38;
	[tilespmem:$0x7000] =	vst v63  }
0x5c: {  	_ =	swait.ge [sflag:s18], $0x800  }
0x5d: {  	[sflag:s18] =	ssyncset.done $0x0  }
0x5e: {  	[sflag:s18] =	ssyncadd.s32 $0xFFFFF800  }
0x5f: {  	_ =	swait.ge [sflag:s18], $0x800  }
0x60: {  	[sflag:s18] =	ssyncset.done $0x0  }
0x61: {  	s22 =	simm.s32 $0x0;
	[sflag:s18] =	ssyncadd.s32 $0xFFFFF800  }
.LBB2_10:
0x62: {  	s23 =	sshra.s32 s22, $0x2  }
0x63: {  	v1 =	vld [tilespmem:s23+$0x1000];
	_ =	sdelay $0x4  }
0x64: {  	v2 =	vld [tilespmem:s23+$0x1800];
	_ =	sdelay $0x2  }
0x65: {  	v1 =	vld.idx.msk [tilespmem:v1+s12+$0x0], $0xffff;
	_ =	sdelay $0x4  }
0x66: {  	[tilespmem:v2+s14+$0x0] =	vst.idx.add.f32.msk $0xffff, v1  }
0x67: {  	v1 =	vld [tilespmem:s23+$0x1010];
	_ =	sdelay $0x4  }
0x68: {  	v2 =	vld [tilespmem:s23+$0x1810];
	_ =	sdelay $0x2  }
0x69: {  	v1 =	vld.idx.msk [tilespmem:v1+s12+$0x0], $0xffff;
	_ =	sdelay $0x4  }
0x6a: {  	[tilespmem:v2+s14+$0x0] =	vst.idx.add.f32.msk $0xffff, v1  }
0x6b: {  	v1 =	vld [tilespmem:s23+$0x1020];
	_ =	sdelay $0x4  }
0x6c: {  	v2 =	vld [tilespmem:s23+$0x1820];
	_ =	sdelay $0x2  }
0x6d: {  	v1 =	vld.idx.msk [tilespmem:v1+s12+$0x0], $0xffff;
	_ =	sdelay $0x4  }
0x6e: {  	[tilespmem:v2+s14+$0x0] =	vst.idx.add.f32.msk $0xffff, v1  }
0x6f: {  	v1 =	vld [tilespmem:s23+$0x1030];
	_ =	sdelay $0x4  }
0x70: {  	v2 =	vld [tilespmem:s23+$0x1830];
	_ =	sdelay $0x2  }
0x71: {  	v1 =	vld.idx.msk [tilespmem:v1+s12+$0x0], $0xffff;
	_ =	sdelay $0x4  }
0x72: {  	[tilespmem:v2+s14+$0x0] =	vst.idx.add.f32.msk $0xffff, v1  }
0x73: {  	v1 =	vld [tilespmem:s23+$0x1040];
	_ =	sdelay $0x4  }
0x74: {  	v2 =	vld [tilespmem:s23+$0x1840];
	_ =	sdelay $0x2  }
0x75: {  	v1 =	vld.idx.msk [tilespmem:v1+s12+$0x0], $0xffff;
	_ =	sdelay $0x4  }
0x76: {  	[tilespmem:v2+s14+$0x0] =	vst.idx.add.f32.msk $0xffff, v1  }
0x77: {  	v1 =	vld [tilespmem:s23+$0x1050];
	_ =	sdelay $0x4  }
0x78: {  	v2 =	vld [tilespmem:s23+$0x1850];
	_ =	sdelay $0x2  }
0x79: {  	v1 =	vld.idx.msk [tilespmem:v1+s12+$0x0], $0xffff;
	_ =	sdelay $0x4  }
0x7a: {  	[tilespmem:v2+s14+$0x0] =	vst.idx.add.f32.msk $0xffff, v1  }
0x7b: {  	v1 =	vld [tilespmem:s23+$0x1060];
	_ =	sdelay $0x4  }
0x7c: {  	v2 =	vld [tilespmem:s23+$0x1860];
	_ =	sdelay $0x2  }
0x7d: {  	v1 =	vld.idx.msk [tilespmem:v1+s12+$0x0], $0xffff;
	_ =	sdelay $0x4  }
0x7e: {  	[tilespmem:v2+s14+$0x0] =	vst.idx.add.f32.msk $0xffff, v1  }
0x7f: {  	v1 =	vld [tilespmem:s23+$0x1070];
	_ =	sdelay $0x4  }
0x80: {  	v2 =	vld [tilespmem:s23+$0x1870];
	_ =	sdelay $0x2  }
0x81: {  	p1 =	sne.s32 s22, $0x1E00;
	v1 =	vld.idx.msk [tilespmem:v1+s12+$0x0], $0xffff  }
.Ltmp4:
0x82: {  	_ = 	snop;
	(pc) =	sbr.rel @p1 .LBB2_10-.Ltmp4, $2  }
0x83: {  	_ =	sdelay $0x2  }
0x84: {  	s22 =	sadd.s32 $0x200, s22;
	[tilespmem:v2+s14+$0x0] =	vst.idx.add.f32.msk $0xffff, v1  }
0x85: {  	s21 =	sadd.s32 $0x1, s21  }
0x86: {  	p1 =	sne.s32 s21, $0x5  }
.Ltmp5:
0x87: {  	_ = 	snop;
	(pc) =	sbr.rel @p1 .LBB2_7-.Ltmp5, $1  }
0x88: {  	_ =	sdelay $0x3  }
0x89: {  	s19 =	sadd.s32 $0x1, s19  }
0x8a: {  	p1 =	sne.s32 s19, s11  }
.Ltmp6:
0x8b: {  	_ = 	snop;
	(pc) =	sbr.rel @p1 .LBB2_1-.Ltmp6, $4  }
0x8c: {  	[hbm4b:s10+s2] =	stream.linear.scatter [tilespmem:s14], [sflag:$0x2], $0x2800, $0x38;
	[tilespmem:$0x7000] =	vst v63  }
0x8d: {  	_ =	swait.ge [sflag:s13], $0x2800  }
0x8e: {  	[sflag:s13] =	ssyncset.done $0x0  }
0x8f: {  	[sflag:s13] =	ssyncadd.s32 $0xFFFFD800  }
0x90: {  	_ =	sfence.sel $0x180000  }
0x91: {  	[bflag:$0x0] =	sbarrier.arrive $0xFFFF  }
0x92: {  	p0 =	sne.s32 s1, $0x0;
	_ =	strace $0x90000053  }
0x93: {  	s0 =	sadd.s32 @!p0 $0x100000, s0;
	[bflag:$0x2] =	sbarrier.arrive $0xFFFF  }
0x94: {  	[sflag:s0] =	ssyncadd.tile.s32 @!p0 $0x1;
	_ =	shalt  }
.Lfunc_end2:
_tile_overlayer_lowered:
.L_overlay_start_2:
0x95: {  	(tag) =	ssettag $0x2  }
0x96: {  	s0 =	rddreg [dreg:$0x0];
	s2 =	stileid.u32  }
0x97: {  	s1 =	rddreg [dreg:$0x1];
	p0 =	sne.s32 s2, $0x0  }
0x98: {  	s3 =	rddreg [dreg:$0x2];
	[bflag:$0x3] =	sbarrier.arrive $0xFFFF;
	s2 =	simm.s32 @!p0 $0x1C02  }
0x99: {  	[timem:s3], [sflag:s2] =	dma.local @!p0 [hbm:s0], s1  }
0x9a: {  	s0 =	simm.s32 @!p0 $0x2  }
0x9b: {  	_ =	swait.ge @!p0 [sflag:s0], s1  }
0x9c: {  	s1 =	ssub.s32 @!p0 $0x0, s1;
	[sflag:s0] =	ssyncset.done @!p0 $0x0  }
0x9d: {  	[sflag:s0] =	ssyncadd.s32 @!p0 s1  }
0x9e: {  	[bflag:$0x3] =	sbarrier.arrive $0xFFFF  }
0x9f: {  	_ =	shalt  }

</sc_bundles>
